<compile_context>
chip_gen: v7x
topology: tpu7x:2x2x1
jax: 0.10.2.dev20260603
libtpu: 0.0.44.dev20260713+nightly
codegen_flags: <defaults>
</compile_context>

<pallas_src>
import functools

import jax
import jax.numpy as jnp
from jax import lax
from jax.experimental import pallas as pl
from jax.experimental.pallas import tpu as pltpu
from jax.experimental.pallas import tpu_sc as plsc

B = 16384
NU = 1000000
D = 64
F = 8
NF = 4
CARD = 10000
H = D + NF * F

NC = 2
NS = 16
NW = NC * NS
BPW = B // NW
FPW = BPW * NF
IC = 128
RPW = BPW // IC
FRPW = FPW // IC

_mesh = plsc.VectorSubcoreMesh(core_axis_name="c", subcore_axis_name="s")


@functools.partial(
    pl.kernel,
    mesh=_mesh,
    out_type=[
        jax.ShapeDtypeStruct((B, D), jnp.float32),
        jax.ShapeDtypeStruct((B, D), jnp.float32),
        jax.ShapeDtypeStruct((B * NF, F), jnp.float32),
        jax.ShapeDtypeStruct((B * NF, F), jnp.float32),
        jax.ShapeDtypeStruct((B,), jnp.float32),
        jax.ShapeDtypeStruct((B,), jnp.float32),
    ],
    scratch_types=[
        pltpu.VMEM((RPW, IC), jnp.int32),
        pltpu.VMEM((RPW, IC), jnp.int32),
        pltpu.VMEM((FRPW, IC), jnp.int32),
        pltpu.VMEM((FRPW, IC), jnp.int32),
        pltpu.VMEM((RPW, IC), jnp.int32),
        pltpu.VMEM((RPW, IC), jnp.int32),
        pltpu.VMEM((BPW,), jnp.int32),
        pltpu.VMEM((BPW,), jnp.int32),
        pltpu.VMEM((BPW, D), jnp.float32),
        pltpu.VMEM((BPW, D), jnp.float32),
        pltpu.VMEM((FPW, F), jnp.float32),
        pltpu.VMEM((FPW, F), jnp.float32),
        pltpu.VMEM((BPW, 16), jnp.float32),
        pltpu.VMEM((BPW, 16), jnp.float32),
        pltpu.VMEM((BPW,), jnp.float32),
        pltpu.VMEM((BPW,), jnp.float32),
        pltpu.SemaphoreType.DMA,
    ],
    compiler_params=pltpu.CompilerParams(use_tc_tiling_on_sc=False,
                                         needs_layout_passes=False),
)
def _sc_gather(uemb, iemb, ub16, ib16, uft, ift,
               uidx_h, iidx_h, ufidx_h, ifidx_h,
               ubrow_h, ibrow_h, ulane_h, ilane_h,
               u_out, i_out, uf_out, if_out, ub_out, ib_out,
               uidx_v, iidx_v, ufidx_v, ifidx_v,
               ubrow_v, ibrow_v, ulane_v, ilane_v,
               urows_v, irows_v, ufr_v, ifr_v,
               ubr16_v, ibr16_v, ubv, ibv, sem):
    wid = lax.axis_index("s") * NC + lax.axis_index("c")
    base = wid * BPW
    fbase = wid * FPW
    pltpu.sync_copy(uidx_h.at[pl.ds(wid * RPW, RPW)], uidx_v)
    pltpu.sync_copy(iidx_h.at[pl.ds(wid * RPW, RPW)], iidx_v)
    pltpu.sync_copy(ufidx_h.at[pl.ds(wid * FRPW, FRPW)], ufidx_v)
    pltpu.sync_copy(ifidx_h.at[pl.ds(wid * FRPW, FRPW)], ifidx_v)
    pltpu.sync_copy(ubrow_h.at[pl.ds(wid * RPW, RPW)], ubrow_v)
    pltpu.sync_copy(ibrow_h.at[pl.ds(wid * RPW, RPW)], ibrow_v)
    pltpu.sync_copy(ulane_h.at[pl.ds(base, BPW)], ulane_v)
    pltpu.sync_copy(ilane_h.at[pl.ds(base, BPW)], ilane_v)
    copies = []
    for j in range(RPW):
        dst = pl.ds(j * IC, IC)
        copies.append(pltpu.async_copy(uemb.at[uidx_v.at[j]], urows_v.at[dst], sem))
        copies.append(pltpu.async_copy(iemb.at[iidx_v.at[j]], irows_v.at[dst], sem))
        copies.append(pltpu.async_copy(ub16.at[ubrow_v.at[j]], ubr16_v.at[dst], sem))
        copies.append(pltpu.async_copy(ib16.at[ibrow_v.at[j]], ibr16_v.at[dst], sem))
    for j in range(FRPW):
        dst = pl.ds(j * IC, IC)
        copies.append(pltpu.async_copy(uft.at[ufidx_v.at[j]], ufr_v.at[dst], sem))
        copies.append(pltpu.async_copy(ift.at[ifidx_v.at[j]], ifr_v.at[dst], sem))
    for c in copies:
        c.wait()
    for k in range(BPW // 16):
        rows = lax.iota(jnp.int32, 16) + k * 16
        ubv[pl.ds(k * 16, 16)] = plsc.load_gather(
            ubr16_v, [rows, ulane_v[pl.ds(k * 16, 16)]])
        ibv[pl.ds(k * 16, 16)] = plsc.load_gather(
            ibr16_v, [rows, ilane_v[pl.ds(k * 16, 16)]])
    pltpu.sync_copy(urows_v, u_out.at[pl.ds(base, BPW)])
    pltpu.sync_copy(irows_v, i_out.at[pl.ds(base, BPW)])
    pltpu.sync_copy(ufr_v, uf_out.at[pl.ds(fbase, FPW)])
    pltpu.sync_copy(ifr_v, if_out.at[pl.ds(fbase, FPW)])
    pltpu.sync_copy(ubv, ub_out.at[pl.ds(base, BPW)])
    pltpu.sync_copy(ibv, ib_out.at[pl.ds(base, BPW)])


BLK = 2048
_PREC = lax.Precision.HIGHEST


def _dense_body(ur, uf, ir, if_r, ub, ib, wue, wuf, bu_r, wie, wif, bi_r, out):
    ufact = (jnp.dot(ur[...], wue[...], preferred_element_type=jnp.float32,
                     precision=_PREC)
             + jnp.dot(uf[...], wuf[...], preferred_element_type=jnp.float32,
                       precision=_PREC)
             + bu_r[...])
    ifact = (jnp.dot(ir[...], wie[...], preferred_element_type=jnp.float32,
                     precision=_PREC)
             + jnp.dot(if_r[...], wif[...], preferred_element_type=jnp.float32,
                       precision=_PREC)
             + bi_r[...])
    out[...] = jnp.sum(ufact * ifact, axis=1, keepdims=True) + ub[...] + ib[...]


def _dense(u_rows, ufeat, i_rows, ifeat, ub, ib, wue, wuf, bu2, wie, wif, bi2):
    fw = NF * F
    return pl.pallas_call(
        _dense_body,
        grid=(B // BLK,),
        in_specs=[
            pl.BlockSpec((BLK, D), lambda i: (i, 0)),
            pl.BlockSpec((BLK, fw), lambda i: (i, 0)),
            pl.BlockSpec((BLK, D), lambda i: (i, 0)),
            pl.BlockSpec((BLK, fw), lambda i: (i, 0)),
            pl.BlockSpec((BLK, 1), lambda i: (i, 0)),
            pl.BlockSpec((BLK, 1), lambda i: (i, 0)),
            pl.BlockSpec((D, H), lambda i: (0, 0)),
            pl.BlockSpec((fw, H), lambda i: (0, 0)),
            pl.BlockSpec((1, H), lambda i: (0, 0)),
            pl.BlockSpec((D, H), lambda i: (0, 0)),
            pl.BlockSpec((fw, H), lambda i: (0, 0)),
            pl.BlockSpec((1, H), lambda i: (0, 0)),
        ],
        out_specs=pl.BlockSpec((BLK, 1), lambda i: (i, 0)),
        out_shape=jax.ShapeDtypeStruct((B, 1), jnp.float32),
    )(u_rows, ufeat, i_rows, ifeat, ub, ib, wue, wuf, bu2, wie, wif, bi2)


def kernel(interactions, users_features, items_features, user_emb, item_emb,
           user_bias, item_bias, uf_tables, if_tables, Wu, bu, Wi, bi):
    uidx = interactions[:, 0].astype(jnp.int32)
    iidx = interactions[:, 1].astype(jnp.int32)
    foff = (jnp.arange(NF, dtype=jnp.int32) * CARD)[None, :]
    ufidx = (users_features.astype(jnp.int32) + foff).reshape(B * NF // IC, IC)
    ifidx = (items_features.astype(jnp.int32) + foff).reshape(B * NF // IC, IC)
    ubrow = (uidx >> 4).reshape(B // IC, IC)
    ibrow = (iidx >> 4).reshape(B // IC, IC)
    ulane = uidx & 15
    ilane = iidx & 15
    nbr = (NU + 16) // 16 * 16
    ub16 = jnp.pad(user_bias.reshape(-1), (0, nbr - (NU + 1))).reshape(-1, 16)
    ib16 = jnp.pad(item_bias.reshape(-1), (0, nbr - (NU + 1))).reshape(-1, 16)
    uidx = uidx.reshape(B // IC, IC)
    iidx = iidx.reshape(B // IC, IC)
    uft = uf_tables.reshape(NF * CARD, F)
    ift = if_tables.reshape(NF * CARD, F)

    u_rows, i_rows, uf_rows, if_rows, ub, ib = _sc_gather(
        user_emb, item_emb, ub16, ib16, uft, ift,
        uidx, iidx, ufidx, ifidx, ubrow, ibrow, ulane, ilane)

    ufeat = uf_rows.reshape(B, NF * F)
    ifeat = if_rows.reshape(B, NF * F)
    yh = _dense(u_rows, ufeat, i_rows, ifeat,
                ub.reshape(B, 1), ib.reshape(B, 1),
                Wu[:, :D].T, Wu[:, D:].T, bu.reshape(1, H),
                Wi[:, :D].T, Wi[:, D:].T, bi.reshape(1, H))
    return yh.reshape(B)

# --- scband reference (transcript-rebuilt; emitter-appended) ---
"""Pipeline reference for scband-nes-37443524887318 (READ-ONLY COPY).

The authoritative reference and input builder live on the scoring server;
editing this copy changes nothing except your own understanding.
"""

import jax, jax.numpy as jnp
import numpy as np

B = 16384
NU = 1000000
NI = 1000000
D = 64
F = 8
NF = 4
CARD = 10000
H = D + NF * F  # 96


def setup_inputs(seed: int = 0) -> dict:
    key = jax.random.key(seed)
    ks = jax.random.split(key, 13)
    interactions = jax.random.randint(ks[0], (B, 2), 0, 1000000, dtype=jnp.int64) if jax.config.jax_enable_x64 else jax.random.randint(ks[0], (B, 2), 0, 1000000, dtype=jnp.int32)
    users_features = jax.random.randint(ks[1], (B, NF), 0, CARD)
    items_features = jax.random.randint(ks[2], (B, NF), 0, CARD)
    user_emb = jax.random.normal(ks[3], (NU + 1, D), jnp.float32) * 0.02
    item_emb = jax.random.normal(ks[4], (NI + 1, D), jnp.float32) * 0.02
    user_bias = jax.random.normal(ks[5], (NU + 1, 1), jnp.float32) * 0.02
    item_bias = jax.random.normal(ks[6], (NI + 1, 1), jnp.float32) * 0.02
    uf_tables = jax.random.normal(ks[7], (NF, CARD, F), jnp.float32) * 0.02
    if_tables = jax.random.normal(ks[8], (NF, CARD, F), jnp.float32) * 0.02
    Wu = jax.random.normal(ks[9], (H, H), jnp.float32) * 0.05
    bu = jnp.zeros((H,), jnp.float32)
    Wi = jax.random.normal(ks[10], (H, H), jnp.float32) * 0.05
    bi = jnp.zeros((H,), jnp.float32)
    return {
        "interactions": interactions,
        "users_features": users_features,
        "items_features": items_features,
        "user_emb": user_emb,
        "item_emb": item_emb,
        "user_bias": user_bias,
        "item_bias": item_bias,
        "uf_tables": uf_tables,
        "if_tables": if_tables,
        "Wu": Wu,
        "bu": bu,
        "Wi": Wi,
        "bi": bi,
    }


def reference(interactions, users_features, items_features, user_emb, item_emb,
              user_bias, item_bias, uf_tables, if_tables, Wu, bu, Wi, bi):
    user = interactions[:, 0]
    item = interactions[:, 1]
    user_factor = jnp.take(user_emb, user, axis=0)
    item_factor = jnp.take(item_emb, item, axis=0)
    # encode_user: per-feature embedding lookups, concatenated
    ufeat = jnp.concatenate(
        [jnp.take(uf_tables[f], users_features[:, f], axis=0) for f in range(NF)], axis=1)
    ifeat = jnp.concatenate(
        [jnp.take(if_tables[f], items_features[:, f], axis=0) for f in range(NF)], axis=1)
    user_factor = jnp.concatenate([user_factor, ufeat], axis=1)
    item_factor = jnp.concatenate([item_factor, ifeat], axis=1)
    # single-layer MLPs (mlp_layers=None -> one Linear H->H, no activation)
    user_factor = user_factor @ Wu.T + bu
    item_factor = item_factor @ Wi.T + bi
    ub = jnp.take(user_bias, user, axis=0).squeeze(-1)
    ib = jnp.take(item_bias, item, axis=0).squeeze(-1)
    # dot similarity
    yhat = jnp.sum(user_factor * item_factor, axis=1) + ub + ib
    return yhat

if __name__ == "__main__":
    import jax
    _d = setup_inputs()
    print(jax.jit(kernel)(*tuple(_d.values())))

</pallas_src>

<mosaic_0001>
#map = affine_map<(d0, d1) -> (0, 0)>
#map1 = affine_map<(d0, d1) -> (0)>
module attributes {stable_mosaic.version = 14 : i64} {
  func.func @_sc_gather(%arg0: i32, %arg1: i32, %arg2: memref<1000001x64xf32, #tpu.memory_space<hbm>>, %arg3: memref<1000001x64xf32, #tpu.memory_space<hbm>>, %arg4: memref<62501x16xf32, #tpu.memory_space<hbm>>, %arg5: memref<62501x16xf32, #tpu.memory_space<hbm>>, %arg6: memref<40000x8xf32, #tpu.memory_space<hbm>>, %arg7: memref<40000x8xf32, #tpu.memory_space<hbm>>, %arg8: memref<128x128xi32, #tpu.memory_space<hbm>>, %arg9: memref<128x128xi32, #tpu.memory_space<hbm>>, %arg10: memref<512x128xi32, #tpu.memory_space<hbm>>, %arg11: memref<512x128xi32, #tpu.memory_space<hbm>>, %arg12: memref<128x128xi32, #tpu.memory_space<hbm>>, %arg13: memref<128x128xi32, #tpu.memory_space<hbm>>, %arg14: memref<16384xi32, #tpu.memory_space<hbm>>, %arg15: memref<16384xi32, #tpu.memory_space<hbm>>, %arg16: memref<16384x64xf32, #tpu.memory_space<hbm>>, %arg17: memref<16384x64xf32, #tpu.memory_space<hbm>>, %arg18: memref<65536x8xf32, #tpu.memory_space<hbm>>, %arg19: memref<65536x8xf32, #tpu.memory_space<hbm>>, %arg20: memref<16384xf32, #tpu.memory_space<hbm>>, %arg21: memref<16384xf32, #tpu.memory_space<hbm>>, %arg22: memref<4x128xi32, #tpu.memory_space<vmem>>, %arg23: memref<4x128xi32, #tpu.memory_space<vmem>>, %arg24: memref<16x128xi32, #tpu.memory_space<vmem>>, %arg25: memref<16x128xi32, #tpu.memory_space<vmem>>, %arg26: memref<4x128xi32, #tpu.memory_space<vmem>>, %arg27: memref<4x128xi32, #tpu.memory_space<vmem>>, %arg28: memref<512xi32, #tpu.memory_space<vmem>>, %arg29: memref<512xi32, #tpu.memory_space<vmem>>, %arg30: memref<512x64xf32, #tpu.memory_space<vmem>>, %arg31: memref<512x64xf32, #tpu.memory_space<vmem>>, %arg32: memref<2048x8xf32, #tpu.memory_space<vmem>>, %arg33: memref<2048x8xf32, #tpu.memory_space<vmem>>, %arg34: memref<512x16xf32, #tpu.memory_space<vmem>>, %arg35: memref<512x16xf32, #tpu.memory_space<vmem>>, %arg36: memref<512xf32, #tpu.memory_space<vmem>>, %arg37: memref<512xf32, #tpu.memory_space<vmem>>, %arg38: memref<!tpu.dma_semaphore, #tpu.memory_space<semaphore_mem>>) attributes {dimension_semantics = [#tpu.dimension_semantics<core_parallel>, #tpu.dimension_semantics<subcore_parallel>], iteration_bounds = array<i64: 2, 16>, scalar_prefetch = 0 : i64, scratch_operands = 17 : i64, tpu.core_type = #tpu.core_type<sc_vector_subcore>, window_params = [{transform_indices = #map}, {transform_indices = #map}, {transform_indices = #map}, {transform_indices = #map}, {transform_indices = #map}, {transform_indices = #map}, {transform_indices = #map}, {transform_indices = #map}, {transform_indices = #map}, {transform_indices = #map}, {transform_indices = #map}, {transform_indices = #map}, {transform_indices = #map1}, {transform_indices = #map1}, {transform_indices = #map}, {transform_indices = #map}, {transform_indices = #map}, {transform_indices = #map}, {transform_indices = #map1}, {transform_indices = #map1}]} {
    %mul3A = arith.constant 2 : i32
    %mul3A_0 = arith.muli %arg1, %mul3A : i32
    %add3A = arith.addi %mul3A_0, %arg0 : i32
    %mul3A_1 = arith.constant 512 : i32
    %mul3A_2 = arith.muli %add3A, %mul3A_1 : i32
    %mul3A_3 = arith.constant 2048 : i32
    %mul3A_4 = arith.muli %add3A, %mul3A_3 : i32
    %mul3A_5 = arith.constant 4 : i32
    %mul3A_6 = arith.muli %add3A, %mul3A_5 : i32
    "tpu.region"() ({
      %run_scoped3A = tpu.sem_alloc : memref<!tpu.dma_semaphore, #tpu.memory_space<semaphore_mem>>
      %dma_start3A_1419 = arith.constant 0 : i32
      %dma_start3A_1420 = tpu.memref_slice %arg8[%mul3A_6, %dma_start3A_1419] : memref<128x128xi32, #tpu.memory_space<hbm>> -> memref<4x128xi32, #tpu.memory_space<hbm>>
      %dma_start3A_1421 = arith.constant 0 : i32
      %dma_start3A_1422 = tpu.memref_slice %arg8[%mul3A_6, %dma_start3A_1421] : memref<128x128xi32, #tpu.memory_space<hbm>> -> memref<4x128xi32, #tpu.memory_space<hbm>>
      tpu.enqueue_dma source(%dma_start3A_1422 : memref<4x128xi32, #tpu.memory_space<hbm>>) target(%arg22 : memref<4x128xi32, #tpu.memory_space<vmem>>) target_semaphore(%run_scoped3A : memref<!tpu.dma_semaphore, #tpu.memory_space<semaphore_mem>>)
      %dma_wait3A_1423 = arith.constant 0 : i32
      %dma_wait3A_1424 = tpu.memref_slice %arg8[%mul3A_6, %dma_wait3A_1423] : memref<128x128xi32, #tpu.memory_space<hbm>> -> memref<4x128xi32, #tpu.memory_space<hbm>>
      %dma_wait3A_1425 = arith.constant 0 : i32
      %dma_wait3A_1426 = tpu.memref_slice %arg8[%mul3A_6, %dma_wait3A_1425] : memref<128x128xi32, #tpu.memory_space<hbm>> -> memref<4x128xi32, #tpu.memory_space<hbm>>
      tpu.wait_dma2 semaphore(%run_scoped3A : memref<!tpu.dma_semaphore, #tpu.memory_space<semaphore_mem>>) src(%dma_wait3A_1426 : memref<4x128xi32, #tpu.memory_space<hbm>>) dst(%arg22 : memref<4x128xi32, #tpu.memory_space<vmem>>)
      tpu.yield
    }) : () -> ()
    %mul3A_7 = arith.constant 4 : i32
    %mul3A_8 = arith.muli %add3A, %mul3A_7 : i32
    "tpu.region"() ({
      %run_scoped3A = tpu.sem_alloc : memref<!tpu.dma_semaphore, #tpu.memory_space<semaphore_mem>>
      %dma_start3A_1419 = arith.constant 0 : i32
      %dma_start3A_1420 = tpu.memref_slice %arg9[%mul3A_8, %dma_start3A_1419] : memref<128x128xi32, #tpu.memory_space<hbm>> -> memref<4x128xi32, #tpu.memory_space<hbm>>
      %dma_start3A_1421 = arith.constant 0 : i32
      %dma_start3A_1422 = tpu.memref_slice %arg9[%mul3A_8, %dma_start3A_1421] : memref<128x128xi32, #tpu.memory_space<hbm>> -> memref<4x128xi32, #tpu.memory_space<hbm>>
      tpu.enqueue_dma source(%dma_start3A_1422 : memref<4x128xi32, #tpu.memory_space<hbm>>) target(%arg23 : memref<4x128xi32, #tpu.memory_space<vmem>>) target_semaphore(%run_scoped3A : memref<!tpu.dma_semaphore, #tpu.memory_space<semaphore_mem>>)
      %dma_wait3A_1423 = arith.constant 0 : i32
      %dma_wait3A_1424 = tpu.memref_slice %arg9[%mul3A_8, %dma_wait3A_1423] : memref<128x128xi32, #tpu.memory_space<hbm>> -> memref<4x128xi32, #tpu.memory_space<hbm>>
      %dma_wait3A_1425 = arith.constant 0 : i32
      %dma_wait3A_1426 = tpu.memref_slice %arg9[%mul3A_8, %dma_wait3A_1425] : memref<128x128xi32, #tpu.memory_space<hbm>> -> memref<4x128xi32, #tpu.memory_space<hbm>>
      tpu.wait_dma2 semaphore(%run_scoped3A : memref<!tpu.dma_semaphore, #tpu.memory_space<semaphore_mem>>) src(%dma_wait3A_1426 : memref<4x128xi32, #tpu.memory_space<hbm>>) dst(%arg23 : memref<4x128xi32, #tpu.memory_space<vmem>>)
      tpu.yield
    }) : () -> ()
    %mul3A_9 = arith.constant 16 : i32
    %mul3A_10 = arith.muli %add3A, %mul3A_9 : i32
    "tpu.region"() ({
      %run_scoped3A = tpu.sem_alloc : memref<!tpu.dma_semaphore, #tpu.memory_space<semaphore_mem>>
      %dma_start3A_1419 = arith.constant 0 : i32
      %dma_start3A_1420 = tpu.memref_slice %arg10[%mul3A_10, %dma_start3A_1419] : memref<512x128xi32, #tpu.memory_space<hbm>> -> memref<16x128xi32, #tpu.memory_space<hbm>>
      %dma_start3A_1421 = arith.constant 0 : i32
      %dma_start3A_1422 = tpu.memref_slice %arg10[%mul3A_10, %dma_start3A_1421] : memref<512x128xi32, #tpu.memory_space<hbm>> -> memref<16x128xi32, #tpu.memory_space<hbm>>
      tpu.enqueue_dma source(%dma_start3A_1422 : memref<16x128xi32, #tpu.memory_space<hbm>>) target(%arg24 : memref<16x128xi32, #tpu.memory_space<vmem>>) target_semaphore(%run_scoped3A : memref<!tpu.dma_semaphore, #tpu.memory_space<semaphore_mem>>)
      %dma_wait3A_1423 = arith.constant 0 : i32
      %dma_wait3A_1424 = tpu.memref_slice %arg10[%mul3A_10, %dma_wait3A_1423] : memref<512x128xi32, #tpu.memory_space<hbm>> -> memref<16x128xi32, #tpu.memory_space<hbm>>
      %dma_wait3A_1425 = arith.constant 0 : i32
      %dma_wait3A_1426 = tpu.memref_slice %arg10[%mul3A_10, %dma_wait3A_1425] : memref<512x128xi32, #tpu.memory_space<hbm>> -> memref<16x128xi32, #tpu.memory_space<hbm>>
      tpu.wait_dma2 semaphore(%run_scoped3A : memref<!tpu.dma_semaphore, #tpu.memory_space<semaphore_mem>>) src(%dma_wait3A_1426 : memref<16x128xi32, #tpu.memory_space<hbm>>) dst(%arg24 : memref<16x128xi32, #tpu.memory_space<vmem>>)
      tpu.yield
    }) : () -> ()
    %mul3A_11 = arith.constant 16 : i32
    %mul3A_12 = arith.muli %add3A, %mul3A_11 : i32
    "tpu.region"() ({
      %run_scoped3A = tpu.sem_alloc : memref<!tpu.dma_semaphore, #tpu.memory_space<semaphore_mem>>
      %dma_start3A_1419 = arith.constant 0 : i32
      %dma_start3A_1420 = tpu.memref_slice %arg11[%mul3A_12, %dma_start3A_1419] : memref<512x128xi32, #tpu.memory_space<hbm>> -> memref<16x128xi32, #tpu.memory_space<hbm>>
      %dma_start3A_1421 = arith.constant 0 : i32
      %dma_start3A_1422 = tpu.memref_slice %arg11[%mul3A_12, %dma_start3A_1421] : memref<512x128xi32, #tpu.memory_space<hbm>> -> memref<16x128xi32, #tpu.memory_space<hbm>>
      tpu.enqueue_dma source(%dma_start3A_1422 : memref<16x128xi32, #tpu.memory_space<hbm>>) target(%arg25 : memref<16x128xi32, #tpu.memory_space<vmem>>) target_semaphore(%run_scoped3A : memref<!tpu.dma_semaphore, #tpu.memory_space<semaphore_mem>>)
      %dma_wait3A_1423 = arith.constant 0 : i32
      %dma_wait3A_1424 = tpu.memref_slice %arg11[%mul3A_12, %dma_wait3A_1423] : memref<512x128xi32, #tpu.memory_space<hbm>> -> memref<16x128xi32, #tpu.memory_space<hbm>>
      %dma_wait3A_1425 = arith.constant 0 : i32
      %dma_wait3A_1426 = tpu.memref_slice %arg11[%mul3A_12, %dma_wait3A_1425] : memref<512x128xi32, #tpu.memory_space<hbm>> -> memref<16x128xi32, #tpu.memory_space<hbm>>
      tpu.wait_dma2 semaphore(%run_scoped3A : memref<!tpu.dma_semaphore, #tpu.memory_space<semaphore_mem>>) src(%dma_wait3A_1426 : memref<16x128xi32, #tpu.memory_space<hbm>>) dst(%arg25 : memref<16x128xi32, #tpu.memory_space<vmem>>)
      tpu.yield
    }) : () -> ()
    %mul3A_13 = arith.constant 4 : i32
    %mul3A_14 = arith.muli %add3A, %mul3A_13 : i32
    "tpu.region"() ({
      %run_scoped3A = tpu.sem_alloc : memref<!tpu.dma_semaphore, #tpu.memory_space<semaphore_mem>>
      %dma_start3A_1419 = arith.constant 0 : i32
      %dma_start3A_1420 = tpu.memref_slice %arg12[%mul3A_14, %dma_start3A_1419] : memref<128x128xi32, #tpu.memory_space<hbm>> -> memref<4x128xi32, #tpu.memory_space<hbm>>
      %dma_start3A_1421 = arith.constant 0 : i32
      %dma_start3A_1422 = tpu.memref_slice %arg12[%mul3A_14, %dma_start3A_1421] : memref<128x128xi32, #tpu.memory_space<hbm>> -> memref<4x128xi32, #tpu.memory_space<hbm>>
      tpu.enqueue_dma source(%dma_start3A_1422 : memref<4x128xi32, #tpu.memory_space<hbm>>) target(%arg26 : memref<4x128xi32, #tpu.memory_space<vmem>>) target_semaphore(%run_scoped3A : memref<!tpu.dma_semaphore, #tpu.memory_space<semaphore_mem>>)
      %dma_wait3A_1423 = arith.constant 0 : i32
      %dma_wait3A_1424 = tpu.memref_slice %arg12[%mul3A_14, %dma_wait3A_1423] : memref<128x128xi32, #tpu.memory_space<hbm>> -> memref<4x128xi32, #tpu.memory_space<hbm>>
      %dma_wait3A_1425 = arith.constant 0 : i32
      %dma_wait3A_1426 = tpu.memref_slice %arg12[%mul3A_14, %dma_wait3A_1425] : memref<128x128xi32, #tpu.memory_space<hbm>> -> memref<4x128xi32, #tpu.memory_space<hbm>>
      tpu.wait_dma2 semaphore(%run_scoped3A : memref<!tpu.dma_semaphore, #tpu.memory_space<semaphore_mem>>) src(%dma_wait3A_1426 : memref<4x128xi32, #tpu.memory_space<hbm>>) dst(%arg26 : memref<4x128xi32, #tpu.memory_space<vmem>>)
      tpu.yield
    }) : () -> ()
    %mul3A_15 = arith.constant 4 : i32
    %mul3A_16 = arith.muli %add3A, %mul3A_15 : i32
    "tpu.region"() ({
      %run_scoped3A = tpu.sem_alloc : memref<!tpu.dma_semaphore, #tpu.memory_space<semaphore_mem>>
      %dma_start3A_1419 = arith.constant 0 : i32
      %dma_start3A_1420 = tpu.memref_slice %arg13[%mul3A_16, %dma_start3A_1419] : memref<128x128xi32, #tpu.memory_space<hbm>> -> memref<4x128xi32, #tpu.memory_space<hbm>>
      %dma_start3A_1421 = arith.constant 0 : i32
      %dma_start3A_1422 = tpu.memref_slice %arg13[%mul3A_16, %dma_start3A_1421] : memref<128x128xi32, #tpu.memory_space<hbm>> -> memref<4x128xi32, #tpu.memory_space<hbm>>
      tpu.enqueue_dma source(%dma_start3A_1422 : memref<4x128xi32, #tpu.memory_space<hbm>>) target(%arg27 : memref<4x128xi32, #tpu.memory_space<vmem>>) target_semaphore(%run_scoped3A : memref<!tpu.dma_semaphore, #tpu.memory_space<semaphore_mem>>)
      %dma_wait3A_1423 = arith.constant 0 : i32
      %dma_wait3A_1424 = tpu.memref_slice %arg13[%mul3A_16, %dma_wait3A_1423] : memref<128x128xi32, #tpu.memory_space<hbm>> -> memref<4x128xi32, #tpu.memory_space<hbm>>
      %dma_wait3A_1425 = arith.constant 0 : i32
      %dma_wait3A_1426 = tpu.memref_slice %arg13[%mul3A_16, %dma_wait3A_1425] : memref<128x128xi32, #tpu.memory_space<hbm>> -> memref<4x128xi32, #tpu.memory_space<hbm>>
      tpu.wait_dma2 semaphore(%run_scoped3A : memref<!tpu.dma_semaphore, #tpu.memory_space<semaphore_mem>>) src(%dma_wait3A_1426 : memref<4x128xi32, #tpu.memory_space<hbm>>) dst(%arg27 : memref<4x128xi32, #tpu.memory_space<vmem>>)
      tpu.yield
    }) : () -> ()
    "tpu.region"() ({
      %run_scoped3A = tpu.sem_alloc : memref<!tpu.dma_semaphore, #tpu.memory_space<semaphore_mem>>
      %dma_start3A_1419 = tpu.memref_slice %arg14[%mul3A_2] : memref<16384xi32, #tpu.memory_space<hbm>> -> memref<512xi32, #tpu.memory_space<hbm>>
      %dma_start3A_1420 = tpu.memref_slice %arg14[%mul3A_2] : memref<16384xi32, #tpu.memory_space<hbm>> -> memref<512xi32, #tpu.memory_space<hbm>>
      tpu.enqueue_dma source(%dma_start3A_1420 : memref<512xi32, #tpu.memory_space<hbm>>) target(%arg28 : memref<512xi32, #tpu.memory_space<vmem>>) target_semaphore(%run_scoped3A : memref<!tpu.dma_semaphore, #tpu.memory_space<semaphore_mem>>)
      %dma_wait3A_1421 = tpu.memref_slice %arg14[%mul3A_2] : memref<16384xi32, #tpu.memory_space<hbm>> -> memref<512xi32, #tpu.memory_space<hbm>>
      %dma_wait3A_1422 = tpu.memref_slice %arg14[%mul3A_2] : memref<16384xi32, #tpu.memory_space<hbm>> -> memref<512xi32, #tpu.memory_space<hbm>>
      tpu.wait_dma2 semaphore(%run_scoped3A : memref<!tpu.dma_semaphore, #tpu.memory_space<semaphore_mem>>) src(%dma_wait3A_1422 : memref<512xi32, #tpu.memory_space<hbm>>) dst(%arg28 : memref<512xi32, #tpu.memory_space<vmem>>)
      tpu.yield
    }) : () -> ()
    "tpu.region"() ({
      %run_scoped3A = tpu.sem_alloc : memref<!tpu.dma_semaphore, #tpu.memory_space<semaphore_mem>>
      %dma_start3A_1419 = tpu.memref_slice %arg15[%mul3A_2] : memref<16384xi32, #tpu.memory_space<hbm>> -> memref<512xi32, #tpu.memory_space<hbm>>
      %dma_start3A_1420 = tpu.memref_slice %arg15[%mul3A_2] : memref<16384xi32, #tpu.memory_space<hbm>> -> memref<512xi32, #tpu.memory_space<hbm>>
      tpu.enqueue_dma source(%dma_start3A_1420 : memref<512xi32, #tpu.memory_space<hbm>>) target(%arg29 : memref<512xi32, #tpu.memory_space<vmem>>) target_semaphore(%run_scoped3A : memref<!tpu.dma_semaphore, #tpu.memory_space<semaphore_mem>>)
      %dma_wait3A_1421 = tpu.memref_slice %arg15[%mul3A_2] : memref<16384xi32, #tpu.memory_space<hbm>> -> memref<512xi32, #tpu.memory_space<hbm>>
      %dma_wait3A_1422 = tpu.memref_slice %arg15[%mul3A_2] : memref<16384xi32, #tpu.memory_space<hbm>> -> memref<512xi32, #tpu.memory_space<hbm>>
      tpu.wait_dma2 semaphore(%run_scoped3A : memref<!tpu.dma_semaphore, #tpu.memory_space<semaphore_mem>>) src(%dma_wait3A_1422 : memref<512xi32, #tpu.memory_space<hbm>>) dst(%arg29 : memref<512xi32, #tpu.memory_space<vmem>>)
      tpu.yield
    }) : () -> ()
    %dma_start3A = arith.constant 0 : i32
    %dma_start3A_17 = arith.constant 0 : i32
    %dma_start3A_18 = arith.constant 0 : i32
    %dma_start3A_19 = tpu.memref_slice %arg30[%dma_start3A_17, %dma_start3A_18] : memref<512x64xf32, #tpu.memory_space<vmem>> -> memref<128x64xf32, #tpu.memory_space<vmem>>
    %dma_start3A_20 = arith.constant 0 : i32
    %dma_start3A_21 = tpu.memref_slice %arg22[%dma_start3A, %dma_start3A_20] : memref<4x128xi32, #tpu.memory_space<vmem>> -> memref<1x128xi32, #tpu.memory_space<vmem>>
    %dma_start3A_22 = tpu.memref_squeeze %dma_start3A_21 : memref<1x128xi32, #tpu.memory_space<vmem>> -> memref<128xi32, #tpu.memory_space<vmem>>
    %dma_start3A_23 = arith.constant 0 : i32
    %dma_start3A_24 = arith.constant 0 : i32
    %dma_start3A_25 = tpu.memref_slice %arg2[%dma_start3A_23, %dma_start3A_24] : memref<1000001x64xf32, #tpu.memory_space<hbm>> -> memref<1000001x64xf32, #tpu.memory_space<hbm>>
    tpu.enqueue_indirect_dma source(%dma_start3A_25 : memref<1000001x64xf32, #tpu.memory_space<hbm>>) target(%dma_start3A_19 : memref<128x64xf32, #tpu.memory_space<vmem>>) offsets(%dma_start3A_22 : memref<128xi32, #tpu.memory_space<vmem>>) semaphore(%arg38 : memref<!tpu.dma_semaphore, #tpu.memory_space<semaphore_mem>>)
    %dma_start3A_26 = arith.constant 0 : i32
    %dma_start3A_27 = arith.constant 0 : i32
    %dma_start3A_28 = arith.constant 0 : i32
    %dma_start3A_29 = tpu.memref_slice %arg31[%dma_start3A_27, %dma_start3A_28] : memref<512x64xf32, #tpu.memory_space<vmem>> -> memref<128x64xf32, #tpu.memory_space<vmem>>
    %dma_start3A_30 = arith.constant 0 : i32
    %dma_start3A_31 = tpu.memref_slice %arg23[%dma_start3A_26, %dma_start3A_30] : memref<4x128xi32, #tpu.memory_space<vmem>> -> memref<1x128xi32, #tpu.memory_space<vmem>>
    %dma_start3A_32 = tpu.memref_squeeze %dma_start3A_31 : memref<1x128xi32, #tpu.memory_space<vmem>> -> memref<128xi32, #tpu.memory_space<vmem>>
    %dma_start3A_33 = arith.constant 0 : i32
    %dma_start3A_34 = arith.constant 0 : i32
    %dma_start3A_35 = tpu.memref_slice %arg3[%dma_start3A_33, %dma_start3A_34] : memref<1000001x64xf32, #tpu.memory_space<hbm>> -> memref<1000001x64xf32, #tpu.memory_space<hbm>>
    tpu.enqueue_indirect_dma source(%dma_start3A_35 : memref<1000001x64xf32, #tpu.memory_space<hbm>>) target(%dma_start3A_29 : memref<128x64xf32, #tpu.memory_space<vmem>>) offsets(%dma_start3A_32 : memref<128xi32, #tpu.memory_space<vmem>>) semaphore(%arg38 : memref<!tpu.dma_semaphore, #tpu.memory_space<semaphore_mem>>)
    %dma_start3A_36 = arith.constant 0 : i32
    %dma_start3A_37 = arith.constant 0 : i32
    %dma_start3A_38 = arith.constant 0 : i32
    %dma_start3A_39 = tpu.memref_slice %arg34[%dma_start3A_37, %dma_start3A_38] : memref<512x16xf32, #tpu.memory_space<vmem>> -> memref<128x16xf32, #tpu.memory_space<vmem>>
    %dma_start3A_40 = arith.constant 0 : i32
    %dma_start3A_41 = tpu.memref_slice %arg26[%dma_start3A_36, %dma_start3A_40] : memref<4x128xi32, #tpu.memory_space<vmem>> -> memref<1x128xi32, #tpu.memory_space<vmem>>
    %dma_start3A_42 = tpu.memref_squeeze %dma_start3A_41 : memref<1x128xi32, #tpu.memory_space<vmem>> -> memref<128xi32, #tpu.memory_space<vmem>>
    %dma_start3A_43 = arith.constant 0 : i32
    %dma_start3A_44 = arith.constant 0 : i32
    %dma_start3A_45 = tpu.memref_slice %arg4[%dma_start3A_43, %dma_start3A_44] : memref<62501x16xf32, #tpu.memory_space<hbm>> -> memref<62501x16xf32, #tpu.memory_space<hbm>>
    tpu.enqueue_indirect_dma source(%dma_start3A_45 : memref<62501x16xf32, #tpu.memory_space<hbm>>) target(%dma_start3A_39 : memref<128x16xf32, #tpu.memory_space<vmem>>) offsets(%dma_start3A_42 : memref<128xi32, #tpu.memory_space<vmem>>) semaphore(%arg38 : memref<!tpu.dma_semaphore, #tpu.memory_space<semaphore_mem>>)
    %dma_start3A_46 = arith.constant 0 : i32
    %dma_start3A_47 = arith.constant 0 : i32
    %dma_start3A_48 = arith.constant 0 : i32
    %dma_start3A_49 = tpu.memref_slice %arg35[%dma_start3A_47, %dma_start3A_48] : memref<512x16xf32, #tpu.memory_space<vmem>> -> memref<128x16xf32, #tpu.memory_space<vmem>>
    %dma_start3A_50 = arith.constant 0 : i32
    %dma_start3A_51 = tpu.memref_slice %arg27[%dma_start3A_46, %dma_start3A_50] : memref<4x128xi32, #tpu.memory_space<vmem>> -> memref<1x128xi32, #tpu.memory_space<vmem>>
    %dma_start3A_52 = tpu.memref_squeeze %dma_start3A_51 : memref<1x128xi32, #tpu.memory_space<vmem>> -> memref<128xi32, #tpu.memory_space<vmem>>
    %dma_start3A_53 = arith.constant 0 : i32
    %dma_start3A_54 = arith.constant 0 : i32
    %dma_start3A_55 = tpu.memref_slice %arg5[%dma_start3A_53, %dma_start3A_54] : memref<62501x16xf32, #tpu.memory_space<hbm>> -> memref<62501x16xf32, #tpu.memory_space<hbm>>
    tpu.enqueue_indirect_dma source(%dma_start3A_55 : memref<62501x16xf32, #tpu.memory_space<hbm>>) target(%dma_start3A_49 : memref<128x16xf32, #tpu.memory_space<vmem>>) offsets(%dma_start3A_52 : memref<128xi32, #tpu.memory_space<vmem>>) semaphore(%arg38 : memref<!tpu.dma_semaphore, #tpu.memory_space<semaphore_mem>>)
    %dma_start3A_56 = arith.constant 1 : i32
    %dma_start3A_57 = arith.constant 128 : i32
    %dma_start3A_58 = arith.constant 0 : i32
    %dma_start3A_59 = tpu.memref_slice %arg30[%dma_start3A_57, %dma_start3A_58] : memref<512x64xf32, #tpu.memory_space<vmem>> -> memref<128x64xf32, #tpu.memory_space<vmem>>
    %dma_start3A_60 = arith.constant 0 : i32
    %dma_start3A_61 = tpu.memref_slice %arg22[%dma_start3A_56, %dma_start3A_60] : memref<4x128xi32, #tpu.memory_space<vmem>> -> memref<1x128xi32, #tpu.memory_space<vmem>>
    %dma_start3A_62 = tpu.memref_squeeze %dma_start3A_61 : memref<1x128xi32, #tpu.memory_space<vmem>> -> memref<128xi32, #tpu.memory_space<vmem>>
    %dma_start3A_63 = arith.constant 0 : i32
    %dma_start3A_64 = arith.constant 0 : i32
    %dma_start3A_65 = tpu.memref_slice %arg2[%dma_start3A_63, %dma_start3A_64] : memref<1000001x64xf32, #tpu.memory_space<hbm>> -> memref<1000001x64xf32, #tpu.memory_space<hbm>>
    tpu.enqueue_indirect_dma source(%dma_start3A_65 : memref<1000001x64xf32, #tpu.memory_space<hbm>>) target(%dma_start3A_59 : memref<128x64xf32, #tpu.memory_space<vmem>>) offsets(%dma_start3A_62 : memref<128xi32, #tpu.memory_space<vmem>>) semaphore(%arg38 : memref<!tpu.dma_semaphore, #tpu.memory_space<semaphore_mem>>)
    %dma_start3A_66 = arith.constant 1 : i32
    %dma_start3A_67 = arith.constant 128 : i32
    %dma_start3A_68 = arith.constant 0 : i32
    %dma_start3A_69 = tpu.memref_slice %arg31[%dma_start3A_67, %dma_start3A_68] : memref<512x64xf32, #tpu.memory_space<vmem>> -> memref<128x64xf32, #tpu.memory_space<vmem>>
    %dma_start3A_70 = arith.constant 0 : i32
    %dma_start3A_71 = tpu.memref_slice %arg23[%dma_start3A_66, %dma_start3A_70] : memref<4x128xi32, #tpu.memory_space<vmem>> -> memref<1x128xi32, #tpu.memory_space<vmem>>
    %dma_start3A_72 = tpu.memref_squeeze %dma_start3A_71 : memref<1x128xi32, #tpu.memory_space<vmem>> -> memref<128xi32, #tpu.memory_space<vmem>>
    %dma_start3A_73 = arith.constant 0 : i32
    %dma_start3A_74 = arith.constant 0 : i32
    %dma_start3A_75 = tpu.memref_slice %arg3[%dma_start3A_73, %dma_start3A_74] : memref<1000001x64xf32, #tpu.memory_space<hbm>> -> memref<1000001x64xf32, #tpu.memory_space<hbm>>
    tpu.enqueue_indirect_dma source(%dma_start3A_75 : memref<1000001x64xf32, #tpu.memory_space<hbm>>) target(%dma_start3A_69 : memref<128x64xf32, #tpu.memory_space<vmem>>) offsets(%dma_start3A_72 : memref<128xi32, #tpu.memory_space<vmem>>) semaphore(%arg38 : memref<!tpu.dma_semaphore, #tpu.memory_space<semaphore_mem>>)
    %dma_start3A_76 = arith.constant 1 : i32
    %dma_start3A_77 = arith.constant 128 : i32
    %dma_start3A_78 = arith.constant 0 : i32
    %dma_start3A_79 = tpu.memref_slice %arg34[%dma_start3A_77, %dma_start3A_78] : memref<512x16xf32, #tpu.memory_space<vmem>> -> memref<128x16xf32, #tpu.memory_space<vmem>>
    %dma_start3A_80 = arith.constant 0 : i32
    %dma_start3A_81 = tpu.memref_slice %arg26[%dma_start3A_76, %dma_start3A_80] : memref<4x128xi32, #tpu.memory_space<vmem>> -> memref<1x128xi32, #tpu.memory_space<vmem>>
    %dma_start3A_82 = tpu.memref_squeeze %dma_start3A_81 : memref<1x128xi32, #tpu.memory_space<vmem>> -> memref<128xi32, #tpu.memory_space<vmem>>
    %dma_start3A_83 = arith.constant 0 : i32
    %dma_start3A_84 = arith.constant 0 : i32
    %dma_start3A_85 = tpu.memref_slice %arg4[%dma_start3A_83, %dma_start3A_84] : memref<62501x16xf32, #tpu.memory_space<hbm>> -> memref<62501x16xf32, #tpu.memory_space<hbm>>
    tpu.enqueue_indirect_dma source(%dma_start3A_85 : memref<62501x16xf32, #tpu.memory_space<hbm>>) target(%dma_start3A_79 : memref<128x16xf32, #tpu.memory_space<vmem>>) offsets(%dma_start3A_82 : memref<128xi32, #tpu.memory_space<vmem>>) semaphore(%arg38 : memref<!tpu.dma_semaphore, #tpu.memory_space<semaphore_mem>>)
    %dma_start3A_86 = arith.constant 1 : i32
    %dma_start3A_87 = arith.constant 128 : i32
    %dma_start3A_88 = arith.constant 0 : i32
    %dma_start3A_89 = tpu.memref_slice %arg35[%dma_start3A_87, %dma_start3A_88] : memref<512x16xf32, #tpu.memory_space<vmem>> -> memref<128x16xf32, #tpu.memory_space<vmem>>
    %dma_start3A_90 = arith.constant 0 : i32
    %dma_start3A_91 = tpu.memref_slice %arg27[%dma_start3A_86, %dma_start3A_90] : memref<4x128xi32, #tpu.memory_space<vmem>> -> memref<1x128xi32, #tpu.memory_space<vmem>>
    %dma_start3A_92 = tpu.memref_squeeze %dma_start3A_91 : memref<1x128xi32, #tpu.memory_space<vmem>> -> memref<128xi32, #tpu.memory_space<vmem>>
    %dma_start3A_93 = arith.constant 0 : i32
    %dma_start3A_94 = arith.constant 0 : i32
    %dma_start3A_95 = tpu.memref_slice %arg5[%dma_start3A_93, %dma_start3A_94] : memref<62501x16xf32, #tpu.memory_space<hbm>> -> memref<62501x16xf32, #tpu.memory_space<hbm>>
    tpu.enqueue_indirect_dma source(%dma_start3A_95 : memref<62501x16xf32, #tpu.memory_space<hbm>>) target(%dma_start3A_89 : memref<128x16xf32, #tpu.memory_space<vmem>>) offsets(%dma_start3A_92 : memref<128xi32, #tpu.memory_space<vmem>>) semaphore(%arg38 : memref<!tpu.dma_semaphore, #tpu.memory_space<semaphore_mem>>)
    %dma_start3A_96 = arith.constant 2 : i32
    %dma_start3A_97 = arith.constant 256 : i32
    %dma_start3A_98 = arith.constant 0 : i32
    %dma_start3A_99 = tpu.memref_slice %arg30[%dma_start3A_97, %dma_start3A_98] : memref<512x64xf32, #tpu.memory_space<vmem>> -> memref<128x64xf32, #tpu.memory_space<vmem>>
    %dma_start3A_100 = arith.constant 0 : i32
    %dma_start3A_101 = tpu.memref_slice %arg22[%dma_start3A_96, %dma_start3A_100] : memref<4x128xi32, #tpu.memory_space<vmem>> -> memref<1x128xi32, #tpu.memory_space<vmem>>
    %dma_start3A_102 = tpu.memref_squeeze %dma_start3A_101 : memref<1x128xi32, #tpu.memory_space<vmem>> -> memref<128xi32, #tpu.memory_space<vmem>>
    %dma_start3A_103 = arith.constant 0 : i32
    %dma_start3A_104 = arith.constant 0 : i32
    %dma_start3A_105 = tpu.memref_slice %arg2[%dma_start3A_103, %dma_start3A_104] : memref<1000001x64xf32, #tpu.memory_space<hbm>> -> memref<1000001x64xf32, #tpu.memory_space<hbm>>
    tpu.enqueue_indirect_dma source(%dma_start3A_105 : memref<1000001x64xf32, #tpu.memory_space<hbm>>) target(%dma_start3A_99 : memref<128x64xf32, #tpu.memory_space<vmem>>) offsets(%dma_start3A_102 : memref<128xi32, #tpu.memory_space<vmem>>) semaphore(%arg38 : memref<!tpu.dma_semaphore, #tpu.memory_space<semaphore_mem>>)
    %dma_start3A_106 = arith.constant 2 : i32
    %dma_start3A_107 = arith.constant 256 : i32
    %dma_start3A_108 = arith.constant 0 : i32
    %dma_start3A_109 = tpu.memref_slice %arg31[%dma_start3A_107, %dma_start3A_108] : memref<512x64xf32, #tpu.memory_space<vmem>> -> memref<128x64xf32, #tpu.memory_space<vmem>>
    %dma_start3A_110 = arith.constant 0 : i32
    %dma_start3A_111 = tpu.memref_slice %arg23[%dma_start3A_106, %dma_start3A_110] : memref<4x128xi32, #tpu.memory_space<vmem>> -> memref<1x128xi32, #tpu.memory_space<vmem>>
    %dma_start3A_112 = tpu.memref_squeeze %dma_start3A_111 : memref<1x128xi32, #tpu.memory_space<vmem>> -> memref<128xi32, #tpu.memory_space<vmem>>
    %dma_start3A_113 = arith.constant 0 : i32
    %dma_start3A_114 = arith.constant 0 : i32
    %dma_start3A_115 = tpu.memref_slice %arg3[%dma_start3A_113, %dma_start3A_114] : memref<1000001x64xf32, #tpu.memory_space<hbm>> -> memref<1000001x64xf32, #tpu.memory_space<hbm>>
    tpu.enqueue_indirect_dma source(%dma_start3A_115 : memref<1000001x64xf32, #tpu.memory_space<hbm>>) target(%dma_start3A_109 : memref<128x64xf32, #tpu.memory_space<vmem>>) offsets(%dma_start3A_112 : memref<128xi32, #tpu.memory_space<vmem>>) semaphore(%arg38 : memref<!tpu.dma_semaphore, #tpu.memory_space<semaphore_mem>>)
    %dma_start3A_116 = arith.constant 2 : i32
    %dma_start3A_117 = arith.constant 256 : i32
    %dma_start3A_118 = arith.constant 0 : i32
    %dma_start3A_119 = tpu.memref_slice %arg34[%dma_start3A_117, %dma_start3A_118] : memref<512x16xf32, #tpu.memory_space<vmem>> -> memref<128x16xf32, #tpu.memory_space<vmem>>
    %dma_start3A_120 = arith.constant 0 : i32
    %dma_start3A_121 = tpu.memref_slice %arg26[%dma_start3A_116, %dma_start3A_120] : memref<4x128xi32, #tpu.memory_space<vmem>> -> memref<1x128xi32, #tpu.memory_space<vmem>>
    %dma_start3A_122 = tpu.memref_squeeze %dma_start3A_121 : memref<1x128xi32, #tpu.memory_space<vmem>> -> memref<128xi32, #tpu.memory_space<vmem>>
    %dma_start3A_123 = arith.constant 0 : i32
    %dma_start3A_124 = arith.constant 0 : i32
    %dma_start3A_125 = tpu.memref_slice %arg4[%dma_start3A_123, %dma_start3A_124] : memref<62501x16xf32, #tpu.memory_space<hbm>> -> memref<62501x16xf32, #tpu.memory_space<hbm>>
    tpu.enqueue_indirect_dma source(%dma_start3A_125 : memref<62501x16xf32, #tpu.memory_space<hbm>>) target(%dma_start3A_119 : memref<128x16xf32, #tpu.memory_space<vmem>>) offsets(%dma_start3A_122 : memref<128xi32, #tpu.memory_space<vmem>>) semaphore(%arg38 : memref<!tpu.dma_semaphore, #tpu.memory_space<semaphore_mem>>)
    %dma_start3A_126 = arith.constant 2 : i32
    %dma_start3A_127 = arith.constant 256 : i32
    %dma_start3A_128 = arith.constant 0 : i32
    %dma_start3A_129 = tpu.memref_slice %arg35[%dma_start3A_127, %dma_start3A_128] : memref<512x16xf32, #tpu.memory_space<vmem>> -> memref<128x16xf32, #tpu.memory_space<vmem>>
    %dma_start3A_130 = arith.constant 0 : i32
    %dma_start3A_131 = tpu.memref_slice %arg27[%dma_start3A_126, %dma_start3A_130] : memref<4x128xi32, #tpu.memory_space<vmem>> -> memref<1x128xi32, #tpu.memory_space<vmem>>
    %dma_start3A_132 = tpu.memref_squeeze %dma_start3A_131 : memref<1x128xi32, #tpu.memory_space<vmem>> -> memref<128xi32, #tpu.memory_space<vmem>>
    %dma_start3A_133 = arith.constant 0 : i32
    %dma_start3A_134 = arith.constant 0 : i32
    %dma_start3A_135 = tpu.memref_slice %arg5[%dma_start3A_133, %dma_start3A_134] : memref<62501x16xf32, #tpu.memory_space<hbm>> -> memref<62501x16xf32, #tpu.memory_space<hbm>>
    tpu.enqueue_indirect_dma source(%dma_start3A_135 : memref<62501x16xf32, #tpu.memory_space<hbm>>) target(%dma_start3A_129 : memref<128x16xf32, #tpu.memory_space<vmem>>) offsets(%dma_start3A_132 : memref<128xi32, #tpu.memory_space<vmem>>) semaphore(%arg38 : memref<!tpu.dma_semaphore, #tpu.memory_space<semaphore_mem>>)
    %dma_start3A_136 = arith.constant 3 : i32
    %dma_start3A_137 = arith.constant 384 : i32
    %dma_start3A_138 = arith.constant 0 : i32
    %dma_start3A_139 = tpu.memref_slice %arg30[%dma_start3A_137, %dma_start3A_138] : memref<512x64xf32, #tpu.memory_space<vmem>> -> memref<128x64xf32, #tpu.memory_space<vmem>>
    %dma_start3A_140 = arith.constant 0 : i32
    %dma_start3A_141 = tpu.memref_slice %arg22[%dma_start3A_136, %dma_start3A_140] : memref<4x128xi32, #tpu.memory_space<vmem>> -> memref<1x128xi32, #tpu.memory_space<vmem>>
    %dma_start3A_142 = tpu.memref_squeeze %dma_start3A_141 : memref<1x128xi32, #tpu.memory_space<vmem>> -> memref<128xi32, #tpu.memory_space<vmem>>
    %dma_start3A_143 = arith.constant 0 : i32
    %dma_start3A_144 = arith.constant 0 : i32
    %dma_start3A_145 = tpu.memref_slice %arg2[%dma_start3A_143, %dma_start3A_144] : memref<1000001x64xf32, #tpu.memory_space<hbm>> -> memref<1000001x64xf32, #tpu.memory_space<hbm>>
    tpu.enqueue_indirect_dma source(%dma_start3A_145 : memref<1000001x64xf32, #tpu.memory_space<hbm>>) target(%dma_start3A_139 : memref<128x64xf32, #tpu.memory_space<vmem>>) offsets(%dma_start3A_142 : memref<128xi32, #tpu.memory_space<vmem>>) semaphore(%arg38 : memref<!tpu.dma_semaphore, #tpu.memory_space<semaphore_mem>>)
    %dma_start3A_146 = arith.constant 3 : i32
    %dma_start3A_147 = arith.constant 384 : i32
    %dma_start3A_148 = arith.constant 0 : i32
    %dma_start3A_149 = tpu.memref_slice %arg31[%dma_start3A_147, %dma_start3A_148] : memref<512x64xf32, #tpu.memory_space<vmem>> -> memref<128x64xf32, #tpu.memory_space<vmem>>
    %dma_start3A_150 = arith.constant 0 : i32
    %dma_start3A_151 = tpu.memref_slice %arg23[%dma_start3A_146, %dma_start3A_150] : memref<4x128xi32, #tpu.memory_space<vmem>> -> memref<1x128xi32, #tpu.memory_space<vmem>>
    %dma_start3A_152 = tpu.memref_squeeze %dma_start3A_151 : memref<1x128xi32, #tpu.memory_space<vmem>> -> memref<128xi32, #tpu.memory_space<vmem>>
    %dma_start3A_153 = arith.constant 0 : i32
    %dma_start3A_154 = arith.constant 0 : i32
    %dma_start3A_155 = tpu.memref_slice %arg3[%dma_start3A_153, %dma_start3A_154] : memref<1000001x64xf32, #tpu.memory_space<hbm>> -> memref<1000001x64xf32, #tpu.memory_space<hbm>>
    tpu.enqueue_indirect_dma source(%dma_start3A_155 : memref<1000001x64xf32, #tpu.memory_space<hbm>>) target(%dma_start3A_149 : memref<128x64xf32, #tpu.memory_space<vmem>>) offsets(%dma_start3A_152 : memref<128xi32, #tpu.memory_space<vmem>>) semaphore(%arg38 : memref<!tpu.dma_semaphore, #tpu.memory_space<semaphore_mem>>)
    %dma_start3A_156 = arith.constant 3 : i32
    %dma_start3A_157 = arith.constant 384 : i32
    %dma_start3A_158 = arith.constant 0 : i32
    %dma_start3A_159 = tpu.memref_slice %arg34[%dma_start3A_157, %dma_start3A_158] : memref<512x16xf32, #tpu.memory_space<vmem>> -> memref<128x16xf32, #tpu.memory_space<vmem>>
    %dma_start3A_160 = arith.constant 0 : i32
    %dma_start3A_161 = tpu.memref_slice %arg26[%dma_start3A_156, %dma_start3A_160] : memref<4x128xi32, #tpu.memory_space<vmem>> -> memref<1x128xi32, #tpu.memory_space<vmem>>
    %dma_start3A_162 = tpu.memref_squeeze %dma_start3A_161 : memref<1x128xi32, #tpu.memory_space<vmem>> -> memref<128xi32, #tpu.memory_space<vmem>>
    %dma_start3A_163 = arith.constant 0 : i32
    %dma_start3A_164 = arith.constant 0 : i32
    %dma_start3A_165 = tpu.memref_slice %arg4[%dma_start3A_163, %dma_start3A_164] : memref<62501x16xf32, #tpu.memory_space<hbm>> -> memref<62501x16xf32, #tpu.memory_space<hbm>>
    tpu.enqueue_indirect_dma source(%dma_start3A_165 : memref<62501x16xf32, #tpu.memory_space<hbm>>) target(%dma_start3A_159 : memref<128x16xf32, #tpu.memory_space<vmem>>) offsets(%dma_start3A_162 : memref<128xi32, #tpu.memory_space<vmem>>) semaphore(%arg38 : memref<!tpu.dma_semaphore, #tpu.memory_space<semaphore_mem>>)
    %dma_start3A_166 = arith.constant 3 : i32
    %dma_start3A_167 = arith.constant 384 : i32
    %dma_start3A_168 = arith.constant 0 : i32
    %dma_start3A_169 = tpu.memref_slice %arg35[%dma_start3A_167, %dma_start3A_168] : memref<512x16xf32, #tpu.memory_space<vmem>> -> memref<128x16xf32, #tpu.memory_space<vmem>>
    %dma_start3A_170 = arith.constant 0 : i32
    %dma_start3A_171 = tpu.memref_slice %arg27[%dma_start3A_166, %dma_start3A_170] : memref<4x128xi32, #tpu.memory_space<vmem>> -> memref<1x128xi32, #tpu.memory_space<vmem>>
    %dma_start3A_172 = tpu.memref_squeeze %dma_start3A_171 : memref<1x128xi32, #tpu.memory_space<vmem>> -> memref<128xi32, #tpu.memory_space<vmem>>
    %dma_start3A_173 = arith.constant 0 : i32
    %dma_start3A_174 = arith.constant 0 : i32
    %dma_start3A_175 = tpu.memref_slice %arg5[%dma_start3A_173, %dma_start3A_174] : memref<62501x16xf32, #tpu.memory_space<hbm>> -> memref<62501x16xf32, #tpu.memory_space<hbm>>
    tpu.enqueue_indirect_dma source(%dma_start3A_175 : memref<62501x16xf32, #tpu.memory_space<hbm>>) target(%dma_start3A_169 : memref<128x16xf32, #tpu.memory_space<vmem>>) offsets(%dma_start3A_172 : memref<128xi32, #tpu.memory_space<vmem>>) semaphore(%arg38 : memref<!tpu.dma_semaphore, #tpu.memory_space<semaphore_mem>>)
    %dma_start3A_176 = arith.constant 0 : i32
    %dma_start3A_177 = arith.constant 0 : i32
    %dma_start3A_178 = arith.constant 0 : i32
    %dma_start3A_179 = tpu.memref_slice %arg32[%dma_start3A_177, %dma_start3A_178] : memref<2048x8xf32, #tpu.memory_space<vmem>> -> memref<128x8xf32, #tpu.memory_space<vmem>>
    %dma_start3A_180 = arith.constant 0 : i32
    %dma_start3A_181 = tpu.memref_slice %arg24[%dma_start3A_176, %dma_start3A_180] : memref<16x128xi32, #tpu.memory_space<vmem>> -> memref<1x128xi32, #tpu.memory_space<vmem>>
    %dma_start3A_182 = tpu.memref_squeeze %dma_start3A_181 : memref<1x128xi32, #tpu.memory_space<vmem>> -> memref<128xi32, #tpu.memory_space<vmem>>
    %dma_start3A_183 = arith.constant 0 : i32
    %dma_start3A_184 = arith.constant 0 : i32
    %dma_start3A_185 = tpu.memref_slice %arg6[%dma_start3A_183, %dma_start3A_184] : memref<40000x8xf32, #tpu.memory_space<hbm>> -> memref<40000x8xf32, #tpu.memory_space<hbm>>
    tpu.enqueue_indirect_dma source(%dma_start3A_185 : memref<40000x8xf32, #tpu.memory_space<hbm>>) target(%dma_start3A_179 : memref<128x8xf32, #tpu.memory_space<vmem>>) offsets(%dma_start3A_182 : memref<128xi32, #tpu.memory_space<vmem>>) semaphore(%arg38 : memref<!tpu.dma_semaphore, #tpu.memory_space<semaphore_mem>>)
    %dma_start3A_186 = arith.constant 0 : i32
    %dma_start3A_187 = arith.constant 0 : i32
    %dma_start3A_188 = arith.constant 0 : i32
    %dma_start3A_189 = tpu.memref_slice %arg33[%dma_start3A_187, %dma_start3A_188] : memref<2048x8xf32, #tpu.memory_space<vmem>> -> memref<128x8xf32, #tpu.memory_space<vmem>>
    %dma_start3A_190 = arith.constant 0 : i32
    %dma_start3A_191 = tpu.memref_slice %arg25[%dma_start3A_186, %dma_start3A_190] : memref<16x128xi32, #tpu.memory_space<vmem>> -> memref<1x128xi32, #tpu.memory_space<vmem>>
    %dma_start3A_192 = tpu.memref_squeeze %dma_start3A_191 : memref<1x128xi32, #tpu.memory_space<vmem>> -> memref<128xi32, #tpu.memory_space<vmem>>
    %dma_start3A_193 = arith.constant 0 : i32
    %dma_start3A_194 = arith.constant 0 : i32
    %dma_start3A_195 = tpu.memref_slice %arg7[%dma_start3A_193, %dma_start3A_194] : memref<40000x8xf32, #tpu.memory_space<hbm>> -> memref<40000x8xf32, #tpu.memory_space<hbm>>
    tpu.enqueue_indirect_dma source(%dma_start3A_195 : memref<40000x8xf32, #tpu.memory_space<hbm>>) target(%dma_start3A_189 : memref<128x8xf32, #tpu.memory_space<vmem>>) offsets(%dma_start3A_192 : memref<128xi32, #tpu.memory_space<vmem>>) semaphore(%arg38 : memref<!tpu.dma_semaphore, #tpu.memory_space<semaphore_mem>>)
    %dma_start3A_196 = arith.constant 1 : i32
    %dma_start3A_197 = arith.constant 128 : i32
    %dma_start3A_198 = arith.constant 0 : i32
    %dma_start3A_199 = tpu.memref_slice %arg32[%dma_start3A_197, %dma_start3A_198] : memref<2048x8xf32, #tpu.memory_space<vmem>> -> memref<128x8xf32, #tpu.memory_space<vmem>>
    %dma_start3A_200 = arith.constant 0 : i32
    %dma_start3A_201 = tpu.memref_slice %arg24[%dma_start3A_196, %dma_start3A_200] : memref<16x128xi32, #tpu.memory_space<vmem>> -> memref<1x128xi32, #tpu.memory_space<vmem>>
    %dma_start3A_202 = tpu.memref_squeeze %dma_start3A_201 : memref<1x128xi32, #tpu.memory_space<vmem>> -> memref<128xi32, #tpu.memory_space<vmem>>
    %dma_start3A_203 = arith.constant 0 : i32
    %dma_start3A_204 = arith.constant 0 : i32
    %dma_start3A_205 = tpu.memref_slice %arg6[%dma_start3A_203, %dma_start3A_204] : memref<40000x8xf32, #tpu.memory_space<hbm>> -> memref<40000x8xf32, #tpu.memory_space<hbm>>
    tpu.enqueue_indirect_dma source(%dma_start3A_205 : memref<40000x8xf32, #tpu.memory_space<hbm>>) target(%dma_start3A_199 : memref<128x8xf32, #tpu.memory_space<vmem>>) offsets(%dma_start3A_202 : memref<128xi32, #tpu.memory_space<vmem>>) semaphore(%arg38 : memref<!tpu.dma_semaphore, #tpu.memory_space<semaphore_mem>>)
    %dma_start3A_206 = arith.constant 1 : i32
    %dma_start3A_207 = arith.constant 128 : i32
    %dma_start3A_208 = arith.constant 0 : i32
    %dma_start3A_209 = tpu.memref_slice %arg33[%dma_start3A_207, %dma_start3A_208] : memref<2048x8xf32, #tpu.memory_space<vmem>> -> memref<128x8xf32, #tpu.memory_space<vmem>>
    %dma_start3A_210 = arith.constant 0 : i32
    %dma_start3A_211 = tpu.memref_slice %arg25[%dma_start3A_206, %dma_start3A_210] : memref<16x128xi32, #tpu.memory_space<vmem>> -> memref<1x128xi32, #tpu.memory_space<vmem>>
    %dma_start3A_212 = tpu.memref_squeeze %dma_start3A_211 : memref<1x128xi32, #tpu.memory_space<vmem>> -> memref<128xi32, #tpu.memory_space<vmem>>
    %dma_start3A_213 = arith.constant 0 : i32
    %dma_start3A_214 = arith.constant 0 : i32
    %dma_start3A_215 = tpu.memref_slice %arg7[%dma_start3A_213, %dma_start3A_214] : memref<40000x8xf32, #tpu.memory_space<hbm>> -> memref<40000x8xf32, #tpu.memory_space<hbm>>
    tpu.enqueue_indirect_dma source(%dma_start3A_215 : memref<40000x8xf32, #tpu.memory_space<hbm>>) target(%dma_start3A_209 : memref<128x8xf32, #tpu.memory_space<vmem>>) offsets(%dma_start3A_212 : memref<128xi32, #tpu.memory_space<vmem>>) semaphore(%arg38 : memref<!tpu.dma_semaphore, #tpu.memory_space<semaphore_mem>>)
    %dma_start3A_216 = arith.constant 2 : i32
    %dma_start3A_217 = arith.constant 256 : i32
    %dma_start3A_218 = arith.constant 0 : i32
    %dma_start3A_219 = tpu.memref_slice %arg32[%dma_start3A_217, %dma_start3A_218] : memref<2048x8xf32, #tpu.memory_space<vmem>> -> memref<128x8xf32, #tpu.memory_space<vmem>>
    %dma_start3A_220 = arith.constant 0 : i32
    %dma_start3A_221 = tpu.memref_slice %arg24[%dma_start3A_216, %dma_start3A_220] : memref<16x128xi32, #tpu.memory_space<vmem>> -> memref<1x128xi32, #tpu.memory_space<vmem>>
    %dma_start3A_222 = tpu.memref_squeeze %dma_start3A_221 : memref<1x128xi32, #tpu.memory_space<vmem>> -> memref<128xi32, #tpu.memory_space<vmem>>
    %dma_start3A_223 = arith.constant 0 : i32
    %dma_start3A_224 = arith.constant 0 : i32
    %dma_start3A_225 = tpu.memref_slice %arg6[%dma_start3A_223, %dma_start3A_224] : memref<40000x8xf32, #tpu.memory_space<hbm>> -> memref<40000x8xf32, #tpu.memory_space<hbm>>
    tpu.enqueue_indirect_dma source(%dma_start3A_225 : memref<40000x8xf32, #tpu.memory_space<hbm>>) target(%dma_start3A_219 : memref<128x8xf32, #tpu.memory_space<vmem>>) offsets(%dma_start3A_222 : memref<128xi32, #tpu.memory_space<vmem>>) semaphore(%arg38 : memref<!tpu.dma_semaphore, #tpu.memory_space<semaphore_mem>>)
    %dma_start3A_226 = arith.constant 2 : i32
    %dma_start3A_227 = arith.constant 256 : i32
    %dma_start3A_228 = arith.constant 0 : i32
    %dma_start3A_229 = tpu.memref_slice %arg33[%dma_start3A_227, %dma_start3A_228] : memref<2048x8xf32, #tpu.memory_space<vmem>> -> memref<128x8xf32, #tpu.memory_space<vmem>>
    %dma_start3A_230 = arith.constant 0 : i32
    %dma_start3A_231 = tpu.memref_slice %arg25[%dma_start3A_226, %dma_start3A_230] : memref<16x128xi32, #tpu.memory_space<vmem>> -> memref<1x128xi32, #tpu.memory_space<vmem>>
    %dma_start3A_232 = tpu.memref_squeeze %dma_start3A_231 : memref<1x128xi32, #tpu.memory_space<vmem>> -> memref<128xi32, #tpu.memory_space<vmem>>
    %dma_start3A_233 = arith.constant 0 : i32
    %dma_start3A_234 = arith.constant 0 : i32
    %dma_start3A_235 = tpu.memref_slice %arg7[%dma_start3A_233, %dma_start3A_234] : memref<40000x8xf32, #tpu.memory_space<hbm>> -> memref<40000x8xf32, #tpu.memory_space<hbm>>
    tpu.enqueue_indirect_dma source(%dma_start3A_235 : memref<40000x8xf32, #tpu.memory_space<hbm>>) target(%dma_start3A_229 : memref<128x8xf32, #tpu.memory_space<vmem>>) offsets(%dma_start3A_232 : memref<128xi32, #tpu.memory_space<vmem>>) semaphore(%arg38 : memref<!tpu.dma_semaphore, #tpu.memory_space<semaphore_mem>>)
    %dma_start3A_236 = arith.constant 3 : i32
    %dma_start3A_237 = arith.constant 384 : i32
    %dma_start3A_238 = arith.constant 0 : i32
    %dma_start3A_239 = tpu.memref_slice %arg32[%dma_start3A_237, %dma_start3A_238] : memref<2048x8xf32, #tpu.memory_space<vmem>> -> memref<128x8xf32, #tpu.memory_space<vmem>>
    %dma_start3A_240 = arith.constant 0 : i32
    %dma_start3A_241 = tpu.memref_slice %arg24[%dma_start3A_236, %dma_start3A_240] : memref<16x128xi32, #tpu.memory_space<vmem>> -> memref<1x128xi32, #tpu.memory_space<vmem>>
    %dma_start3A_242 = tpu.memref_squeeze %dma_start3A_241 : memref<1x128xi32, #tpu.memory_space<vmem>> -> memref<128xi32, #tpu.memory_space<vmem>>
    %dma_start3A_243 = arith.constant 0 : i32
    %dma_start3A_244 = arith.constant 0 : i32
    %dma_start3A_245 = tpu.memref_slice %arg6[%dma_start3A_243, %dma_start3A_244] : memref<40000x8xf32, #tpu.memory_space<hbm>> -> memref<40000x8xf32, #tpu.memory_space<hbm>>
    tpu.enqueue_indirect_dma source(%dma_start3A_245 : memref<40000x8xf32, #tpu.memory_space<hbm>>) target(%dma_start3A_239 : memref<128x8xf32, #tpu.memory_space<vmem>>) offsets(%dma_start3A_242 : memref<128xi32, #tpu.memory_space<vmem>>) semaphore(%arg38 : memref<!tpu.dma_semaphore, #tpu.memory_space<semaphore_mem>>)
    %dma_start3A_246 = arith.constant 3 : i32
    %dma_start3A_247 = arith.constant 384 : i32
    %dma_start3A_248 = arith.constant 0 : i32
    %dma_start3A_249 = tpu.memref_slice %arg33[%dma_start3A_247, %dma_start3A_248] : memref<2048x8xf32, #tpu.memory_space<vmem>> -> memref<128x8xf32, #tpu.memory_space<vmem>>
    %dma_start3A_250 = arith.constant 0 : i32
    %dma_start3A_251 = tpu.memref_slice %arg25[%dma_start3A_246, %dma_start3A_250] : memref<16x128xi32, #tpu.memory_space<vmem>> -> memref<1x128xi32, #tpu.memory_space<vmem>>
    %dma_start3A_252 = tpu.memref_squeeze %dma_start3A_251 : memref<1x128xi32, #tpu.memory_space<vmem>> -> memref<128xi32, #tpu.memory_space<vmem>>
    %dma_start3A_253 = arith.constant 0 : i32
    %dma_start3A_254 = arith.constant 0 : i32
    %dma_start3A_255 = tpu.memref_slice %arg7[%dma_start3A_253, %dma_start3A_254] : memref<40000x8xf32, #tpu.memory_space<hbm>> -> memref<40000x8xf32, #tpu.memory_space<hbm>>
    tpu.enqueue_indirect_dma source(%dma_start3A_255 : memref<40000x8xf32, #tpu.memory_space<hbm>>) target(%dma_start3A_249 : memref<128x8xf32, #tpu.memory_space<vmem>>) offsets(%dma_start3A_252 : memref<128xi32, #tpu.memory_space<vmem>>) semaphore(%arg38 : memref<!tpu.dma_semaphore, #tpu.memory_space<semaphore_mem>>)
    %dma_start3A_256 = arith.constant 4 : i32
    %dma_start3A_257 = arith.constant 512 : i32
    %dma_start3A_258 = arith.constant 0 : i32
    %dma_start3A_259 = tpu.memref_slice %arg32[%dma_start3A_257, %dma_start3A_258] : memref<2048x8xf32, #tpu.memory_space<vmem>> -> memref<128x8xf32, #tpu.memory_space<vmem>>
    %dma_start3A_260 = arith.constant 0 : i32
    %dma_start3A_261 = tpu.memref_slice %arg24[%dma_start3A_256, %dma_start3A_260] : memref<16x128xi32, #tpu.memory_space<vmem>> -> memref<1x128xi32, #tpu.memory_space<vmem>>
    %dma_start3A_262 = tpu.memref_squeeze %dma_start3A_261 : memref<1x128xi32, #tpu.memory_space<vmem>> -> memref<128xi32, #tpu.memory_space<vmem>>
    %dma_start3A_263 = arith.constant 0 : i32
    %dma_start3A_264 = arith.constant 0 : i32
    %dma_start3A_265 = tpu.memref_slice %arg6[%dma_start3A_263, %dma_start3A_264] : memref<40000x8xf32, #tpu.memory_space<hbm>> -> memref<40000x8xf32, #tpu.memory_space<hbm>>
    tpu.enqueue_indirect_dma source(%dma_start3A_265 : memref<40000x8xf32, #tpu.memory_space<hbm>>) target(%dma_start3A_259 : memref<128x8xf32, #tpu.memory_space<vmem>>) offsets(%dma_start3A_262 : memref<128xi32, #tpu.memory_space<vmem>>) semaphore(%arg38 : memref<!tpu.dma_semaphore, #tpu.memory_space<semaphore_mem>>)
    %dma_start3A_266 = arith.constant 4 : i32
    %dma_start3A_267 = arith.constant 512 : i32
    %dma_start3A_268 = arith.constant 0 : i32
    %dma_start3A_269 = tpu.memref_slice %arg33[%dma_start3A_267, %dma_start3A_268] : memref<2048x8xf32, #tpu.memory_space<vmem>> -> memref<128x8xf32, #tpu.memory_space<vmem>>
    %dma_start3A_270 = arith.constant 0 : i32
    %dma_start3A_271 = tpu.memref_slice %arg25[%dma_start3A_266, %dma_start3A_270] : memref<16x128xi32, #tpu.memory_space<vmem>> -> memref<1x128xi32, #tpu.memory_space<vmem>>
    %dma_start3A_272 = tpu.memref_squeeze %dma_start3A_271 : memref<1x128xi32, #tpu.memory_space<vmem>> -> memref<128xi32, #tpu.memory_space<vmem>>
    %dma_start3A_273 = arith.constant 0 : i32
    %dma_start3A_274 = arith.constant 0 : i32
    %dma_start3A_275 = tpu.memref_slice %arg7[%dma_start3A_273, %dma_start3A_274] : memref<40000x8xf32, #tpu.memory_space<hbm>> -> memref<40000x8xf32, #tpu.memory_space<hbm>>
    tpu.enqueue_indirect_dma source(%dma_start3A_275 : memref<40000x8xf32, #tpu.memory_space<hbm>>) target(%dma_start3A_269 : memref<128x8xf32, #tpu.memory_space<vmem>>) offsets(%dma_start3A_272 : memref<128xi32, #tpu.memory_space<vmem>>) semaphore(%arg38 : memref<!tpu.dma_semaphore, #tpu.memory_space<semaphore_mem>>)
    %dma_start3A_276 = arith.constant 5 : i32
    %dma_start3A_277 = arith.constant 640 : i32
    %dma_start3A_278 = arith.constant 0 : i32
    %dma_start3A_279 = tpu.memref_slice %arg32[%dma_start3A_277, %dma_start3A_278] : memref<2048x8xf32, #tpu.memory_space<vmem>> -> memref<128x8xf32, #tpu.memory_space<vmem>>
    %dma_start3A_280 = arith.constant 0 : i32
    %dma_start3A_281 = tpu.memref_slice %arg24[%dma_start3A_276, %dma_start3A_280] : memref<16x128xi32, #tpu.memory_space<vmem>> -> memref<1x128xi32, #tpu.memory_space<vmem>>
    %dma_start3A_282 = tpu.memref_squeeze %dma_start3A_281 : memref<1x128xi32, #tpu.memory_space<vmem>> -> memref<128xi32, #tpu.memory_space<vmem>>
    %dma_start3A_283 = arith.constant 0 : i32
    %dma_start3A_284 = arith.constant 0 : i32
    %dma_start3A_285 = tpu.memref_slice %arg6[%dma_start3A_283, %dma_start3A_284] : memref<40000x8xf32, #tpu.memory_space<hbm>> -> memref<40000x8xf32, #tpu.memory_space<hbm>>
    tpu.enqueue_indirect_dma source(%dma_start3A_285 : memref<40000x8xf32, #tpu.memory_space<hbm>>) target(%dma_start3A_279 : memref<128x8xf32, #tpu.memory_space<vmem>>) offsets(%dma_start3A_282 : memref<128xi32, #tpu.memory_space<vmem>>) semaphore(%arg38 : memref<!tpu.dma_semaphore, #tpu.memory_space<semaphore_mem>>)
    %dma_start3A_286 = arith.constant 5 : i32
    %dma_start3A_287 = arith.constant 640 : i32
    %dma_start3A_288 = arith.constant 0 : i32
    %dma_start3A_289 = tpu.memref_slice %arg33[%dma_start3A_287, %dma_start3A_288] : memref<2048x8xf32, #tpu.memory_space<vmem>> -> memref<128x8xf32, #tpu.memory_space<vmem>>
    %dma_start3A_290 = arith.constant 0 : i32
    %dma_start3A_291 = tpu.memref_slice %arg25[%dma_start3A_286, %dma_start3A_290] : memref<16x128xi32, #tpu.memory_space<vmem>> -> memref<1x128xi32, #tpu.memory_space<vmem>>
    %dma_start3A_292 = tpu.memref_squeeze %dma_start3A_291 : memref<1x128xi32, #tpu.memory_space<vmem>> -> memref<128xi32, #tpu.memory_space<vmem>>
    %dma_start3A_293 = arith.constant 0 : i32
    %dma_start3A_294 = arith.constant 0 : i32
    %dma_start3A_295 = tpu.memref_slice %arg7[%dma_start3A_293, %dma_start3A_294] : memref<40000x8xf32, #tpu.memory_space<hbm>> -> memref<40000x8xf32, #tpu.memory_space<hbm>>
    tpu.enqueue_indirect_dma source(%dma_start3A_295 : memref<40000x8xf32, #tpu.memory_space<hbm>>) target(%dma_start3A_289 : memref<128x8xf32, #tpu.memory_space<vmem>>) offsets(%dma_start3A_292 : memref<128xi32, #tpu.memory_space<vmem>>) semaphore(%arg38 : memref<!tpu.dma_semaphore, #tpu.memory_space<semaphore_mem>>)
    %dma_start3A_296 = arith.constant 6 : i32
    %dma_start3A_297 = arith.constant 768 : i32
    %dma_start3A_298 = arith.constant 0 : i32
    %dma_start3A_299 = tpu.memref_slice %arg32[%dma_start3A_297, %dma_start3A_298] : memref<2048x8xf32, #tpu.memory_space<vmem>> -> memref<128x8xf32, #tpu.memory_space<vmem>>
    %dma_start3A_300 = arith.constant 0 : i32
    %dma_start3A_301 = tpu.memref_slice %arg24[%dma_start3A_296, %dma_start3A_300] : memref<16x128xi32, #tpu.memory_space<vmem>> -> memref<1x128xi32, #tpu.memory_space<vmem>>
    %dma_start3A_302 = tpu.memref_squeeze %dma_start3A_301 : memref<1x128xi32, #tpu.memory_space<vmem>> -> memref<128xi32, #tpu.memory_space<vmem>>
    %dma_start3A_303 = arith.constant 0 : i32
    %dma_start3A_304 = arith.constant 0 : i32
    %dma_start3A_305 = tpu.memref_slice %arg6[%dma_start3A_303, %dma_start3A_304] : memref<40000x8xf32, #tpu.memory_space<hbm>> -> memref<40000x8xf32, #tpu.memory_space<hbm>>
    tpu.enqueue_indirect_dma source(%dma_start3A_305 : memref<40000x8xf32, #tpu.memory_space<hbm>>) target(%dma_start3A_299 : memref<128x8xf32, #tpu.memory_space<vmem>>) offsets(%dma_start3A_302 : memref<128xi32, #tpu.memory_space<vmem>>) semaphore(%arg38 : memref<!tpu.dma_semaphore, #tpu.memory_space<semaphore_mem>>)
    %dma_start3A_306 = arith.constant 6 : i32
    %dma_start3A_307 = arith.constant 768 : i32
    %dma_start3A_308 = arith.constant 0 : i32
    %dma_start3A_309 = tpu.memref_slice %arg33[%dma_start3A_307, %dma_start3A_308] : memref<2048x8xf32, #tpu.memory_space<vmem>> -> memref<128x8xf32, #tpu.memory_space<vmem>>
    %dma_start3A_310 = arith.constant 0 : i32
    %dma_start3A_311 = tpu.memref_slice %arg25[%dma_start3A_306, %dma_start3A_310] : memref<16x128xi32, #tpu.memory_space<vmem>> -> memref<1x128xi32, #tpu.memory_space<vmem>>
    %dma_start3A_312 = tpu.memref_squeeze %dma_start3A_311 : memref<1x128xi32, #tpu.memory_space<vmem>> -> memref<128xi32, #tpu.memory_space<vmem>>
    %dma_start3A_313 = arith.constant 0 : i32
    %dma_start3A_314 = arith.constant 0 : i32
    %dma_start3A_315 = tpu.memref_slice %arg7[%dma_start3A_313, %dma_start3A_314] : memref<40000x8xf32, #tpu.memory_space<hbm>> -> memref<40000x8xf32, #tpu.memory_space<hbm>>
    tpu.enqueue_indirect_dma source(%dma_start3A_315 : memref<40000x8xf32, #tpu.memory_space<hbm>>) target(%dma_start3A_309 : memref<128x8xf32, #tpu.memory_space<vmem>>) offsets(%dma_start3A_312 : memref<128xi32, #tpu.memory_space<vmem>>) semaphore(%arg38 : memref<!tpu.dma_semaphore, #tpu.memory_space<semaphore_mem>>)
    %dma_start3A_316 = arith.constant 7 : i32
    %dma_start3A_317 = arith.constant 896 : i32
    %dma_start3A_318 = arith.constant 0 : i32
    %dma_start3A_319 = tpu.memref_slice %arg32[%dma_start3A_317, %dma_start3A_318] : memref<2048x8xf32, #tpu.memory_space<vmem>> -> memref<128x8xf32, #tpu.memory_space<vmem>>
    %dma_start3A_320 = arith.constant 0 : i32
    %dma_start3A_321 = tpu.memref_slice %arg24[%dma_start3A_316, %dma_start3A_320] : memref<16x128xi32, #tpu.memory_space<vmem>> -> memref<1x128xi32, #tpu.memory_space<vmem>>
    %dma_start3A_322 = tpu.memref_squeeze %dma_start3A_321 : memref<1x128xi32, #tpu.memory_space<vmem>> -> memref<128xi32, #tpu.memory_space<vmem>>
    %dma_start3A_323 = arith.constant 0 : i32
    %dma_start3A_324 = arith.constant 0 : i32
    %dma_start3A_325 = tpu.memref_slice %arg6[%dma_start3A_323, %dma_start3A_324] : memref<40000x8xf32, #tpu.memory_space<hbm>> -> memref<40000x8xf32, #tpu.memory_space<hbm>>
    tpu.enqueue_indirect_dma source(%dma_start3A_325 : memref<40000x8xf32, #tpu.memory_space<hbm>>) target(%dma_start3A_319 : memref<128x8xf32, #tpu.memory_space<vmem>>) offsets(%dma_start3A_322 : memref<128xi32, #tpu.memory_space<vmem>>) semaphore(%arg38 : memref<!tpu.dma_semaphore, #tpu.memory_space<semaphore_mem>>)
    %dma_start3A_326 = arith.constant 7 : i32
    %dma_start3A_327 = arith.constant 896 : i32
    %dma_start3A_328 = arith.constant 0 : i32
    %dma_start3A_329 = tpu.memref_slice %arg33[%dma_start3A_327, %dma_start3A_328] : memref<2048x8xf32, #tpu.memory_space<vmem>> -> memref<128x8xf32, #tpu.memory_space<vmem>>
    %dma_start3A_330 = arith.constant 0 : i32
    %dma_start3A_331 = tpu.memref_slice %arg25[%dma_start3A_326, %dma_start3A_330] : memref<16x128xi32, #tpu.memory_space<vmem>> -> memref<1x128xi32, #tpu.memory_space<vmem>>
    %dma_start3A_332 = tpu.memref_squeeze %dma_start3A_331 : memref<1x128xi32, #tpu.memory_space<vmem>> -> memref<128xi32, #tpu.memory_space<vmem>>
    %dma_start3A_333 = arith.constant 0 : i32
    %dma_start3A_334 = arith.constant 0 : i32
    %dma_start3A_335 = tpu.memref_slice %arg7[%dma_start3A_333, %dma_start3A_334] : memref<40000x8xf32, #tpu.memory_space<hbm>> -> memref<40000x8xf32, #tpu.memory_space<hbm>>
    tpu.enqueue_indirect_dma source(%dma_start3A_335 : memref<40000x8xf32, #tpu.memory_space<hbm>>) target(%dma_start3A_329 : memref<128x8xf32, #tpu.memory_space<vmem>>) offsets(%dma_start3A_332 : memref<128xi32, #tpu.memory_space<vmem>>) semaphore(%arg38 : memref<!tpu.dma_semaphore, #tpu.memory_space<semaphore_mem>>)
    %dma_start3A_336 = arith.constant 8 : i32
    %dma_start3A_337 = arith.constant 1024 : i32
    %dma_start3A_338 = arith.constant 0 : i32
    %dma_start3A_339 = tpu.memref_slice %arg32[%dma_start3A_337, %dma_start3A_338] : memref<2048x8xf32, #tpu.memory_space<vmem>> -> memref<128x8xf32, #tpu.memory_space<vmem>>
    %dma_start3A_340 = arith.constant 0 : i32
    %dma_start3A_341 = tpu.memref_slice %arg24[%dma_start3A_336, %dma_start3A_340] : memref<16x128xi32, #tpu.memory_space<vmem>> -> memref<1x128xi32, #tpu.memory_space<vmem>>
    %dma_start3A_342 = tpu.memref_squeeze %dma_start3A_341 : memref<1x128xi32, #tpu.memory_space<vmem>> -> memref<128xi32, #tpu.memory_space<vmem>>
    %dma_start3A_343 = arith.constant 0 : i32
    %dma_start3A_344 = arith.constant 0 : i32
    %dma_start3A_345 = tpu.memref_slice %arg6[%dma_start3A_343, %dma_start3A_344] : memref<40000x8xf32, #tpu.memory_space<hbm>> -> memref<40000x8xf32, #tpu.memory_space<hbm>>
    tpu.enqueue_indirect_dma source(%dma_start3A_345 : memref<40000x8xf32, #tpu.memory_space<hbm>>) target(%dma_start3A_339 : memref<128x8xf32, #tpu.memory_space<vmem>>) offsets(%dma_start3A_342 : memref<128xi32, #tpu.memory_space<vmem>>) semaphore(%arg38 : memref<!tpu.dma_semaphore, #tpu.memory_space<semaphore_mem>>)
    %dma_start3A_346 = arith.constant 8 : i32
    %dma_start3A_347 = arith.constant 1024 : i32
    %dma_start3A_348 = arith.constant 0 : i32
    %dma_start3A_349 = tpu.memref_slice %arg33[%dma_start3A_347, %dma_start3A_348] : memref<2048x8xf32, #tpu.memory_space<vmem>> -> memref<128x8xf32, #tpu.memory_space<vmem>>
    %dma_start3A_350 = arith.constant 0 : i32
    %dma_start3A_351 = tpu.memref_slice %arg25[%dma_start3A_346, %dma_start3A_350] : memref<16x128xi32, #tpu.memory_space<vmem>> -> memref<1x128xi32, #tpu.memory_space<vmem>>
    %dma_start3A_352 = tpu.memref_squeeze %dma_start3A_351 : memref<1x128xi32, #tpu.memory_space<vmem>> -> memref<128xi32, #tpu.memory_space<vmem>>
    %dma_start3A_353 = arith.constant 0 : i32
    %dma_start3A_354 = arith.constant 0 : i32
    %dma_start3A_355 = tpu.memref_slice %arg7[%dma_start3A_353, %dma_start3A_354] : memref<40000x8xf32, #tpu.memory_space<hbm>> -> memref<40000x8xf32, #tpu.memory_space<hbm>>
    tpu.enqueue_indirect_dma source(%dma_start3A_355 : memref<40000x8xf32, #tpu.memory_space<hbm>>) target(%dma_start3A_349 : memref<128x8xf32, #tpu.memory_space<vmem>>) offsets(%dma_start3A_352 : memref<128xi32, #tpu.memory_space<vmem>>) semaphore(%arg38 : memref<!tpu.dma_semaphore, #tpu.memory_space<semaphore_mem>>)
    %dma_start3A_356 = arith.constant 9 : i32
    %dma_start3A_357 = arith.constant 1152 : i32
    %dma_start3A_358 = arith.constant 0 : i32
    %dma_start3A_359 = tpu.memref_slice %arg32[%dma_start3A_357, %dma_start3A_358] : memref<2048x8xf32, #tpu.memory_space<vmem>> -> memref<128x8xf32, #tpu.memory_space<vmem>>
    %dma_start3A_360 = arith.constant 0 : i32
    %dma_start3A_361 = tpu.memref_slice %arg24[%dma_start3A_356, %dma_start3A_360] : memref<16x128xi32, #tpu.memory_space<vmem>> -> memref<1x128xi32, #tpu.memory_space<vmem>>
    %dma_start3A_362 = tpu.memref_squeeze %dma_start3A_361 : memref<1x128xi32, #tpu.memory_space<vmem>> -> memref<128xi32, #tpu.memory_space<vmem>>
    %dma_start3A_363 = arith.constant 0 : i32
    %dma_start3A_364 = arith.constant 0 : i32
    %dma_start3A_365 = tpu.memref_slice %arg6[%dma_start3A_363, %dma_start3A_364] : memref<40000x8xf32, #tpu.memory_space<hbm>> -> memref<40000x8xf32, #tpu.memory_space<hbm>>
    tpu.enqueue_indirect_dma source(%dma_start3A_365 : memref<40000x8xf32, #tpu.memory_space<hbm>>) target(%dma_start3A_359 : memref<128x8xf32, #tpu.memory_space<vmem>>) offsets(%dma_start3A_362 : memref<128xi32, #tpu.memory_space<vmem>>) semaphore(%arg38 : memref<!tpu.dma_semaphore, #tpu.memory_space<semaphore_mem>>)
    %dma_start3A_366 = arith.constant 9 : i32
    %dma_start3A_367 = arith.constant 1152 : i32
    %dma_start3A_368 = arith.constant 0 : i32
    %dma_start3A_369 = tpu.memref_slice %arg33[%dma_start3A_367, %dma_start3A_368] : memref<2048x8xf32, #tpu.memory_space<vmem>> -> memref<128x8xf32, #tpu.memory_space<vmem>>
    %dma_start3A_370 = arith.constant 0 : i32
    %dma_start3A_371 = tpu.memref_slice %arg25[%dma_start3A_366, %dma_start3A_370] : memref<16x128xi32, #tpu.memory_space<vmem>> -> memref<1x128xi32, #tpu.memory_space<vmem>>
    %dma_start3A_372 = tpu.memref_squeeze %dma_start3A_371 : memref<1x128xi32, #tpu.memory_space<vmem>> -> memref<128xi32, #tpu.memory_space<vmem>>
    %dma_start3A_373 = arith.constant 0 : i32
    %dma_start3A_374 = arith.constant 0 : i32
    %dma_start3A_375 = tpu.memref_slice %arg7[%dma_start3A_373, %dma_start3A_374] : memref<40000x8xf32, #tpu.memory_space<hbm>> -> memref<40000x8xf32, #tpu.memory_space<hbm>>
    tpu.enqueue_indirect_dma source(%dma_start3A_375 : memref<40000x8xf32, #tpu.memory_space<hbm>>) target(%dma_start3A_369 : memref<128x8xf32, #tpu.memory_space<vmem>>) offsets(%dma_start3A_372 : memref<128xi32, #tpu.memory_space<vmem>>) semaphore(%arg38 : memref<!tpu.dma_semaphore, #tpu.memory_space<semaphore_mem>>)
    %dma_start3A_376 = arith.constant 10 : i32
    %dma_start3A_377 = arith.constant 1280 : i32
    %dma_start3A_378 = arith.constant 0 : i32
    %dma_start3A_379 = tpu.memref_slice %arg32[%dma_start3A_377, %dma_start3A_378] : memref<2048x8xf32, #tpu.memory_space<vmem>> -> memref<128x8xf32, #tpu.memory_space<vmem>>
    %dma_start3A_380 = arith.constant 0 : i32
    %dma_start3A_381 = tpu.memref_slice %arg24[%dma_start3A_376, %dma_start3A_380] : memref<16x128xi32, #tpu.memory_space<vmem>> -> memref<1x128xi32, #tpu.memory_space<vmem>>
    %dma_start3A_382 = tpu.memref_squeeze %dma_start3A_381 : memref<1x128xi32, #tpu.memory_space<vmem>> -> memref<128xi32, #tpu.memory_space<vmem>>
    %dma_start3A_383 = arith.constant 0 : i32
    %dma_start3A_384 = arith.constant 0 : i32
    %dma_start3A_385 = tpu.memref_slice %arg6[%dma_start3A_383, %dma_start3A_384] : memref<40000x8xf32, #tpu.memory_space<hbm>> -> memref<40000x8xf32, #tpu.memory_space<hbm>>
    tpu.enqueue_indirect_dma source(%dma_start3A_385 : memref<40000x8xf32, #tpu.memory_space<hbm>>) target(%dma_start3A_379 : memref<128x8xf32, #tpu.memory_space<vmem>>) offsets(%dma_start3A_382 : memref<128xi32, #tpu.memory_space<vmem>>) semaphore(%arg38 : memref<!tpu.dma_semaphore, #tpu.memory_space<semaphore_mem>>)
    %dma_start3A_386 = arith.constant 10 : i32
    %dma_start3A_387 = arith.constant 1280 : i32
    %dma_start3A_388 = arith.constant 0 : i32
    %dma_start3A_389 = tpu.memref_slice %arg33[%dma_start3A_387, %dma_start3A_388] : memref<2048x8xf32, #tpu.memory_space<vmem>> -> memref<128x8xf32, #tpu.memory_space<vmem>>
    %dma_start3A_390 = arith.constant 0 : i32
    %dma_start3A_391 = tpu.memref_slice %arg25[%dma_start3A_386, %dma_start3A_390] : memref<16x128xi32, #tpu.memory_space<vmem>> -> memref<1x128xi32, #tpu.memory_space<vmem>>
    %dma_start3A_392 = tpu.memref_squeeze %dma_start3A_391 : memref<1x128xi32, #tpu.memory_space<vmem>> -> memref<128xi32, #tpu.memory_space<vmem>>
    %dma_start3A_393 = arith.constant 0 : i32
    %dma_start3A_394 = arith.constant 0 : i32
    %dma_start3A_395 = tpu.memref_slice %arg7[%dma_start3A_393, %dma_start3A_394] : memref<40000x8xf32, #tpu.memory_space<hbm>> -> memref<40000x8xf32, #tpu.memory_space<hbm>>
    tpu.enqueue_indirect_dma source(%dma_start3A_395 : memref<40000x8xf32, #tpu.memory_space<hbm>>) target(%dma_start3A_389 : memref<128x8xf32, #tpu.memory_space<vmem>>) offsets(%dma_start3A_392 : memref<128xi32, #tpu.memory_space<vmem>>) semaphore(%arg38 : memref<!tpu.dma_semaphore, #tpu.memory_space<semaphore_mem>>)
    %dma_start3A_396 = arith.constant 11 : i32
    %dma_start3A_397 = arith.constant 1408 : i32
    %dma_start3A_398 = arith.constant 0 : i32
    %dma_start3A_399 = tpu.memref_slice %arg32[%dma_start3A_397, %dma_start3A_398] : memref<2048x8xf32, #tpu.memory_space<vmem>> -> memref<128x8xf32, #tpu.memory_space<vmem>>
    %dma_start3A_400 = arith.constant 0 : i32
    %dma_start3A_401 = tpu.memref_slice %arg24[%dma_start3A_396, %dma_start3A_400] : memref<16x128xi32, #tpu.memory_space<vmem>> -> memref<1x128xi32, #tpu.memory_space<vmem>>
    %dma_start3A_402 = tpu.memref_squeeze %dma_start3A_401 : memref<1x128xi32, #tpu.memory_space<vmem>> -> memref<128xi32, #tpu.memory_space<vmem>>
    %dma_start3A_403 = arith.constant 0 : i32
    %dma_start3A_404 = arith.constant 0 : i32
    %dma_start3A_405 = tpu.memref_slice %arg6[%dma_start3A_403, %dma_start3A_404] : memref<40000x8xf32, #tpu.memory_space<hbm>> -> memref<40000x8xf32, #tpu.memory_space<hbm>>
    tpu.enqueue_indirect_dma source(%dma_start3A_405 : memref<40000x8xf32, #tpu.memory_space<hbm>>) target(%dma_start3A_399 : memref<128x8xf32, #tpu.memory_space<vmem>>) offsets(%dma_start3A_402 : memref<128xi32, #tpu.memory_space<vmem>>) semaphore(%arg38 : memref<!tpu.dma_semaphore, #tpu.memory_space<semaphore_mem>>)
    %dma_start3A_406 = arith.constant 11 : i32
    %dma_start3A_407 = arith.constant 1408 : i32
    %dma_start3A_408 = arith.constant 0 : i32
    %dma_start3A_409 = tpu.memref_slice %arg33[%dma_start3A_407, %dma_start3A_408] : memref<2048x8xf32, #tpu.memory_space<vmem>> -> memref<128x8xf32, #tpu.memory_space<vmem>>
    %dma_start3A_410 = arith.constant 0 : i32
    %dma_start3A_411 = tpu.memref_slice %arg25[%dma_start3A_406, %dma_start3A_410] : memref<16x128xi32, #tpu.memory_space<vmem>> -> memref<1x128xi32, #tpu.memory_space<vmem>>
    %dma_start3A_412 = tpu.memref_squeeze %dma_start3A_411 : memref<1x128xi32, #tpu.memory_space<vmem>> -> memref<128xi32, #tpu.memory_space<vmem>>
    %dma_start3A_413 = arith.constant 0 : i32
    %dma_start3A_414 = arith.constant 0 : i32
    %dma_start3A_415 = tpu.memref_slice %arg7[%dma_start3A_413, %dma_start3A_414] : memref<40000x8xf32, #tpu.memory_space<hbm>> -> memref<40000x8xf32, #tpu.memory_space<hbm>>
    tpu.enqueue_indirect_dma source(%dma_start3A_415 : memref<40000x8xf32, #tpu.memory_space<hbm>>) target(%dma_start3A_409 : memref<128x8xf32, #tpu.memory_space<vmem>>) offsets(%dma_start3A_412 : memref<128xi32, #tpu.memory_space<vmem>>) semaphore(%arg38 : memref<!tpu.dma_semaphore, #tpu.memory_space<semaphore_mem>>)
    %dma_start3A_416 = arith.constant 12 : i32
    %dma_start3A_417 = arith.constant 1536 : i32
    %dma_start3A_418 = arith.constant 0 : i32
    %dma_start3A_419 = tpu.memref_slice %arg32[%dma_start3A_417, %dma_start3A_418] : memref<2048x8xf32, #tpu.memory_space<vmem>> -> memref<128x8xf32, #tpu.memory_space<vmem>>
    %dma_start3A_420 = arith.constant 0 : i32
    %dma_start3A_421 = tpu.memref_slice %arg24[%dma_start3A_416, %dma_start3A_420] : memref<16x128xi32, #tpu.memory_space<vmem>> -> memref<1x128xi32, #tpu.memory_space<vmem>>
    %dma_start3A_422 = tpu.memref_squeeze %dma_start3A_421 : memref<1x128xi32, #tpu.memory_space<vmem>> -> memref<128xi32, #tpu.memory_space<vmem>>
    %dma_start3A_423 = arith.constant 0 : i32
    %dma_start3A_424 = arith.constant 0 : i32
    %dma_start3A_425 = tpu.memref_slice %arg6[%dma_start3A_423, %dma_start3A_424] : memref<40000x8xf32, #tpu.memory_space<hbm>> -> memref<40000x8xf32, #tpu.memory_space<hbm>>
    tpu.enqueue_indirect_dma source(%dma_start3A_425 : memref<40000x8xf32, #tpu.memory_space<hbm>>) target(%dma_start3A_419 : memref<128x8xf32, #tpu.memory_space<vmem>>) offsets(%dma_start3A_422 : memref<128xi32, #tpu.memory_space<vmem>>) semaphore(%arg38 : memref<!tpu.dma_semaphore, #tpu.memory_space<semaphore_mem>>)
    %dma_start3A_426 = arith.constant 12 : i32
    %dma_start3A_427 = arith.constant 1536 : i32
    %dma_start3A_428 = arith.constant 0 : i32
    %dma_start3A_429 = tpu.memref_slice %arg33[%dma_start3A_427, %dma_start3A_428] : memref<2048x8xf32, #tpu.memory_space<vmem>> -> memref<128x8xf32, #tpu.memory_space<vmem>>
    %dma_start3A_430 = arith.constant 0 : i32
    %dma_start3A_431 = tpu.memref_slice %arg25[%dma_start3A_426, %dma_start3A_430] : memref<16x128xi32, #tpu.memory_space<vmem>> -> memref<1x128xi32, #tpu.memory_space<vmem>>
    %dma_start3A_432 = tpu.memref_squeeze %dma_start3A_431 : memref<1x128xi32, #tpu.memory_space<vmem>> -> memref<128xi32, #tpu.memory_space<vmem>>
    %dma_start3A_433 = arith.constant 0 : i32
    %dma_start3A_434 = arith.constant 0 : i32
    %dma_start3A_435 = tpu.memref_slice %arg7[%dma_start3A_433, %dma_start3A_434] : memref<40000x8xf32, #tpu.memory_space<hbm>> -> memref<40000x8xf32, #tpu.memory_space<hbm>>
    tpu.enqueue_indirect_dma source(%dma_start3A_435 : memref<40000x8xf32, #tpu.memory_space<hbm>>) target(%dma_start3A_429 : memref<128x8xf32, #tpu.memory_space<vmem>>) offsets(%dma_start3A_432 : memref<128xi32, #tpu.memory_space<vmem>>) semaphore(%arg38 : memref<!tpu.dma_semaphore, #tpu.memory_space<semaphore_mem>>)
    %dma_start3A_436 = arith.constant 13 : i32
    %dma_start3A_437 = arith.constant 1664 : i32
    %dma_start3A_438 = arith.constant 0 : i32
    %dma_start3A_439 = tpu.memref_slice %arg32[%dma_start3A_437, %dma_start3A_438] : memref<2048x8xf32, #tpu.memory_space<vmem>> -> memref<128x8xf32, #tpu.memory_space<vmem>>
    %dma_start3A_440 = arith.constant 0 : i32
    %dma_start3A_441 = tpu.memref_slice %arg24[%dma_start3A_436, %dma_start3A_440] : memref<16x128xi32, #tpu.memory_space<vmem>> -> memref<1x128xi32, #tpu.memory_space<vmem>>
    %dma_start3A_442 = tpu.memref_squeeze %dma_start3A_441 : memref<1x128xi32, #tpu.memory_space<vmem>> -> memref<128xi32, #tpu.memory_space<vmem>>
    %dma_start3A_443 = arith.constant 0 : i32
    %dma_start3A_444 = arith.constant 0 : i32
    %dma_start3A_445 = tpu.memref_slice %arg6[%dma_start3A_443, %dma_start3A_444] : memref<40000x8xf32, #tpu.memory_space<hbm>> -> memref<40000x8xf32, #tpu.memory_space<hbm>>
    tpu.enqueue_indirect_dma source(%dma_start3A_445 : memref<40000x8xf32, #tpu.memory_space<hbm>>) target(%dma_start3A_439 : memref<128x8xf32, #tpu.memory_space<vmem>>) offsets(%dma_start3A_442 : memref<128xi32, #tpu.memory_space<vmem>>) semaphore(%arg38 : memref<!tpu.dma_semaphore, #tpu.memory_space<semaphore_mem>>)
    %dma_start3A_446 = arith.constant 13 : i32
    %dma_start3A_447 = arith.constant 1664 : i32
    %dma_start3A_448 = arith.constant 0 : i32
    %dma_start3A_449 = tpu.memref_slice %arg33[%dma_start3A_447, %dma_start3A_448] : memref<2048x8xf32, #tpu.memory_space<vmem>> -> memref<128x8xf32, #tpu.memory_space<vmem>>
    %dma_start3A_450 = arith.constant 0 : i32
    %dma_start3A_451 = tpu.memref_slice %arg25[%dma_start3A_446, %dma_start3A_450] : memref<16x128xi32, #tpu.memory_space<vmem>> -> memref<1x128xi32, #tpu.memory_space<vmem>>
    %dma_start3A_452 = tpu.memref_squeeze %dma_start3A_451 : memref<1x128xi32, #tpu.memory_space<vmem>> -> memref<128xi32, #tpu.memory_space<vmem>>
    %dma_start3A_453 = arith.constant 0 : i32
    %dma_start3A_454 = arith.constant 0 : i32
    %dma_start3A_455 = tpu.memref_slice %arg7[%dma_start3A_453, %dma_start3A_454] : memref<40000x8xf32, #tpu.memory_space<hbm>> -> memref<40000x8xf32, #tpu.memory_space<hbm>>
    tpu.enqueue_indirect_dma source(%dma_start3A_455 : memref<40000x8xf32, #tpu.memory_space<hbm>>) target(%dma_start3A_449 : memref<128x8xf32, #tpu.memory_space<vmem>>) offsets(%dma_start3A_452 : memref<128xi32, #tpu.memory_space<vmem>>) semaphore(%arg38 : memref<!tpu.dma_semaphore, #tpu.memory_space<semaphore_mem>>)
    %dma_start3A_456 = arith.constant 14 : i32
    %dma_start3A_457 = arith.constant 1792 : i32
    %dma_start3A_458 = arith.constant 0 : i32
    %dma_start3A_459 = tpu.memref_slice %arg32[%dma_start3A_457, %dma_start3A_458] : memref<2048x8xf32, #tpu.memory_space<vmem>> -> memref<128x8xf32, #tpu.memory_space<vmem>>
    %dma_start3A_460 = arith.constant 0 : i32
    %dma_start3A_461 = tpu.memref_slice %arg24[%dma_start3A_456, %dma_start3A_460] : memref<16x128xi32, #tpu.memory_space<vmem>> -> memref<1x128xi32, #tpu.memory_space<vmem>>
    %dma_start3A_462 = tpu.memref_squeeze %dma_start3A_461 : memref<1x128xi32, #tpu.memory_space<vmem>> -> memref<128xi32, #tpu.memory_space<vmem>>
    %dma_start3A_463 = arith.constant 0 : i32
    %dma_start3A_464 = arith.constant 0 : i32
    %dma_start3A_465 = tpu.memref_slice %arg6[%dma_start3A_463, %dma_start3A_464] : memref<40000x8xf32, #tpu.memory_space<hbm>> -> memref<40000x8xf32, #tpu.memory_space<hbm>>
    tpu.enqueue_indirect_dma source(%dma_start3A_465 : memref<40000x8xf32, #tpu.memory_space<hbm>>) target(%dma_start3A_459 : memref<128x8xf32, #tpu.memory_space<vmem>>) offsets(%dma_start3A_462 : memref<128xi32, #tpu.memory_space<vmem>>) semaphore(%arg38 : memref<!tpu.dma_semaphore, #tpu.memory_space<semaphore_mem>>)
    %dma_start3A_466 = arith.constant 14 : i32
    %dma_start3A_467 = arith.constant 1792 : i32
    %dma_start3A_468 = arith.constant 0 : i32
    %dma_start3A_469 = tpu.memref_slice %arg33[%dma_start3A_467, %dma_start3A_468] : memref<2048x8xf32, #tpu.memory_space<vmem>> -> memref<128x8xf32, #tpu.memory_space<vmem>>
    %dma_start3A_470 = arith.constant 0 : i32
    %dma_start3A_471 = tpu.memref_slice %arg25[%dma_start3A_466, %dma_start3A_470] : memref<16x128xi32, #tpu.memory_space<vmem>> -> memref<1x128xi32, #tpu.memory_space<vmem>>
    %dma_start3A_472 = tpu.memref_squeeze %dma_start3A_471 : memref<1x128xi32, #tpu.memory_space<vmem>> -> memref<128xi32, #tpu.memory_space<vmem>>
    %dma_start3A_473 = arith.constant 0 : i32
    %dma_start3A_474 = arith.constant 0 : i32
    %dma_start3A_475 = tpu.memref_slice %arg7[%dma_start3A_473, %dma_start3A_474] : memref<40000x8xf32, #tpu.memory_space<hbm>> -> memref<40000x8xf32, #tpu.memory_space<hbm>>
    tpu.enqueue_indirect_dma source(%dma_start3A_475 : memref<40000x8xf32, #tpu.memory_space<hbm>>) target(%dma_start3A_469 : memref<128x8xf32, #tpu.memory_space<vmem>>) offsets(%dma_start3A_472 : memref<128xi32, #tpu.memory_space<vmem>>) semaphore(%arg38 : memref<!tpu.dma_semaphore, #tpu.memory_space<semaphore_mem>>)
    %dma_start3A_476 = arith.constant 15 : i32
    %dma_start3A_477 = arith.constant 1920 : i32
    %dma_start3A_478 = arith.constant 0 : i32
    %dma_start3A_479 = tpu.memref_slice %arg32[%dma_start3A_477, %dma_start3A_478] : memref<2048x8xf32, #tpu.memory_space<vmem>> -> memref<128x8xf32, #tpu.memory_space<vmem>>
    %dma_start3A_480 = arith.constant 0 : i32
    %dma_start3A_481 = tpu.memref_slice %arg24[%dma_start3A_476, %dma_start3A_480] : memref<16x128xi32, #tpu.memory_space<vmem>> -> memref<1x128xi32, #tpu.memory_space<vmem>>
    %dma_start3A_482 = tpu.memref_squeeze %dma_start3A_481 : memref<1x128xi32, #tpu.memory_space<vmem>> -> memref<128xi32, #tpu.memory_space<vmem>>
    %dma_start3A_483 = arith.constant 0 : i32
    %dma_start3A_484 = arith.constant 0 : i32
    %dma_start3A_485 = tpu.memref_slice %arg6[%dma_start3A_483, %dma_start3A_484] : memref<40000x8xf32, #tpu.memory_space<hbm>> -> memref<40000x8xf32, #tpu.memory_space<hbm>>
    tpu.enqueue_indirect_dma source(%dma_start3A_485 : memref<40000x8xf32, #tpu.memory_space<hbm>>) target(%dma_start3A_479 : memref<128x8xf32, #tpu.memory_space<vmem>>) offsets(%dma_start3A_482 : memref<128xi32, #tpu.memory_space<vmem>>) semaphore(%arg38 : memref<!tpu.dma_semaphore, #tpu.memory_space<semaphore_mem>>)
    %dma_start3A_486 = arith.constant 15 : i32
    %dma_start3A_487 = arith.constant 1920 : i32
    %dma_start3A_488 = arith.constant 0 : i32
    %dma_start3A_489 = tpu.memref_slice %arg33[%dma_start3A_487, %dma_start3A_488] : memref<2048x8xf32, #tpu.memory_space<vmem>> -> memref<128x8xf32, #tpu.memory_space<vmem>>
    %dma_start3A_490 = arith.constant 0 : i32
    %dma_start3A_491 = tpu.memref_slice %arg25[%dma_start3A_486, %dma_start3A_490] : memref<16x128xi32, #tpu.memory_space<vmem>> -> memref<1x128xi32, #tpu.memory_space<vmem>>
    %dma_start3A_492 = tpu.memref_squeeze %dma_start3A_491 : memref<1x128xi32, #tpu.memory_space<vmem>> -> memref<128xi32, #tpu.memory_space<vmem>>
    %dma_start3A_493 = arith.constant 0 : i32
    %dma_start3A_494 = arith.constant 0 : i32
    %dma_start3A_495 = tpu.memref_slice %arg7[%dma_start3A_493, %dma_start3A_494] : memref<40000x8xf32, #tpu.memory_space<hbm>> -> memref<40000x8xf32, #tpu.memory_space<hbm>>
    tpu.enqueue_indirect_dma source(%dma_start3A_495 : memref<40000x8xf32, #tpu.memory_space<hbm>>) target(%dma_start3A_489 : memref<128x8xf32, #tpu.memory_space<vmem>>) offsets(%dma_start3A_492 : memref<128xi32, #tpu.memory_space<vmem>>) semaphore(%arg38 : memref<!tpu.dma_semaphore, #tpu.memory_space<semaphore_mem>>)
    %dma_wait3A = arith.constant 0 : i32
    %dma_wait3A_496 = arith.constant 0 : i32
    %dma_wait3A_497 = arith.constant 0 : i32
    %dma_wait3A_498 = tpu.memref_slice %arg30[%dma_wait3A_496, %dma_wait3A_497] : memref<512x64xf32, #tpu.memory_space<vmem>> -> memref<128x64xf32, #tpu.memory_space<vmem>>
    %dma_wait3A_499 = arith.constant 0 : i32
    %dma_wait3A_500 = tpu.memref_slice %arg22[%dma_wait3A, %dma_wait3A_499] : memref<4x128xi32, #tpu.memory_space<vmem>> -> memref<1x128xi32, #tpu.memory_space<vmem>>
    %dma_wait3A_501 = tpu.memref_squeeze %dma_wait3A_500 : memref<1x128xi32, #tpu.memory_space<vmem>> -> memref<128xi32, #tpu.memory_space<vmem>>
    %dma_wait3A_502 = arith.constant 0 : i32
    %dma_wait3A_503 = arith.constant 0 : i32
    %dma_wait3A_504 = tpu.memref_slice %arg2[%dma_wait3A_502, %dma_wait3A_503] : memref<1000001x64xf32, #tpu.memory_space<hbm>> -> memref<1000001x64xf32, #tpu.memory_space<hbm>>
    tpu.wait_indirect_dma semaphore(%arg38 : memref<!tpu.dma_semaphore, #tpu.memory_space<semaphore_mem>>) src(%dma_wait3A_504 : memref<1000001x64xf32, #tpu.memory_space<hbm>>) dst(%dma_wait3A_498 : memref<128x64xf32, #tpu.memory_space<vmem>>)
    %dma_wait3A_505 = arith.constant 0 : i32
    %dma_wait3A_506 = arith.constant 0 : i32
    %dma_wait3A_507 = arith.constant 0 : i32
    %dma_wait3A_508 = tpu.memref_slice %arg31[%dma_wait3A_506, %dma_wait3A_507] : memref<512x64xf32, #tpu.memory_space<vmem>> -> memref<128x64xf32, #tpu.memory_space<vmem>>
    %dma_wait3A_509 = arith.constant 0 : i32
    %dma_wait3A_510 = tpu.memref_slice %arg23[%dma_wait3A_505, %dma_wait3A_509] : memref<4x128xi32, #tpu.memory_space<vmem>> -> memref<1x128xi32, #tpu.memory_space<vmem>>
    %dma_wait3A_511 = tpu.memref_squeeze %dma_wait3A_510 : memref<1x128xi32, #tpu.memory_space<vmem>> -> memref<128xi32, #tpu.memory_space<vmem>>
    %dma_wait3A_512 = arith.constant 0 : i32
    %dma_wait3A_513 = arith.constant 0 : i32
    %dma_wait3A_514 = tpu.memref_slice %arg3[%dma_wait3A_512, %dma_wait3A_513] : memref<1000001x64xf32, #tpu.memory_space<hbm>> -> memref<1000001x64xf32, #tpu.memory_space<hbm>>
    tpu.wait_indirect_dma semaphore(%arg38 : memref<!tpu.dma_semaphore, #tpu.memory_space<semaphore_mem>>) src(%dma_wait3A_514 : memref<1000001x64xf32, #tpu.memory_space<hbm>>) dst(%dma_wait3A_508 : memref<128x64xf32, #tpu.memory_space<vmem>>)
    %dma_wait3A_515 = arith.constant 0 : i32
    %dma_wait3A_516 = arith.constant 0 : i32
    %dma_wait3A_517 = arith.constant 0 : i32
    %dma_wait3A_518 = tpu.memref_slice %arg34[%dma_wait3A_516, %dma_wait3A_517] : memref<512x16xf32, #tpu.memory_space<vmem>> -> memref<128x16xf32, #tpu.memory_space<vmem>>
    %dma_wait3A_519 = arith.constant 0 : i32
    %dma_wait3A_520 = tpu.memref_slice %arg26[%dma_wait3A_515, %dma_wait3A_519] : memref<4x128xi32, #tpu.memory_space<vmem>> -> memref<1x128xi32, #tpu.memory_space<vmem>>
    %dma_wait3A_521 = tpu.memref_squeeze %dma_wait3A_520 : memref<1x128xi32, #tpu.memory_space<vmem>> -> memref<128xi32, #tpu.memory_space<vmem>>
    %dma_wait3A_522 = arith.constant 0 : i32
    %dma_wait3A_523 = arith.constant 0 : i32
    %dma_wait3A_524 = tpu.memref_slice %arg4[%dma_wait3A_522, %dma_wait3A_523] : memref<62501x16xf32, #tpu.memory_space<hbm>> -> memref<62501x16xf32, #tpu.memory_space<hbm>>
    tpu.wait_indirect_dma semaphore(%arg38 : memref<!tpu.dma_semaphore, #tpu.memory_space<semaphore_mem>>) src(%dma_wait3A_524 : memref<62501x16xf32, #tpu.memory_space<hbm>>) dst(%dma_wait3A_518 : memref<128x16xf32, #tpu.memory_space<vmem>>)
    %dma_wait3A_525 = arith.constant 0 : i32
    %dma_wait3A_526 = arith.constant 0 : i32
    %dma_wait3A_527 = arith.constant 0 : i32
    %dma_wait3A_528 = tpu.memref_slice %arg35[%dma_wait3A_526, %dma_wait3A_527] : memref<512x16xf32, #tpu.memory_space<vmem>> -> memref<128x16xf32, #tpu.memory_space<vmem>>
    %dma_wait3A_529 = arith.constant 0 : i32
    %dma_wait3A_530 = tpu.memref_slice %arg27[%dma_wait3A_525, %dma_wait3A_529] : memref<4x128xi32, #tpu.memory_space<vmem>> -> memref<1x128xi32, #tpu.memory_space<vmem>>
    %dma_wait3A_531 = tpu.memref_squeeze %dma_wait3A_530 : memref<1x128xi32, #tpu.memory_space<vmem>> -> memref<128xi32, #tpu.memory_space<vmem>>
    %dma_wait3A_532 = arith.constant 0 : i32
    %dma_wait3A_533 = arith.constant 0 : i32
    %dma_wait3A_534 = tpu.memref_slice %arg5[%dma_wait3A_532, %dma_wait3A_533] : memref<62501x16xf32, #tpu.memory_space<hbm>> -> memref<62501x16xf32, #tpu.memory_space<hbm>>
    tpu.wait_indirect_dma semaphore(%arg38 : memref<!tpu.dma_semaphore, #tpu.memory_space<semaphore_mem>>) src(%dma_wait3A_534 : memref<62501x16xf32, #tpu.memory_space<hbm>>) dst(%dma_wait3A_528 : memref<128x16xf32, #tpu.memory_space<vmem>>)
    %dma_wait3A_535 = arith.constant 1 : i32
    %dma_wait3A_536 = arith.constant 128 : i32
    %dma_wait3A_537 = arith.constant 0 : i32
    %dma_wait3A_538 = tpu.memref_slice %arg30[%dma_wait3A_536, %dma_wait3A_537] : memref<512x64xf32, #tpu.memory_space<vmem>> -> memref<128x64xf32, #tpu.memory_space<vmem>>
    %dma_wait3A_539 = arith.constant 0 : i32
    %dma_wait3A_540 = tpu.memref_slice %arg22[%dma_wait3A_535, %dma_wait3A_539] : memref<4x128xi32, #tpu.memory_space<vmem>> -> memref<1x128xi32, #tpu.memory_space<vmem>>
    %dma_wait3A_541 = tpu.memref_squeeze %dma_wait3A_540 : memref<1x128xi32, #tpu.memory_space<vmem>> -> memref<128xi32, #tpu.memory_space<vmem>>
    %dma_wait3A_542 = arith.constant 0 : i32
    %dma_wait3A_543 = arith.constant 0 : i32
    %dma_wait3A_544 = tpu.memref_slice %arg2[%dma_wait3A_542, %dma_wait3A_543] : memref<1000001x64xf32, #tpu.memory_space<hbm>> -> memref<1000001x64xf32, #tpu.memory_space<hbm>>
    tpu.wait_indirect_dma semaphore(%arg38 : memref<!tpu.dma_semaphore, #tpu.memory_space<semaphore_mem>>) src(%dma_wait3A_544 : memref<1000001x64xf32, #tpu.memory_space<hbm>>) dst(%dma_wait3A_538 : memref<128x64xf32, #tpu.memory_space<vmem>>)
    %dma_wait3A_545 = arith.constant 1 : i32
    %dma_wait3A_546 = arith.constant 128 : i32
    %dma_wait3A_547 = arith.constant 0 : i32
    %dma_wait3A_548 = tpu.memref_slice %arg31[%dma_wait3A_546, %dma_wait3A_547] : memref<512x64xf32, #tpu.memory_space<vmem>> -> memref<128x64xf32, #tpu.memory_space<vmem>>
    %dma_wait3A_549 = arith.constant 0 : i32
    %dma_wait3A_550 = tpu.memref_slice %arg23[%dma_wait3A_545, %dma_wait3A_549] : memref<4x128xi32, #tpu.memory_space<vmem>> -> memref<1x128xi32, #tpu.memory_space<vmem>>
    %dma_wait3A_551 = tpu.memref_squeeze %dma_wait3A_550 : memref<1x128xi32, #tpu.memory_space<vmem>> -> memref<128xi32, #tpu.memory_space<vmem>>
    %dma_wait3A_552 = arith.constant 0 : i32
    %dma_wait3A_553 = arith.constant 0 : i32
    %dma_wait3A_554 = tpu.memref_slice %arg3[%dma_wait3A_552, %dma_wait3A_553] : memref<1000001x64xf32, #tpu.memory_space<hbm>> -> memref<1000001x64xf32, #tpu.memory_space<hbm>>
    tpu.wait_indirect_dma semaphore(%arg38 : memref<!tpu.dma_semaphore, #tpu.memory_space<semaphore_mem>>) src(%dma_wait3A_554 : memref<1000001x64xf32, #tpu.memory_space<hbm>>) dst(%dma_wait3A_548 : memref<128x64xf32, #tpu.memory_space<vmem>>)
    %dma_wait3A_555 = arith.constant 1 : i32
    %dma_wait3A_556 = arith.constant 128 : i32
    %dma_wait3A_557 = arith.constant 0 : i32
    %dma_wait3A_558 = tpu.memref_slice %arg34[%dma_wait3A_556, %dma_wait3A_557] : memref<512x16xf32, #tpu.memory_space<vmem>> -> memref<128x16xf32, #tpu.memory_space<vmem>>
    %dma_wait3A_559 = arith.constant 0 : i32
    %dma_wait3A_560 = tpu.memref_slice %arg26[%dma_wait3A_555, %dma_wait3A_559] : memref<4x128xi32, #tpu.memory_space<vmem>> -> memref<1x128xi32, #tpu.memory_space<vmem>>
    %dma_wait3A_561 = tpu.memref_squeeze %dma_wait3A_560 : memref<1x128xi32, #tpu.memory_space<vmem>> -> memref<128xi32, #tpu.memory_space<vmem>>
    %dma_wait3A_562 = arith.constant 0 : i32
    %dma_wait3A_563 = arith.constant 0 : i32
    %dma_wait3A_564 = tpu.memref_slice %arg4[%dma_wait3A_562, %dma_wait3A_563] : memref<62501x16xf32, #tpu.memory_space<hbm>> -> memref<62501x16xf32, #tpu.memory_space<hbm>>
    tpu.wait_indirect_dma semaphore(%arg38 : memref<!tpu.dma_semaphore, #tpu.memory_space<semaphore_mem>>) src(%dma_wait3A_564 : memref<62501x16xf32, #tpu.memory_space<hbm>>) dst(%dma_wait3A_558 : memref<128x16xf32, #tpu.memory_space<vmem>>)
    %dma_wait3A_565 = arith.constant 1 : i32
    %dma_wait3A_566 = arith.constant 128 : i32
    %dma_wait3A_567 = arith.constant 0 : i32
    %dma_wait3A_568 = tpu.memref_slice %arg35[%dma_wait3A_566, %dma_wait3A_567] : memref<512x16xf32, #tpu.memory_space<vmem>> -> memref<128x16xf32, #tpu.memory_space<vmem>>
    %dma_wait3A_569 = arith.constant 0 : i32
    %dma_wait3A_570 = tpu.memref_slice %arg27[%dma_wait3A_565, %dma_wait3A_569] : memref<4x128xi32, #tpu.memory_space<vmem>> -> memref<1x128xi32, #tpu.memory_space<vmem>>
    %dma_wait3A_571 = tpu.memref_squeeze %dma_wait3A_570 : memref<1x128xi32, #tpu.memory_space<vmem>> -> memref<128xi32, #tpu.memory_space<vmem>>
    %dma_wait3A_572 = arith.constant 0 : i32
    %dma_wait3A_573 = arith.constant 0 : i32
    %dma_wait3A_574 = tpu.memref_slice %arg5[%dma_wait3A_572, %dma_wait3A_573] : memref<62501x16xf32, #tpu.memory_space<hbm>> -> memref<62501x16xf32, #tpu.memory_space<hbm>>
    tpu.wait_indirect_dma semaphore(%arg38 : memref<!tpu.dma_semaphore, #tpu.memory_space<semaphore_mem>>) src(%dma_wait3A_574 : memref<62501x16xf32, #tpu.memory_space<hbm>>) dst(%dma_wait3A_568 : memref<128x16xf32, #tpu.memory_space<vmem>>)
    %dma_wait3A_575 = arith.constant 2 : i32
    %dma_wait3A_576 = arith.constant 256 : i32
    %dma_wait3A_577 = arith.constant 0 : i32
    %dma_wait3A_578 = tpu.memref_slice %arg30[%dma_wait3A_576, %dma_wait3A_577] : memref<512x64xf32, #tpu.memory_space<vmem>> -> memref<128x64xf32, #tpu.memory_space<vmem>>
    %dma_wait3A_579 = arith.constant 0 : i32
    %dma_wait3A_580 = tpu.memref_slice %arg22[%dma_wait3A_575, %dma_wait3A_579] : memref<4x128xi32, #tpu.memory_space<vmem>> -> memref<1x128xi32, #tpu.memory_space<vmem>>
    %dma_wait3A_581 = tpu.memref_squeeze %dma_wait3A_580 : memref<1x128xi32, #tpu.memory_space<vmem>> -> memref<128xi32, #tpu.memory_space<vmem>>
    %dma_wait3A_582 = arith.constant 0 : i32
    %dma_wait3A_583 = arith.constant 0 : i32
    %dma_wait3A_584 = tpu.memref_slice %arg2[%dma_wait3A_582, %dma_wait3A_583] : memref<1000001x64xf32, #tpu.memory_space<hbm>> -> memref<1000001x64xf32, #tpu.memory_space<hbm>>
    tpu.wait_indirect_dma semaphore(%arg38 : memref<!tpu.dma_semaphore, #tpu.memory_space<semaphore_mem>>) src(%dma_wait3A_584 : memref<1000001x64xf32, #tpu.memory_space<hbm>>) dst(%dma_wait3A_578 : memref<128x64xf32, #tpu.memory_space<vmem>>)
    %dma_wait3A_585 = arith.constant 2 : i32
    %dma_wait3A_586 = arith.constant 256 : i32
    %dma_wait3A_587 = arith.constant 0 : i32
    %dma_wait3A_588 = tpu.memref_slice %arg31[%dma_wait3A_586, %dma_wait3A_587] : memref<512x64xf32, #tpu.memory_space<vmem>> -> memref<128x64xf32, #tpu.memory_space<vmem>>
    %dma_wait3A_589 = arith.constant 0 : i32
    %dma_wait3A_590 = tpu.memref_slice %arg23[%dma_wait3A_585, %dma_wait3A_589] : memref<4x128xi32, #tpu.memory_space<vmem>> -> memref<1x128xi32, #tpu.memory_space<vmem>>
    %dma_wait3A_591 = tpu.memref_squeeze %dma_wait3A_590 : memref<1x128xi32, #tpu.memory_space<vmem>> -> memref<128xi32, #tpu.memory_space<vmem>>
    %dma_wait3A_592 = arith.constant 0 : i32
    %dma_wait3A_593 = arith.constant 0 : i32
    %dma_wait3A_594 = tpu.memref_slice %arg3[%dma_wait3A_592, %dma_wait3A_593] : memref<1000001x64xf32, #tpu.memory_space<hbm>> -> memref<1000001x64xf32, #tpu.memory_space<hbm>>
    tpu.wait_indirect_dma semaphore(%arg38 : memref<!tpu.dma_semaphore, #tpu.memory_space<semaphore_mem>>) src(%dma_wait3A_594 : memref<1000001x64xf32, #tpu.memory_space<hbm>>) dst(%dma_wait3A_588 : memref<128x64xf32, #tpu.memory_space<vmem>>)
    %dma_wait3A_595 = arith.constant 2 : i32
    %dma_wait3A_596 = arith.constant 256 : i32
    %dma_wait3A_597 = arith.constant 0 : i32
    %dma_wait3A_598 = tpu.memref_slice %arg34[%dma_wait3A_596, %dma_wait3A_597] : memref<512x16xf32, #tpu.memory_space<vmem>> -> memref<128x16xf32, #tpu.memory_space<vmem>>
    %dma_wait3A_599 = arith.constant 0 : i32
    %dma_wait3A_600 = tpu.memref_slice %arg26[%dma_wait3A_595, %dma_wait3A_599] : memref<4x128xi32, #tpu.memory_space<vmem>> -> memref<1x128xi32, #tpu.memory_space<vmem>>
    %dma_wait3A_601 = tpu.memref_squeeze %dma_wait3A_600 : memref<1x128xi32, #tpu.memory_space<vmem>> -> memref<128xi32, #tpu.memory_space<vmem>>
    %dma_wait3A_602 = arith.constant 0 : i32
    %dma_wait3A_603 = arith.constant 0 : i32
    %dma_wait3A_604 = tpu.memref_slice %arg4[%dma_wait3A_602, %dma_wait3A_603] : memref<62501x16xf32, #tpu.memory_space<hbm>> -> memref<62501x16xf32, #tpu.memory_space<hbm>>
    tpu.wait_indirect_dma semaphore(%arg38 : memref<!tpu.dma_semaphore, #tpu.memory_space<semaphore_mem>>) src(%dma_wait3A_604 : memref<62501x16xf32, #tpu.memory_space<hbm>>) dst(%dma_wait3A_598 : memref<128x16xf32, #tpu.memory_space<vmem>>)
    %dma_wait3A_605 = arith.constant 2 : i32
    %dma_wait3A_606 = arith.constant 256 : i32
    %dma_wait3A_607 = arith.constant 0 : i32
    %dma_wait3A_608 = tpu.memref_slice %arg35[%dma_wait3A_606, %dma_wait3A_607] : memref<512x16xf32, #tpu.memory_space<vmem>> -> memref<128x16xf32, #tpu.memory_space<vmem>>
    %dma_wait3A_609 = arith.constant 0 : i32
    %dma_wait3A_610 = tpu.memref_slice %arg27[%dma_wait3A_605, %dma_wait3A_609] : memref<4x128xi32, #tpu.memory_space<vmem>> -> memref<1x128xi32, #tpu.memory_space<vmem>>
    %dma_wait3A_611 = tpu.memref_squeeze %dma_wait3A_610 : memref<1x128xi32, #tpu.memory_space<vmem>> -> memref<128xi32, #tpu.memory_space<vmem>>
    %dma_wait3A_612 = arith.constant 0 : i32
    %dma_wait3A_613 = arith.constant 0 : i32
    %dma_wait3A_614 = tpu.memref_slice %arg5[%dma_wait3A_612, %dma_wait3A_613] : memref<62501x16xf32, #tpu.memory_space<hbm>> -> memref<62501x16xf32, #tpu.memory_space<hbm>>
    tpu.wait_indirect_dma semaphore(%arg38 : memref<!tpu.dma_semaphore, #tpu.memory_space<semaphore_mem>>) src(%dma_wait3A_614 : memref<62501x16xf32, #tpu.memory_space<hbm>>) dst(%dma_wait3A_608 : memref<128x16xf32, #tpu.memory_space<vmem>>)
    %dma_wait3A_615 = arith.constant 3 : i32
    %dma_wait3A_616 = arith.constant 384 : i32
    %dma_wait3A_617 = arith.constant 0 : i32
    %dma_wait3A_618 = tpu.memref_slice %arg30[%dma_wait3A_616, %dma_wait3A_617] : memref<512x64xf32, #tpu.memory_space<vmem>> -> memref<128x64xf32, #tpu.memory_space<vmem>>
    %dma_wait3A_619 = arith.constant 0 : i32
    %dma_wait3A_620 = tpu.memref_slice %arg22[%dma_wait3A_615, %dma_wait3A_619] : memref<4x128xi32, #tpu.memory_space<vmem>> -> memref<1x128xi32, #tpu.memory_space<vmem>>
    %dma_wait3A_621 = tpu.memref_squeeze %dma_wait3A_620 : memref<1x128xi32, #tpu.memory_space<vmem>> -> memref<128xi32, #tpu.memory_space<vmem>>
    %dma_wait3A_622 = arith.constant 0 : i32
    %dma_wait3A_623 = arith.constant 0 : i32
    %dma_wait3A_624 = tpu.memref_slice %arg2[%dma_wait3A_622, %dma_wait3A_623] : memref<1000001x64xf32, #tpu.memory_space<hbm>> -> memref<1000001x64xf32, #tpu.memory_space<hbm>>
    tpu.wait_indirect_dma semaphore(%arg38 : memref<!tpu.dma_semaphore, #tpu.memory_space<semaphore_mem>>) src(%dma_wait3A_624 : memref<1000001x64xf32, #tpu.memory_space<hbm>>) dst(%dma_wait3A_618 : memref<128x64xf32, #tpu.memory_space<vmem>>)
    %dma_wait3A_625 = arith.constant 3 : i32
    %dma_wait3A_626 = arith.constant 384 : i32
    %dma_wait3A_627 = arith.constant 0 : i32
    %dma_wait3A_628 = tpu.memref_slice %arg31[%dma_wait3A_626, %dma_wait3A_627] : memref<512x64xf32, #tpu.memory_space<vmem>> -> memref<128x64xf32, #tpu.memory_space<vmem>>
    %dma_wait3A_629 = arith.constant 0 : i32
    %dma_wait3A_630 = tpu.memref_slice %arg23[%dma_wait3A_625, %dma_wait3A_629] : memref<4x128xi32, #tpu.memory_space<vmem>> -> memref<1x128xi32, #tpu.memory_space<vmem>>
    %dma_wait3A_631 = tpu.memref_squeeze %dma_wait3A_630 : memref<1x128xi32, #tpu.memory_space<vmem>> -> memref<128xi32, #tpu.memory_space<vmem>>
    %dma_wait3A_632 = arith.constant 0 : i32
    %dma_wait3A_633 = arith.constant 0 : i32
    %dma_wait3A_634 = tpu.memref_slice %arg3[%dma_wait3A_632, %dma_wait3A_633] : memref<1000001x64xf32, #tpu.memory_space<hbm>> -> memref<1000001x64xf32, #tpu.memory_space<hbm>>
    tpu.wait_indirect_dma semaphore(%arg38 : memref<!tpu.dma_semaphore, #tpu.memory_space<semaphore_mem>>) src(%dma_wait3A_634 : memref<1000001x64xf32, #tpu.memory_space<hbm>>) dst(%dma_wait3A_628 : memref<128x64xf32, #tpu.memory_space<vmem>>)
    %dma_wait3A_635 = arith.constant 3 : i32
    %dma_wait3A_636 = arith.constant 384 : i32
    %dma_wait3A_637 = arith.constant 0 : i32
    %dma_wait3A_638 = tpu.memref_slice %arg34[%dma_wait3A_636, %dma_wait3A_637] : memref<512x16xf32, #tpu.memory_space<vmem>> -> memref<128x16xf32, #tpu.memory_space<vmem>>
    %dma_wait3A_639 = arith.constant 0 : i32
    %dma_wait3A_640 = tpu.memref_slice %arg26[%dma_wait3A_635, %dma_wait3A_639] : memref<4x128xi32, #tpu.memory_space<vmem>> -> memref<1x128xi32, #tpu.memory_space<vmem>>
    %dma_wait3A_641 = tpu.memref_squeeze %dma_wait3A_640 : memref<1x128xi32, #tpu.memory_space<vmem>> -> memref<128xi32, #tpu.memory_space<vmem>>
    %dma_wait3A_642 = arith.constant 0 : i32
    %dma_wait3A_643 = arith.constant 0 : i32
    %dma_wait3A_644 = tpu.memref_slice %arg4[%dma_wait3A_642, %dma_wait3A_643] : memref<62501x16xf32, #tpu.memory_space<hbm>> -> memref<62501x16xf32, #tpu.memory_space<hbm>>
    tpu.wait_indirect_dma semaphore(%arg38 : memref<!tpu.dma_semaphore, #tpu.memory_space<semaphore_mem>>) src(%dma_wait3A_644 : memref<62501x16xf32, #tpu.memory_space<hbm>>) dst(%dma_wait3A_638 : memref<128x16xf32, #tpu.memory_space<vmem>>)
    %dma_wait3A_645 = arith.constant 3 : i32
    %dma_wait3A_646 = arith.constant 384 : i32
    %dma_wait3A_647 = arith.constant 0 : i32
    %dma_wait3A_648 = tpu.memref_slice %arg35[%dma_wait3A_646, %dma_wait3A_647] : memref<512x16xf32, #tpu.memory_space<vmem>> -> memref<128x16xf32, #tpu.memory_space<vmem>>
    %dma_wait3A_649 = arith.constant 0 : i32
    %dma_wait3A_650 = tpu.memref_slice %arg27[%dma_wait3A_645, %dma_wait3A_649] : memref<4x128xi32, #tpu.memory_space<vmem>> -> memref<1x128xi32, #tpu.memory_space<vmem>>
    %dma_wait3A_651 = tpu.memref_squeeze %dma_wait3A_650 : memref<1x128xi32, #tpu.memory_space<vmem>> -> memref<128xi32, #tpu.memory_space<vmem>>
    %dma_wait3A_652 = arith.constant 0 : i32
    %dma_wait3A_653 = arith.constant 0 : i32
    %dma_wait3A_654 = tpu.memref_slice %arg5[%dma_wait3A_652, %dma_wait3A_653] : memref<62501x16xf32, #tpu.memory_space<hbm>> -> memref<62501x16xf32, #tpu.memory_space<hbm>>
    tpu.wait_indirect_dma semaphore(%arg38 : memref<!tpu.dma_semaphore, #tpu.memory_space<semaphore_mem>>) src(%dma_wait3A_654 : memref<62501x16xf32, #tpu.memory_space<hbm>>) dst(%dma_wait3A_648 : memref<128x16xf32, #tpu.memory_space<vmem>>)
    %dma_wait3A_655 = arith.constant 0 : i32
    %dma_wait3A_656 = arith.constant 0 : i32
    %dma_wait3A_657 = arith.constant 0 : i32
    %dma_wait3A_658 = tpu.memref_slice %arg32[%dma_wait3A_656, %dma_wait3A_657] : memref<2048x8xf32, #tpu.memory_space<vmem>> -> memref<128x8xf32, #tpu.memory_space<vmem>>
    %dma_wait3A_659 = arith.constant 0 : i32
    %dma_wait3A_660 = tpu.memref_slice %arg24[%dma_wait3A_655, %dma_wait3A_659] : memref<16x128xi32, #tpu.memory_space<vmem>> -> memref<1x128xi32, #tpu.memory_space<vmem>>
    %dma_wait3A_661 = tpu.memref_squeeze %dma_wait3A_660 : memref<1x128xi32, #tpu.memory_space<vmem>> -> memref<128xi32, #tpu.memory_space<vmem>>
    %dma_wait3A_662 = arith.constant 0 : i32
    %dma_wait3A_663 = arith.constant 0 : i32
    %dma_wait3A_664 = tpu.memref_slice %arg6[%dma_wait3A_662, %dma_wait3A_663] : memref<40000x8xf32, #tpu.memory_space<hbm>> -> memref<40000x8xf32, #tpu.memory_space<hbm>>
    tpu.wait_indirect_dma semaphore(%arg38 : memref<!tpu.dma_semaphore, #tpu.memory_space<semaphore_mem>>) src(%dma_wait3A_664 : memref<40000x8xf32, #tpu.memory_space<hbm>>) dst(%dma_wait3A_658 : memref<128x8xf32, #tpu.memory_space<vmem>>)
    %dma_wait3A_665 = arith.constant 0 : i32
    %dma_wait3A_666 = arith.constant 0 : i32
    %dma_wait3A_667 = arith.constant 0 : i32
    %dma_wait3A_668 = tpu.memref_slice %arg33[%dma_wait3A_666, %dma_wait3A_667] : memref<2048x8xf32, #tpu.memory_space<vmem>> -> memref<128x8xf32, #tpu.memory_space<vmem>>
    %dma_wait3A_669 = arith.constant 0 : i32
    %dma_wait3A_670 = tpu.memref_slice %arg25[%dma_wait3A_665, %dma_wait3A_669] : memref<16x128xi32, #tpu.memory_space<vmem>> -> memref<1x128xi32, #tpu.memory_space<vmem>>
    %dma_wait3A_671 = tpu.memref_squeeze %dma_wait3A_670 : memref<1x128xi32, #tpu.memory_space<vmem>> -> memref<128xi32, #tpu.memory_space<vmem>>
    %dma_wait3A_672 = arith.constant 0 : i32
    %dma_wait3A_673 = arith.constant 0 : i32
    %dma_wait3A_674 = tpu.memref_slice %arg7[%dma_wait3A_672, %dma_wait3A_673] : memref<40000x8xf32, #tpu.memory_space<hbm>> -> memref<40000x8xf32, #tpu.memory_space<hbm>>
    tpu.wait_indirect_dma semaphore(%arg38 : memref<!tpu.dma_semaphore, #tpu.memory_space<semaphore_mem>>) src(%dma_wait3A_674 : memref<40000x8xf32, #tpu.memory_space<hbm>>) dst(%dma_wait3A_668 : memref<128x8xf32, #tpu.memory_space<vmem>>)
    %dma_wait3A_675 = arith.constant 1 : i32
    %dma_wait3A_676 = arith.constant 128 : i32
    %dma_wait3A_677 = arith.constant 0 : i32
    %dma_wait3A_678 = tpu.memref_slice %arg32[%dma_wait3A_676, %dma_wait3A_677] : memref<2048x8xf32, #tpu.memory_space<vmem>> -> memref<128x8xf32, #tpu.memory_space<vmem>>
    %dma_wait3A_679 = arith.constant 0 : i32
    %dma_wait3A_680 = tpu.memref_slice %arg24[%dma_wait3A_675, %dma_wait3A_679] : memref<16x128xi32, #tpu.memory_space<vmem>> -> memref<1x128xi32, #tpu.memory_space<vmem>>
    %dma_wait3A_681 = tpu.memref_squeeze %dma_wait3A_680 : memref<1x128xi32, #tpu.memory_space<vmem>> -> memref<128xi32, #tpu.memory_space<vmem>>
    %dma_wait3A_682 = arith.constant 0 : i32
    %dma_wait3A_683 = arith.constant 0 : i32
    %dma_wait3A_684 = tpu.memref_slice %arg6[%dma_wait3A_682, %dma_wait3A_683] : memref<40000x8xf32, #tpu.memory_space<hbm>> -> memref<40000x8xf32, #tpu.memory_space<hbm>>
    tpu.wait_indirect_dma semaphore(%arg38 : memref<!tpu.dma_semaphore, #tpu.memory_space<semaphore_mem>>) src(%dma_wait3A_684 : memref<40000x8xf32, #tpu.memory_space<hbm>>) dst(%dma_wait3A_678 : memref<128x8xf32, #tpu.memory_space<vmem>>)
    %dma_wait3A_685 = arith.constant 1 : i32
    %dma_wait3A_686 = arith.constant 128 : i32
    %dma_wait3A_687 = arith.constant 0 : i32
    %dma_wait3A_688 = tpu.memref_slice %arg33[%dma_wait3A_686, %dma_wait3A_687] : memref<2048x8xf32, #tpu.memory_space<vmem>> -> memref<128x8xf32, #tpu.memory_space<vmem>>
    %dma_wait3A_689 = arith.constant 0 : i32
    %dma_wait3A_690 = tpu.memref_slice %arg25[%dma_wait3A_685, %dma_wait3A_689] : memref<16x128xi32, #tpu.memory_space<vmem>> -> memref<1x128xi32, #tpu.memory_space<vmem>>
    %dma_wait3A_691 = tpu.memref_squeeze %dma_wait3A_690 : memref<1x128xi32, #tpu.memory_space<vmem>> -> memref<128xi32, #tpu.memory_space<vmem>>
    %dma_wait3A_692 = arith.constant 0 : i32
    %dma_wait3A_693 = arith.constant 0 : i32
    %dma_wait3A_694 = tpu.memref_slice %arg7[%dma_wait3A_692, %dma_wait3A_693] : memref<40000x8xf32, #tpu.memory_space<hbm>> -> memref<40000x8xf32, #tpu.memory_space<hbm>>
    tpu.wait_indirect_dma semaphore(%arg38 : memref<!tpu.dma_semaphore, #tpu.memory_space<semaphore_mem>>) src(%dma_wait3A_694 : memref<40000x8xf32, #tpu.memory_space<hbm>>) dst(%dma_wait3A_688 : memref<128x8xf32, #tpu.memory_space<vmem>>)
    %dma_wait3A_695 = arith.constant 2 : i32
    %dma_wait3A_696 = arith.constant 256 : i32
    %dma_wait3A_697 = arith.constant 0 : i32
    %dma_wait3A_698 = tpu.memref_slice %arg32[%dma_wait3A_696, %dma_wait3A_697] : memref<2048x8xf32, #tpu.memory_space<vmem>> -> memref<128x8xf32, #tpu.memory_space<vmem>>
    %dma_wait3A_699 = arith.constant 0 : i32
    %dma_wait3A_700 = tpu.memref_slice %arg24[%dma_wait3A_695, %dma_wait3A_699] : memref<16x128xi32, #tpu.memory_space<vmem>> -> memref<1x128xi32, #tpu.memory_space<vmem>>
    %dma_wait3A_701 = tpu.memref_squeeze %dma_wait3A_700 : memref<1x128xi32, #tpu.memory_space<vmem>> -> memref<128xi32, #tpu.memory_space<vmem>>
    %dma_wait3A_702 = arith.constant 0 : i32
    %dma_wait3A_703 = arith.constant 0 : i32
    %dma_wait3A_704 = tpu.memref_slice %arg6[%dma_wait3A_702, %dma_wait3A_703] : memref<40000x8xf32, #tpu.memory_space<hbm>> -> memref<40000x8xf32, #tpu.memory_space<hbm>>
    tpu.wait_indirect_dma semaphore(%arg38 : memref<!tpu.dma_semaphore, #tpu.memory_space<semaphore_mem>>) src(%dma_wait3A_704 : memref<40000x8xf32, #tpu.memory_space<hbm>>) dst(%dma_wait3A_698 : memref<128x8xf32, #tpu.memory_space<vmem>>)
    %dma_wait3A_705 = arith.constant 2 : i32
    %dma_wait3A_706 = arith.constant 256 : i32
    %dma_wait3A_707 = arith.constant 0 : i32
    %dma_wait3A_708 = tpu.memref_slice %arg33[%dma_wait3A_706, %dma_wait3A_707] : memref<2048x8xf32, #tpu.memory_space<vmem>> -> memref<128x8xf32, #tpu.memory_space<vmem>>
    %dma_wait3A_709 = arith.constant 0 : i32
    %dma_wait3A_710 = tpu.memref_slice %arg25[%dma_wait3A_705, %dma_wait3A_709] : memref<16x128xi32, #tpu.memory_space<vmem>> -> memref<1x128xi32, #tpu.memory_space<vmem>>
    %dma_wait3A_711 = tpu.memref_squeeze %dma_wait3A_710 : memref<1x128xi32, #tpu.memory_space<vmem>> -> memref<128xi32, #tpu.memory_space<vmem>>
    %dma_wait3A_712 = arith.constant 0 : i32
    %dma_wait3A_713 = arith.constant 0 : i32
    %dma_wait3A_714 = tpu.memref_slice %arg7[%dma_wait3A_712, %dma_wait3A_713] : memref<40000x8xf32, #tpu.memory_space<hbm>> -> memref<40000x8xf32, #tpu.memory_space<hbm>>
    tpu.wait_indirect_dma semaphore(%arg38 : memref<!tpu.dma_semaphore, #tpu.memory_space<semaphore_mem>>) src(%dma_wait3A_714 : memref<40000x8xf32, #tpu.memory_space<hbm>>) dst(%dma_wait3A_708 : memref<128x8xf32, #tpu.memory_space<vmem>>)
    %dma_wait3A_715 = arith.constant 3 : i32
    %dma_wait3A_716 = arith.constant 384 : i32
    %dma_wait3A_717 = arith.constant 0 : i32
    %dma_wait3A_718 = tpu.memref_slice %arg32[%dma_wait3A_716, %dma_wait3A_717] : memref<2048x8xf32, #tpu.memory_space<vmem>> -> memref<128x8xf32, #tpu.memory_space<vmem>>
    %dma_wait3A_719 = arith.constant 0 : i32
    %dma_wait3A_720 = tpu.memref_slice %arg24[%dma_wait3A_715, %dma_wait3A_719] : memref<16x128xi32, #tpu.memory_space<vmem>> -> memref<1x128xi32, #tpu.memory_space<vmem>>
    %dma_wait3A_721 = tpu.memref_squeeze %dma_wait3A_720 : memref<1x128xi32, #tpu.memory_space<vmem>> -> memref<128xi32, #tpu.memory_space<vmem>>
    %dma_wait3A_722 = arith.constant 0 : i32
    %dma_wait3A_723 = arith.constant 0 : i32
    %dma_wait3A_724 = tpu.memref_slice %arg6[%dma_wait3A_722, %dma_wait3A_723] : memref<40000x8xf32, #tpu.memory_space<hbm>> -> memref<40000x8xf32, #tpu.memory_space<hbm>>
    tpu.wait_indirect_dma semaphore(%arg38 : memref<!tpu.dma_semaphore, #tpu.memory_space<semaphore_mem>>) src(%dma_wait3A_724 : memref<40000x8xf32, #tpu.memory_space<hbm>>) dst(%dma_wait3A_718 : memref<128x8xf32, #tpu.memory_space<vmem>>)
    %dma_wait3A_725 = arith.constant 3 : i32
    %dma_wait3A_726 = arith.constant 384 : i32
    %dma_wait3A_727 = arith.constant 0 : i32
    %dma_wait3A_728 = tpu.memref_slice %arg33[%dma_wait3A_726, %dma_wait3A_727] : memref<2048x8xf32, #tpu.memory_space<vmem>> -> memref<128x8xf32, #tpu.memory_space<vmem>>
    %dma_wait3A_729 = arith.constant 0 : i32
    %dma_wait3A_730 = tpu.memref_slice %arg25[%dma_wait3A_725, %dma_wait3A_729] : memref<16x128xi32, #tpu.memory_space<vmem>> -> memref<1x128xi32, #tpu.memory_space<vmem>>
    %dma_wait3A_731 = tpu.memref_squeeze %dma_wait3A_730 : memref<1x128xi32, #tpu.memory_space<vmem>> -> memref<128xi32, #tpu.memory_space<vmem>>
    %dma_wait3A_732 = arith.constant 0 : i32
    %dma_wait3A_733 = arith.constant 0 : i32
    %dma_wait3A_734 = tpu.memref_slice %arg7[%dma_wait3A_732, %dma_wait3A_733] : memref<40000x8xf32, #tpu.memory_space<hbm>> -> memref<40000x8xf32, #tpu.memory_space<hbm>>
    tpu.wait_indirect_dma semaphore(%arg38 : memref<!tpu.dma_semaphore, #tpu.memory_space<semaphore_mem>>) src(%dma_wait3A_734 : memref<40000x8xf32, #tpu.memory_space<hbm>>) dst(%dma_wait3A_728 : memref<128x8xf32, #tpu.memory_space<vmem>>)
    %dma_wait3A_735 = arith.constant 4 : i32
    %dma_wait3A_736 = arith.constant 512 : i32
    %dma_wait3A_737 = arith.constant 0 : i32
    %dma_wait3A_738 = tpu.memref_slice %arg32[%dma_wait3A_736, %dma_wait3A_737] : memref<2048x8xf32, #tpu.memory_space<vmem>> -> memref<128x8xf32, #tpu.memory_space<vmem>>
    %dma_wait3A_739 = arith.constant 0 : i32
    %dma_wait3A_740 = tpu.memref_slice %arg24[%dma_wait3A_735, %dma_wait3A_739] : memref<16x128xi32, #tpu.memory_space<vmem>> -> memref<1x128xi32, #tpu.memory_space<vmem>>
    %dma_wait3A_741 = tpu.memref_squeeze %dma_wait3A_740 : memref<1x128xi32, #tpu.memory_space<vmem>> -> memref<128xi32, #tpu.memory_space<vmem>>
    %dma_wait3A_742 = arith.constant 0 : i32
    %dma_wait3A_743 = arith.constant 0 : i32
    %dma_wait3A_744 = tpu.memref_slice %arg6[%dma_wait3A_742, %dma_wait3A_743] : memref<40000x8xf32, #tpu.memory_space<hbm>> -> memref<40000x8xf32, #tpu.memory_space<hbm>>
    tpu.wait_indirect_dma semaphore(%arg38 : memref<!tpu.dma_semaphore, #tpu.memory_space<semaphore_mem>>) src(%dma_wait3A_744 : memref<40000x8xf32, #tpu.memory_space<hbm>>) dst(%dma_wait3A_738 : memref<128x8xf32, #tpu.memory_space<vmem>>)
    %dma_wait3A_745 = arith.constant 4 : i32
    %dma_wait3A_746 = arith.constant 512 : i32
    %dma_wait3A_747 = arith.constant 0 : i32
    %dma_wait3A_748 = tpu.memref_slice %arg33[%dma_wait3A_746, %dma_wait3A_747] : memref<2048x8xf32, #tpu.memory_space<vmem>> -> memref<128x8xf32, #tpu.memory_space<vmem>>
    %dma_wait3A_749 = arith.constant 0 : i32
    %dma_wait3A_750 = tpu.memref_slice %arg25[%dma_wait3A_745, %dma_wait3A_749] : memref<16x128xi32, #tpu.memory_space<vmem>> -> memref<1x128xi32, #tpu.memory_space<vmem>>
    %dma_wait3A_751 = tpu.memref_squeeze %dma_wait3A_750 : memref<1x128xi32, #tpu.memory_space<vmem>> -> memref<128xi32, #tpu.memory_space<vmem>>
    %dma_wait3A_752 = arith.constant 0 : i32
    %dma_wait3A_753 = arith.constant 0 : i32
    %dma_wait3A_754 = tpu.memref_slice %arg7[%dma_wait3A_752, %dma_wait3A_753] : memref<40000x8xf32, #tpu.memory_space<hbm>> -> memref<40000x8xf32, #tpu.memory_space<hbm>>
    tpu.wait_indirect_dma semaphore(%arg38 : memref<!tpu.dma_semaphore, #tpu.memory_space<semaphore_mem>>) src(%dma_wait3A_754 : memref<40000x8xf32, #tpu.memory_space<hbm>>) dst(%dma_wait3A_748 : memref<128x8xf32, #tpu.memory_space<vmem>>)
    %dma_wait3A_755 = arith.constant 5 : i32
    %dma_wait3A_756 = arith.constant 640 : i32
    %dma_wait3A_757 = arith.constant 0 : i32
    %dma_wait3A_758 = tpu.memref_slice %arg32[%dma_wait3A_756, %dma_wait3A_757] : memref<2048x8xf32, #tpu.memory_space<vmem>> -> memref<128x8xf32, #tpu.memory_space<vmem>>
    %dma_wait3A_759 = arith.constant 0 : i32
    %dma_wait3A_760 = tpu.memref_slice %arg24[%dma_wait3A_755, %dma_wait3A_759] : memref<16x128xi32, #tpu.memory_space<vmem>> -> memref<1x128xi32, #tpu.memory_space<vmem>>
    %dma_wait3A_761 = tpu.memref_squeeze %dma_wait3A_760 : memref<1x128xi32, #tpu.memory_space<vmem>> -> memref<128xi32, #tpu.memory_space<vmem>>
    %dma_wait3A_762 = arith.constant 0 : i32
    %dma_wait3A_763 = arith.constant 0 : i32
    %dma_wait3A_764 = tpu.memref_slice %arg6[%dma_wait3A_762, %dma_wait3A_763] : memref<40000x8xf32, #tpu.memory_space<hbm>> -> memref<40000x8xf32, #tpu.memory_space<hbm>>
    tpu.wait_indirect_dma semaphore(%arg38 : memref<!tpu.dma_semaphore, #tpu.memory_space<semaphore_mem>>) src(%dma_wait3A_764 : memref<40000x8xf32, #tpu.memory_space<hbm>>) dst(%dma_wait3A_758 : memref<128x8xf32, #tpu.memory_space<vmem>>)
    %dma_wait3A_765 = arith.constant 5 : i32
    %dma_wait3A_766 = arith.constant 640 : i32
    %dma_wait3A_767 = arith.constant 0 : i32
    %dma_wait3A_768 = tpu.memref_slice %arg33[%dma_wait3A_766, %dma_wait3A_767] : memref<2048x8xf32, #tpu.memory_space<vmem>> -> memref<128x8xf32, #tpu.memory_space<vmem>>
    %dma_wait3A_769 = arith.constant 0 : i32
    %dma_wait3A_770 = tpu.memref_slice %arg25[%dma_wait3A_765, %dma_wait3A_769] : memref<16x128xi32, #tpu.memory_space<vmem>> -> memref<1x128xi32, #tpu.memory_space<vmem>>
    %dma_wait3A_771 = tpu.memref_squeeze %dma_wait3A_770 : memref<1x128xi32, #tpu.memory_space<vmem>> -> memref<128xi32, #tpu.memory_space<vmem>>
    %dma_wait3A_772 = arith.constant 0 : i32
    %dma_wait3A_773 = arith.constant 0 : i32
    %dma_wait3A_774 = tpu.memref_slice %arg7[%dma_wait3A_772, %dma_wait3A_773] : memref<40000x8xf32, #tpu.memory_space<hbm>> -> memref<40000x8xf32, #tpu.memory_space<hbm>>
    tpu.wait_indirect_dma semaphore(%arg38 : memref<!tpu.dma_semaphore, #tpu.memory_space<semaphore_mem>>) src(%dma_wait3A_774 : memref<40000x8xf32, #tpu.memory_space<hbm>>) dst(%dma_wait3A_768 : memref<128x8xf32, #tpu.memory_space<vmem>>)
    %dma_wait3A_775 = arith.constant 6 : i32
    %dma_wait3A_776 = arith.constant 768 : i32
    %dma_wait3A_777 = arith.constant 0 : i32
    %dma_wait3A_778 = tpu.memref_slice %arg32[%dma_wait3A_776, %dma_wait3A_777] : memref<2048x8xf32, #tpu.memory_space<vmem>> -> memref<128x8xf32, #tpu.memory_space<vmem>>
    %dma_wait3A_779 = arith.constant 0 : i32
    %dma_wait3A_780 = tpu.memref_slice %arg24[%dma_wait3A_775, %dma_wait3A_779] : memref<16x128xi32, #tpu.memory_space<vmem>> -> memref<1x128xi32, #tpu.memory_space<vmem>>
    %dma_wait3A_781 = tpu.memref_squeeze %dma_wait3A_780 : memref<1x128xi32, #tpu.memory_space<vmem>> -> memref<128xi32, #tpu.memory_space<vmem>>
    %dma_wait3A_782 = arith.constant 0 : i32
    %dma_wait3A_783 = arith.constant 0 : i32
    %dma_wait3A_784 = tpu.memref_slice %arg6[%dma_wait3A_782, %dma_wait3A_783] : memref<40000x8xf32, #tpu.memory_space<hbm>> -> memref<40000x8xf32, #tpu.memory_space<hbm>>
    tpu.wait_indirect_dma semaphore(%arg38 : memref<!tpu.dma_semaphore, #tpu.memory_space<semaphore_mem>>) src(%dma_wait3A_784 : memref<40000x8xf32, #tpu.memory_space<hbm>>) dst(%dma_wait3A_778 : memref<128x8xf32, #tpu.memory_space<vmem>>)
    %dma_wait3A_785 = arith.constant 6 : i32
    %dma_wait3A_786 = arith.constant 768 : i32
    %dma_wait3A_787 = arith.constant 0 : i32
    %dma_wait3A_788 = tpu.memref_slice %arg33[%dma_wait3A_786, %dma_wait3A_787] : memref<2048x8xf32, #tpu.memory_space<vmem>> -> memref<128x8xf32, #tpu.memory_space<vmem>>
    %dma_wait3A_789 = arith.constant 0 : i32
    %dma_wait3A_790 = tpu.memref_slice %arg25[%dma_wait3A_785, %dma_wait3A_789] : memref<16x128xi32, #tpu.memory_space<vmem>> -> memref<1x128xi32, #tpu.memory_space<vmem>>
    %dma_wait3A_791 = tpu.memref_squeeze %dma_wait3A_790 : memref<1x128xi32, #tpu.memory_space<vmem>> -> memref<128xi32, #tpu.memory_space<vmem>>
    %dma_wait3A_792 = arith.constant 0 : i32
    %dma_wait3A_793 = arith.constant 0 : i32
    %dma_wait3A_794 = tpu.memref_slice %arg7[%dma_wait3A_792, %dma_wait3A_793] : memref<40000x8xf32, #tpu.memory_space<hbm>> -> memref<40000x8xf32, #tpu.memory_space<hbm>>
    tpu.wait_indirect_dma semaphore(%arg38 : memref<!tpu.dma_semaphore, #tpu.memory_space<semaphore_mem>>) src(%dma_wait3A_794 : memref<40000x8xf32, #tpu.memory_space<hbm>>) dst(%dma_wait3A_788 : memref<128x8xf32, #tpu.memory_space<vmem>>)
    %dma_wait3A_795 = arith.constant 7 : i32
    %dma_wait3A_796 = arith.constant 896 : i32
    %dma_wait3A_797 = arith.constant 0 : i32
    %dma_wait3A_798 = tpu.memref_slice %arg32[%dma_wait3A_796, %dma_wait3A_797] : memref<2048x8xf32, #tpu.memory_space<vmem>> -> memref<128x8xf32, #tpu.memory_space<vmem>>
    %dma_wait3A_799 = arith.constant 0 : i32
    %dma_wait3A_800 = tpu.memref_slice %arg24[%dma_wait3A_795, %dma_wait3A_799] : memref<16x128xi32, #tpu.memory_space<vmem>> -> memref<1x128xi32, #tpu.memory_space<vmem>>
    %dma_wait3A_801 = tpu.memref_squeeze %dma_wait3A_800 : memref<1x128xi32, #tpu.memory_space<vmem>> -> memref<128xi32, #tpu.memory_space<vmem>>
    %dma_wait3A_802 = arith.constant 0 : i32
    %dma_wait3A_803 = arith.constant 0 : i32
    %dma_wait3A_804 = tpu.memref_slice %arg6[%dma_wait3A_802, %dma_wait3A_803] : memref<40000x8xf32, #tpu.memory_space<hbm>> -> memref<40000x8xf32, #tpu.memory_space<hbm>>
    tpu.wait_indirect_dma semaphore(%arg38 : memref<!tpu.dma_semaphore, #tpu.memory_space<semaphore_mem>>) src(%dma_wait3A_804 : memref<40000x8xf32, #tpu.memory_space<hbm>>) dst(%dma_wait3A_798 : memref<128x8xf32, #tpu.memory_space<vmem>>)
    %dma_wait3A_805 = arith.constant 7 : i32
    %dma_wait3A_806 = arith.constant 896 : i32
    %dma_wait3A_807 = arith.constant 0 : i32
    %dma_wait3A_808 = tpu.memref_slice %arg33[%dma_wait3A_806, %dma_wait3A_807] : memref<2048x8xf32, #tpu.memory_space<vmem>> -> memref<128x8xf32, #tpu.memory_space<vmem>>
    %dma_wait3A_809 = arith.constant 0 : i32
    %dma_wait3A_810 = tpu.memref_slice %arg25[%dma_wait3A_805, %dma_wait3A_809] : memref<16x128xi32, #tpu.memory_space<vmem>> -> memref<1x128xi32, #tpu.memory_space<vmem>>
    %dma_wait3A_811 = tpu.memref_squeeze %dma_wait3A_810 : memref<1x128xi32, #tpu.memory_space<vmem>> -> memref<128xi32, #tpu.memory_space<vmem>>
    %dma_wait3A_812 = arith.constant 0 : i32
    %dma_wait3A_813 = arith.constant 0 : i32
    %dma_wait3A_814 = tpu.memref_slice %arg7[%dma_wait3A_812, %dma_wait3A_813] : memref<40000x8xf32, #tpu.memory_space<hbm>> -> memref<40000x8xf32, #tpu.memory_space<hbm>>
    tpu.wait_indirect_dma semaphore(%arg38 : memref<!tpu.dma_semaphore, #tpu.memory_space<semaphore_mem>>) src(%dma_wait3A_814 : memref<40000x8xf32, #tpu.memory_space<hbm>>) dst(%dma_wait3A_808 : memref<128x8xf32, #tpu.memory_space<vmem>>)
    %dma_wait3A_815 = arith.constant 8 : i32
    %dma_wait3A_816 = arith.constant 1024 : i32
    %dma_wait3A_817 = arith.constant 0 : i32
    %dma_wait3A_818 = tpu.memref_slice %arg32[%dma_wait3A_816, %dma_wait3A_817] : memref<2048x8xf32, #tpu.memory_space<vmem>> -> memref<128x8xf32, #tpu.memory_space<vmem>>
    %dma_wait3A_819 = arith.constant 0 : i32
    %dma_wait3A_820 = tpu.memref_slice %arg24[%dma_wait3A_815, %dma_wait3A_819] : memref<16x128xi32, #tpu.memory_space<vmem>> -> memref<1x128xi32, #tpu.memory_space<vmem>>
    %dma_wait3A_821 = tpu.memref_squeeze %dma_wait3A_820 : memref<1x128xi32, #tpu.memory_space<vmem>> -> memref<128xi32, #tpu.memory_space<vmem>>
    %dma_wait3A_822 = arith.constant 0 : i32
    %dma_wait3A_823 = arith.constant 0 : i32
    %dma_wait3A_824 = tpu.memref_slice %arg6[%dma_wait3A_822, %dma_wait3A_823] : memref<40000x8xf32, #tpu.memory_space<hbm>> -> memref<40000x8xf32, #tpu.memory_space<hbm>>
    tpu.wait_indirect_dma semaphore(%arg38 : memref<!tpu.dma_semaphore, #tpu.memory_space<semaphore_mem>>) src(%dma_wait3A_824 : memref<40000x8xf32, #tpu.memory_space<hbm>>) dst(%dma_wait3A_818 : memref<128x8xf32, #tpu.memory_space<vmem>>)
    %dma_wait3A_825 = arith.constant 8 : i32
    %dma_wait3A_826 = arith.constant 1024 : i32
    %dma_wait3A_827 = arith.constant 0 : i32
    %dma_wait3A_828 = tpu.memref_slice %arg33[%dma_wait3A_826, %dma_wait3A_827] : memref<2048x8xf32, #tpu.memory_space<vmem>> -> memref<128x8xf32, #tpu.memory_space<vmem>>
    %dma_wait3A_829 = arith.constant 0 : i32
    %dma_wait3A_830 = tpu.memref_slice %arg25[%dma_wait3A_825, %dma_wait3A_829] : memref<16x128xi32, #tpu.memory_space<vmem>> -> memref<1x128xi32, #tpu.memory_space<vmem>>
    %dma_wait3A_831 = tpu.memref_squeeze %dma_wait3A_830 : memref<1x128xi32, #tpu.memory_space<vmem>> -> memref<128xi32, #tpu.memory_space<vmem>>
    %dma_wait3A_832 = arith.constant 0 : i32
    %dma_wait3A_833 = arith.constant 0 : i32
    %dma_wait3A_834 = tpu.memref_slice %arg7[%dma_wait3A_832, %dma_wait3A_833] : memref<40000x8xf32, #tpu.memory_space<hbm>> -> memref<40000x8xf32, #tpu.memory_space<hbm>>
    tpu.wait_indirect_dma semaphore(%arg38 : memref<!tpu.dma_semaphore, #tpu.memory_space<semaphore_mem>>) src(%dma_wait3A_834 : memref<40000x8xf32, #tpu.memory_space<hbm>>) dst(%dma_wait3A_828 : memref<128x8xf32, #tpu.memory_space<vmem>>)
    %dma_wait3A_835 = arith.constant 9 : i32
    %dma_wait3A_836 = arith.constant 1152 : i32
    %dma_wait3A_837 = arith.constant 0 : i32
    %dma_wait3A_838 = tpu.memref_slice %arg32[%dma_wait3A_836, %dma_wait3A_837] : memref<2048x8xf32, #tpu.memory_space<vmem>> -> memref<128x8xf32, #tpu.memory_space<vmem>>
    %dma_wait3A_839 = arith.constant 0 : i32
    %dma_wait3A_840 = tpu.memref_slice %arg24[%dma_wait3A_835, %dma_wait3A_839] : memref<16x128xi32, #tpu.memory_space<vmem>> -> memref<1x128xi32, #tpu.memory_space<vmem>>
    %dma_wait3A_841 = tpu.memref_squeeze %dma_wait3A_840 : memref<1x128xi32, #tpu.memory_space<vmem>> -> memref<128xi32, #tpu.memory_space<vmem>>
    %dma_wait3A_842 = arith.constant 0 : i32
    %dma_wait3A_843 = arith.constant 0 : i32
    %dma_wait3A_844 = tpu.memref_slice %arg6[%dma_wait3A_842, %dma_wait3A_843] : memref<40000x8xf32, #tpu.memory_space<hbm>> -> memref<40000x8xf32, #tpu.memory_space<hbm>>
    tpu.wait_indirect_dma semaphore(%arg38 : memref<!tpu.dma_semaphore, #tpu.memory_space<semaphore_mem>>) src(%dma_wait3A_844 : memref<40000x8xf32, #tpu.memory_space<hbm>>) dst(%dma_wait3A_838 : memref<128x8xf32, #tpu.memory_space<vmem>>)
    %dma_wait3A_845 = arith.constant 9 : i32
    %dma_wait3A_846 = arith.constant 1152 : i32
    %dma_wait3A_847 = arith.constant 0 : i32
    %dma_wait3A_848 = tpu.memref_slice %arg33[%dma_wait3A_846, %dma_wait3A_847] : memref<2048x8xf32, #tpu.memory_space<vmem>> -> memref<128x8xf32, #tpu.memory_space<vmem>>
    %dma_wait3A_849 = arith.constant 0 : i32
    %dma_wait3A_850 = tpu.memref_slice %arg25[%dma_wait3A_845, %dma_wait3A_849] : memref<16x128xi32, #tpu.memory_space<vmem>> -> memref<1x128xi32, #tpu.memory_space<vmem>>
    %dma_wait3A_851 = tpu.memref_squeeze %dma_wait3A_850 : memref<1x128xi32, #tpu.memory_space<vmem>> -> memref<128xi32, #tpu.memory_space<vmem>>
    %dma_wait3A_852 = arith.constant 0 : i32
    %dma_wait3A_853 = arith.constant 0 : i32
    %dma_wait3A_854 = tpu.memref_slice %arg7[%dma_wait3A_852, %dma_wait3A_853] : memref<40000x8xf32, #tpu.memory_space<hbm>> -> memref<40000x8xf32, #tpu.memory_space<hbm>>
    tpu.wait_indirect_dma semaphore(%arg38 : memref<!tpu.dma_semaphore, #tpu.memory_space<semaphore_mem>>) src(%dma_wait3A_854 : memref<40000x8xf32, #tpu.memory_space<hbm>>) dst(%dma_wait3A_848 : memref<128x8xf32, #tpu.memory_space<vmem>>)
    %dma_wait3A_855 = arith.constant 10 : i32
    %dma_wait3A_856 = arith.constant 1280 : i32
    %dma_wait3A_857 = arith.constant 0 : i32
    %dma_wait3A_858 = tpu.memref_slice %arg32[%dma_wait3A_856, %dma_wait3A_857] : memref<2048x8xf32, #tpu.memory_space<vmem>> -> memref<128x8xf32, #tpu.memory_space<vmem>>
    %dma_wait3A_859 = arith.constant 0 : i32
    %dma_wait3A_860 = tpu.memref_slice %arg24[%dma_wait3A_855, %dma_wait3A_859] : memref<16x128xi32, #tpu.memory_space<vmem>> -> memref<1x128xi32, #tpu.memory_space<vmem>>
    %dma_wait3A_861 = tpu.memref_squeeze %dma_wait3A_860 : memref<1x128xi32, #tpu.memory_space<vmem>> -> memref<128xi32, #tpu.memory_space<vmem>>
    %dma_wait3A_862 = arith.constant 0 : i32
    %dma_wait3A_863 = arith.constant 0 : i32
    %dma_wait3A_864 = tpu.memref_slice %arg6[%dma_wait3A_862, %dma_wait3A_863] : memref<40000x8xf32, #tpu.memory_space<hbm>> -> memref<40000x8xf32, #tpu.memory_space<hbm>>
    tpu.wait_indirect_dma semaphore(%arg38 : memref<!tpu.dma_semaphore, #tpu.memory_space<semaphore_mem>>) src(%dma_wait3A_864 : memref<40000x8xf32, #tpu.memory_space<hbm>>) dst(%dma_wait3A_858 : memref<128x8xf32, #tpu.memory_space<vmem>>)
    %dma_wait3A_865 = arith.constant 10 : i32
    %dma_wait3A_866 = arith.constant 1280 : i32
    %dma_wait3A_867 = arith.constant 0 : i32
    %dma_wait3A_868 = tpu.memref_slice %arg33[%dma_wait3A_866, %dma_wait3A_867] : memref<2048x8xf32, #tpu.memory_space<vmem>> -> memref<128x8xf32, #tpu.memory_space<vmem>>
    %dma_wait3A_869 = arith.constant 0 : i32
    %dma_wait3A_870 = tpu.memref_slice %arg25[%dma_wait3A_865, %dma_wait3A_869] : memref<16x128xi32, #tpu.memory_space<vmem>> -> memref<1x128xi32, #tpu.memory_space<vmem>>
    %dma_wait3A_871 = tpu.memref_squeeze %dma_wait3A_870 : memref<1x128xi32, #tpu.memory_space<vmem>> -> memref<128xi32, #tpu.memory_space<vmem>>
    %dma_wait3A_872 = arith.constant 0 : i32
    %dma_wait3A_873 = arith.constant 0 : i32
    %dma_wait3A_874 = tpu.memref_slice %arg7[%dma_wait3A_872, %dma_wait3A_873] : memref<40000x8xf32, #tpu.memory_space<hbm>> -> memref<40000x8xf32, #tpu.memory_space<hbm>>
    tpu.wait_indirect_dma semaphore(%arg38 : memref<!tpu.dma_semaphore, #tpu.memory_space<semaphore_mem>>) src(%dma_wait3A_874 : memref<40000x8xf32, #tpu.memory_space<hbm>>) dst(%dma_wait3A_868 : memref<128x8xf32, #tpu.memory_space<vmem>>)
    %dma_wait3A_875 = arith.constant 11 : i32
    %dma_wait3A_876 = arith.constant 1408 : i32
    %dma_wait3A_877 = arith.constant 0 : i32
    %dma_wait3A_878 = tpu.memref_slice %arg32[%dma_wait3A_876, %dma_wait3A_877] : memref<2048x8xf32, #tpu.memory_space<vmem>> -> memref<128x8xf32, #tpu.memory_space<vmem>>
    %dma_wait3A_879 = arith.constant 0 : i32
    %dma_wait3A_880 = tpu.memref_slice %arg24[%dma_wait3A_875, %dma_wait3A_879] : memref<16x128xi32, #tpu.memory_space<vmem>> -> memref<1x128xi32, #tpu.memory_space<vmem>>
    %dma_wait3A_881 = tpu.memref_squeeze %dma_wait3A_880 : memref<1x128xi32, #tpu.memory_space<vmem>> -> memref<128xi32, #tpu.memory_space<vmem>>
    %dma_wait3A_882 = arith.constant 0 : i32
    %dma_wait3A_883 = arith.constant 0 : i32
    %dma_wait3A_884 = tpu.memref_slice %arg6[%dma_wait3A_882, %dma_wait3A_883] : memref<40000x8xf32, #tpu.memory_space<hbm>> -> memref<40000x8xf32, #tpu.memory_space<hbm>>
    tpu.wait_indirect_dma semaphore(%arg38 : memref<!tpu.dma_semaphore, #tpu.memory_space<semaphore_mem>>) src(%dma_wait3A_884 : memref<40000x8xf32, #tpu.memory_space<hbm>>) dst(%dma_wait3A_878 : memref<128x8xf32, #tpu.memory_space<vmem>>)
    %dma_wait3A_885 = arith.constant 11 : i32
    %dma_wait3A_886 = arith.constant 1408 : i32
    %dma_wait3A_887 = arith.constant 0 : i32
    %dma_wait3A_888 = tpu.memref_slice %arg33[%dma_wait3A_886, %dma_wait3A_887] : memref<2048x8xf32, #tpu.memory_space<vmem>> -> memref<128x8xf32, #tpu.memory_space<vmem>>
    %dma_wait3A_889 = arith.constant 0 : i32
    %dma_wait3A_890 = tpu.memref_slice %arg25[%dma_wait3A_885, %dma_wait3A_889] : memref<16x128xi32, #tpu.memory_space<vmem>> -> memref<1x128xi32, #tpu.memory_space<vmem>>
    %dma_wait3A_891 = tpu.memref_squeeze %dma_wait3A_890 : memref<1x128xi32, #tpu.memory_space<vmem>> -> memref<128xi32, #tpu.memory_space<vmem>>
    %dma_wait3A_892 = arith.constant 0 : i32
    %dma_wait3A_893 = arith.constant 0 : i32
    %dma_wait3A_894 = tpu.memref_slice %arg7[%dma_wait3A_892, %dma_wait3A_893] : memref<40000x8xf32, #tpu.memory_space<hbm>> -> memref<40000x8xf32, #tpu.memory_space<hbm>>
    tpu.wait_indirect_dma semaphore(%arg38 : memref<!tpu.dma_semaphore, #tpu.memory_space<semaphore_mem>>) src(%dma_wait3A_894 : memref<40000x8xf32, #tpu.memory_space<hbm>>) dst(%dma_wait3A_888 : memref<128x8xf32, #tpu.memory_space<vmem>>)
    %dma_wait3A_895 = arith.constant 12 : i32
    %dma_wait3A_896 = arith.constant 1536 : i32
    %dma_wait3A_897 = arith.constant 0 : i32
    %dma_wait3A_898 = tpu.memref_slice %arg32[%dma_wait3A_896, %dma_wait3A_897] : memref<2048x8xf32, #tpu.memory_space<vmem>> -> memref<128x8xf32, #tpu.memory_space<vmem>>
    %dma_wait3A_899 = arith.constant 0 : i32
    %dma_wait3A_900 = tpu.memref_slice %arg24[%dma_wait3A_895, %dma_wait3A_899] : memref<16x128xi32, #tpu.memory_space<vmem>> -> memref<1x128xi32, #tpu.memory_space<vmem>>
    %dma_wait3A_901 = tpu.memref_squeeze %dma_wait3A_900 : memref<1x128xi32, #tpu.memory_space<vmem>> -> memref<128xi32, #tpu.memory_space<vmem>>
    %dma_wait3A_902 = arith.constant 0 : i32
    %dma_wait3A_903 = arith.constant 0 : i32
    %dma_wait3A_904 = tpu.memref_slice %arg6[%dma_wait3A_902, %dma_wait3A_903] : memref<40000x8xf32, #tpu.memory_space<hbm>> -> memref<40000x8xf32, #tpu.memory_space<hbm>>
    tpu.wait_indirect_dma semaphore(%arg38 : memref<!tpu.dma_semaphore, #tpu.memory_space<semaphore_mem>>) src(%dma_wait3A_904 : memref<40000x8xf32, #tpu.memory_space<hbm>>) dst(%dma_wait3A_898 : memref<128x8xf32, #tpu.memory_space<vmem>>)
    %dma_wait3A_905 = arith.constant 12 : i32
    %dma_wait3A_906 = arith.constant 1536 : i32
    %dma_wait3A_907 = arith.constant 0 : i32
    %dma_wait3A_908 = tpu.memref_slice %arg33[%dma_wait3A_906, %dma_wait3A_907] : memref<2048x8xf32, #tpu.memory_space<vmem>> -> memref<128x8xf32, #tpu.memory_space<vmem>>
    %dma_wait3A_909 = arith.constant 0 : i32
    %dma_wait3A_910 = tpu.memref_slice %arg25[%dma_wait3A_905, %dma_wait3A_909] : memref<16x128xi32, #tpu.memory_space<vmem>> -> memref<1x128xi32, #tpu.memory_space<vmem>>
    %dma_wait3A_911 = tpu.memref_squeeze %dma_wait3A_910 : memref<1x128xi32, #tpu.memory_space<vmem>> -> memref<128xi32, #tpu.memory_space<vmem>>
    %dma_wait3A_912 = arith.constant 0 : i32
    %dma_wait3A_913 = arith.constant 0 : i32
    %dma_wait3A_914 = tpu.memref_slice %arg7[%dma_wait3A_912, %dma_wait3A_913] : memref<40000x8xf32, #tpu.memory_space<hbm>> -> memref<40000x8xf32, #tpu.memory_space<hbm>>
    tpu.wait_indirect_dma semaphore(%arg38 : memref<!tpu.dma_semaphore, #tpu.memory_space<semaphore_mem>>) src(%dma_wait3A_914 : memref<40000x8xf32, #tpu.memory_space<hbm>>) dst(%dma_wait3A_908 : memref<128x8xf32, #tpu.memory_space<vmem>>)
    %dma_wait3A_915 = arith.constant 13 : i32
    %dma_wait3A_916 = arith.constant 1664 : i32
    %dma_wait3A_917 = arith.constant 0 : i32
    %dma_wait3A_918 = tpu.memref_slice %arg32[%dma_wait3A_916, %dma_wait3A_917] : memref<2048x8xf32, #tpu.memory_space<vmem>> -> memref<128x8xf32, #tpu.memory_space<vmem>>
    %dma_wait3A_919 = arith.constant 0 : i32
    %dma_wait3A_920 = tpu.memref_slice %arg24[%dma_wait3A_915, %dma_wait3A_919] : memref<16x128xi32, #tpu.memory_space<vmem>> -> memref<1x128xi32, #tpu.memory_space<vmem>>
    %dma_wait3A_921 = tpu.memref_squeeze %dma_wait3A_920 : memref<1x128xi32, #tpu.memory_space<vmem>> -> memref<128xi32, #tpu.memory_space<vmem>>
    %dma_wait3A_922 = arith.constant 0 : i32
    %dma_wait3A_923 = arith.constant 0 : i32
    %dma_wait3A_924 = tpu.memref_slice %arg6[%dma_wait3A_922, %dma_wait3A_923] : memref<40000x8xf32, #tpu.memory_space<hbm>> -> memref<40000x8xf32, #tpu.memory_space<hbm>>
    tpu.wait_indirect_dma semaphore(%arg38 : memref<!tpu.dma_semaphore, #tpu.memory_space<semaphore_mem>>) src(%dma_wait3A_924 : memref<40000x8xf32, #tpu.memory_space<hbm>>) dst(%dma_wait3A_918 : memref<128x8xf32, #tpu.memory_space<vmem>>)
    %dma_wait3A_925 = arith.constant 13 : i32
    %dma_wait3A_926 = arith.constant 1664 : i32
    %dma_wait3A_927 = arith.constant 0 : i32
    %dma_wait3A_928 = tpu.memref_slice %arg33[%dma_wait3A_926, %dma_wait3A_927] : memref<2048x8xf32, #tpu.memory_space<vmem>> -> memref<128x8xf32, #tpu.memory_space<vmem>>
    %dma_wait3A_929 = arith.constant 0 : i32
    %dma_wait3A_930 = tpu.memref_slice %arg25[%dma_wait3A_925, %dma_wait3A_929] : memref<16x128xi32, #tpu.memory_space<vmem>> -> memref<1x128xi32, #tpu.memory_space<vmem>>
    %dma_wait3A_931 = tpu.memref_squeeze %dma_wait3A_930 : memref<1x128xi32, #tpu.memory_space<vmem>> -> memref<128xi32, #tpu.memory_space<vmem>>
    %dma_wait3A_932 = arith.constant 0 : i32
    %dma_wait3A_933 = arith.constant 0 : i32
    %dma_wait3A_934 = tpu.memref_slice %arg7[%dma_wait3A_932, %dma_wait3A_933] : memref<40000x8xf32, #tpu.memory_space<hbm>> -> memref<40000x8xf32, #tpu.memory_space<hbm>>
    tpu.wait_indirect_dma semaphore(%arg38 : memref<!tpu.dma_semaphore, #tpu.memory_space<semaphore_mem>>) src(%dma_wait3A_934 : memref<40000x8xf32, #tpu.memory_space<hbm>>) dst(%dma_wait3A_928 : memref<128x8xf32, #tpu.memory_space<vmem>>)
    %dma_wait3A_935 = arith.constant 14 : i32
    %dma_wait3A_936 = arith.constant 1792 : i32
    %dma_wait3A_937 = arith.constant 0 : i32
    %dma_wait3A_938 = tpu.memref_slice %arg32[%dma_wait3A_936, %dma_wait3A_937] : memref<2048x8xf32, #tpu.memory_space<vmem>> -> memref<128x8xf32, #tpu.memory_space<vmem>>
    %dma_wait3A_939 = arith.constant 0 : i32
    %dma_wait3A_940 = tpu.memref_slice %arg24[%dma_wait3A_935, %dma_wait3A_939] : memref<16x128xi32, #tpu.memory_space<vmem>> -> memref<1x128xi32, #tpu.memory_space<vmem>>
    %dma_wait3A_941 = tpu.memref_squeeze %dma_wait3A_940 : memref<1x128xi32, #tpu.memory_space<vmem>> -> memref<128xi32, #tpu.memory_space<vmem>>
    %dma_wait3A_942 = arith.constant 0 : i32
    %dma_wait3A_943 = arith.constant 0 : i32
    %dma_wait3A_944 = tpu.memref_slice %arg6[%dma_wait3A_942, %dma_wait3A_943] : memref<40000x8xf32, #tpu.memory_space<hbm>> -> memref<40000x8xf32, #tpu.memory_space<hbm>>
    tpu.wait_indirect_dma semaphore(%arg38 : memref<!tpu.dma_semaphore, #tpu.memory_space<semaphore_mem>>) src(%dma_wait3A_944 : memref<40000x8xf32, #tpu.memory_space<hbm>>) dst(%dma_wait3A_938 : memref<128x8xf32, #tpu.memory_space<vmem>>)
    %dma_wait3A_945 = arith.constant 14 : i32
    %dma_wait3A_946 = arith.constant 1792 : i32
    %dma_wait3A_947 = arith.constant 0 : i32
    %dma_wait3A_948 = tpu.memref_slice %arg33[%dma_wait3A_946, %dma_wait3A_947] : memref<2048x8xf32, #tpu.memory_space<vmem>> -> memref<128x8xf32, #tpu.memory_space<vmem>>
    %dma_wait3A_949 = arith.constant 0 : i32
    %dma_wait3A_950 = tpu.memref_slice %arg25[%dma_wait3A_945, %dma_wait3A_949] : memref<16x128xi32, #tpu.memory_space<vmem>> -> memref<1x128xi32, #tpu.memory_space<vmem>>
    %dma_wait3A_951 = tpu.memref_squeeze %dma_wait3A_950 : memref<1x128xi32, #tpu.memory_space<vmem>> -> memref<128xi32, #tpu.memory_space<vmem>>
    %dma_wait3A_952 = arith.constant 0 : i32
    %dma_wait3A_953 = arith.constant 0 : i32
    %dma_wait3A_954 = tpu.memref_slice %arg7[%dma_wait3A_952, %dma_wait3A_953] : memref<40000x8xf32, #tpu.memory_space<hbm>> -> memref<40000x8xf32, #tpu.memory_space<hbm>>
    tpu.wait_indirect_dma semaphore(%arg38 : memref<!tpu.dma_semaphore, #tpu.memory_space<semaphore_mem>>) src(%dma_wait3A_954 : memref<40000x8xf32, #tpu.memory_space<hbm>>) dst(%dma_wait3A_948 : memref<128x8xf32, #tpu.memory_space<vmem>>)
    %dma_wait3A_955 = arith.constant 15 : i32
    %dma_wait3A_956 = arith.constant 1920 : i32
    %dma_wait3A_957 = arith.constant 0 : i32
    %dma_wait3A_958 = tpu.memref_slice %arg32[%dma_wait3A_956, %dma_wait3A_957] : memref<2048x8xf32, #tpu.memory_space<vmem>> -> memref<128x8xf32, #tpu.memory_space<vmem>>
    %dma_wait3A_959 = arith.constant 0 : i32
    %dma_wait3A_960 = tpu.memref_slice %arg24[%dma_wait3A_955, %dma_wait3A_959] : memref<16x128xi32, #tpu.memory_space<vmem>> -> memref<1x128xi32, #tpu.memory_space<vmem>>
    %dma_wait3A_961 = tpu.memref_squeeze %dma_wait3A_960 : memref<1x128xi32, #tpu.memory_space<vmem>> -> memref<128xi32, #tpu.memory_space<vmem>>
    %dma_wait3A_962 = arith.constant 0 : i32
    %dma_wait3A_963 = arith.constant 0 : i32
    %dma_wait3A_964 = tpu.memref_slice %arg6[%dma_wait3A_962, %dma_wait3A_963] : memref<40000x8xf32, #tpu.memory_space<hbm>> -> memref<40000x8xf32, #tpu.memory_space<hbm>>
    tpu.wait_indirect_dma semaphore(%arg38 : memref<!tpu.dma_semaphore, #tpu.memory_space<semaphore_mem>>) src(%dma_wait3A_964 : memref<40000x8xf32, #tpu.memory_space<hbm>>) dst(%dma_wait3A_958 : memref<128x8xf32, #tpu.memory_space<vmem>>)
    %dma_wait3A_965 = arith.constant 15 : i32
    %dma_wait3A_966 = arith.constant 1920 : i32
    %dma_wait3A_967 = arith.constant 0 : i32
    %dma_wait3A_968 = tpu.memref_slice %arg33[%dma_wait3A_966, %dma_wait3A_967] : memref<2048x8xf32, #tpu.memory_space<vmem>> -> memref<128x8xf32, #tpu.memory_space<vmem>>
    %dma_wait3A_969 = arith.constant 0 : i32
    %dma_wait3A_970 = tpu.memref_slice %arg25[%dma_wait3A_965, %dma_wait3A_969] : memref<16x128xi32, #tpu.memory_space<vmem>> -> memref<1x128xi32, #tpu.memory_space<vmem>>
    %dma_wait3A_971 = tpu.memref_squeeze %dma_wait3A_970 : memref<1x128xi32, #tpu.memory_space<vmem>> -> memref<128xi32, #tpu.memory_space<vmem>>
    %dma_wait3A_972 = arith.constant 0 : i32
    %dma_wait3A_973 = arith.constant 0 : i32
    %dma_wait3A_974 = tpu.memref_slice %arg7[%dma_wait3A_972, %dma_wait3A_973] : memref<40000x8xf32, #tpu.memory_space<hbm>> -> memref<40000x8xf32, #tpu.memory_space<hbm>>
    tpu.wait_indirect_dma semaphore(%arg38 : memref<!tpu.dma_semaphore, #tpu.memory_space<semaphore_mem>>) src(%dma_wait3A_974 : memref<40000x8xf32, #tpu.memory_space<hbm>>) dst(%dma_wait3A_968 : memref<128x8xf32, #tpu.memory_space<vmem>>)
    %iota3A = tpu.iota {dimensions = array<i32: 0>} : vector<16xi32>
    %add3A_975 = arith.constant 0 : i32
    %add3A_976 = vector.broadcast %add3A_975 : i32 to vector<16xi32>
    %add3A_977 = arith.addi %iota3A, %add3A_976 : vector<16xi32>
    %get3A = arith.constant 0 : index
    %get3A_978 = tpu.vector_load %arg28[%get3A] {strides = array<i32>} : memref<512xi32, #tpu.memory_space<vmem>>, vector<16xi32>,
    %gather3A = tpu.vector_load_idx %arg34[%add3A_977, %get3A_978] : memref<512x16xf32, #tpu.memory_space<vmem>>[vector<16xi32>, vector<16xi32>], vector<16xf32>,
    %swap3A = arith.constant 0 : index
    %swap3A_979 = tpu.vector_load %arg36[%swap3A] {strides = array<i32>} : memref<512xf32, #tpu.memory_space<vmem>>, vector<16xf32>,
    tpu.vector_store %arg36[%swap3A], %gather3A {strides = array<i32>} : memref<512xf32, #tpu.memory_space<vmem>>, vector<16xf32>,
    %get3A_980 = arith.constant 0 : index
    %get3A_981 = tpu.vector_load %arg29[%get3A_980] {strides = array<i32>} : memref<512xi32, #tpu.memory_space<vmem>>, vector<16xi32>,
    %gather3A_982 = tpu.vector_load_idx %arg35[%add3A_977, %get3A_981] : memref<512x16xf32, #tpu.memory_space<vmem>>[vector<16xi32>, vector<16xi32>], vector<16xf32>,
    %swap3A_983 = arith.constant 0 : index
    %swap3A_984 = tpu.vector_load %arg37[%swap3A_983] {strides = array<i32>} : memref<512xf32, #tpu.memory_space<vmem>>, vector<16xf32>,
    tpu.vector_store %arg37[%swap3A_983], %gather3A_982 {strides = array<i32>} : memref<512xf32, #tpu.memory_space<vmem>>, vector<16xf32>,
    %iota3A_985 = tpu.iota {dimensions = array<i32: 0>} : vector<16xi32>
    %add3A_986 = arith.constant 16 : i32
    %add3A_987 = vector.broadcast %add3A_986 : i32 to vector<16xi32>
    %add3A_988 = arith.addi %iota3A_985, %add3A_987 : vector<16xi32>
    %get3A_989 = arith.constant 16 : index
    %get3A_990 = tpu.vector_load %arg28[%get3A_989] {strides = array<i32>} : memref<512xi32, #tpu.memory_space<vmem>>, vector<16xi32>,
    %gather3A_991 = tpu.vector_load_idx %arg34[%add3A_988, %get3A_990] : memref<512x16xf32, #tpu.memory_space<vmem>>[vector<16xi32>, vector<16xi32>], vector<16xf32>,
    %swap3A_992 = arith.constant 16 : index
    %swap3A_993 = tpu.vector_load %arg36[%swap3A_992] {strides = array<i32>} : memref<512xf32, #tpu.memory_space<vmem>>, vector<16xf32>,
    tpu.vector_store %arg36[%swap3A_992], %gather3A_991 {strides = array<i32>} : memref<512xf32, #tpu.memory_space<vmem>>, vector<16xf32>,
    %get3A_994 = arith.constant 16 : index
    %get3A_995 = tpu.vector_load %arg29[%get3A_994] {strides = array<i32>} : memref<512xi32, #tpu.memory_space<vmem>>, vector<16xi32>,
    %gather3A_996 = tpu.vector_load_idx %arg35[%add3A_988, %get3A_995] : memref<512x16xf32, #tpu.memory_space<vmem>>[vector<16xi32>, vector<16xi32>], vector<16xf32>,
    %swap3A_997 = arith.constant 16 : index
    %swap3A_998 = tpu.vector_load %arg37[%swap3A_997] {strides = array<i32>} : memref<512xf32, #tpu.memory_space<vmem>>, vector<16xf32>,
    tpu.vector_store %arg37[%swap3A_997], %gather3A_996 {strides = array<i32>} : memref<512xf32, #tpu.memory_space<vmem>>, vector<16xf32>,
    %iota3A_999 = tpu.iota {dimensions = array<i32: 0>} : vector<16xi32>
    %add3A_1000 = arith.constant 32 : i32
    %add3A_1001 = vector.broadcast %add3A_1000 : i32 to vector<16xi32>
    %add3A_1002 = arith.addi %iota3A_999, %add3A_1001 : vector<16xi32>
    %get3A_1003 = arith.constant 32 : index
    %get3A_1004 = tpu.vector_load %arg28[%get3A_1003] {strides = array<i32>} : memref<512xi32, #tpu.memory_space<vmem>>, vector<16xi32>,
    %gather3A_1005 = tpu.vector_load_idx %arg34[%add3A_1002, %get3A_1004] : memref<512x16xf32, #tpu.memory_space<vmem>>[vector<16xi32>, vector<16xi32>], vector<16xf32>,
    %swap3A_1006 = arith.constant 32 : index
    %swap3A_1007 = tpu.vector_load %arg36[%swap3A_1006] {strides = array<i32>} : memref<512xf32, #tpu.memory_space<vmem>>, vector<16xf32>,
    tpu.vector_store %arg36[%swap3A_1006], %gather3A_1005 {strides = array<i32>} : memref<512xf32, #tpu.memory_space<vmem>>, vector<16xf32>,
    %get3A_1008 = arith.constant 32 : index
    %get3A_1009 = tpu.vector_load %arg29[%get3A_1008] {strides = array<i32>} : memref<512xi32, #tpu.memory_space<vmem>>, vector<16xi32>,
    %gather3A_1010 = tpu.vector_load_idx %arg35[%add3A_1002, %get3A_1009] : memref<512x16xf32, #tpu.memory_space<vmem>>[vector<16xi32>, vector<16xi32>], vector<16xf32>,
    %swap3A_1011 = arith.constant 32 : index
    %swap3A_1012 = tpu.vector_load %arg37[%swap3A_1011] {strides = array<i32>} : memref<512xf32, #tpu.memory_space<vmem>>, vector<16xf32>,
    tpu.vector_store %arg37[%swap3A_1011], %gather3A_1010 {strides = array<i32>} : memref<512xf32, #tpu.memory_space<vmem>>, vector<16xf32>,
    %iota3A_1013 = tpu.iota {dimensions = array<i32: 0>} : vector<16xi32>
    %add3A_1014 = arith.constant 48 : i32
    %add3A_1015 = vector.broadcast %add3A_1014 : i32 to vector<16xi32>
    %add3A_1016 = arith.addi %iota3A_1013, %add3A_1015 : vector<16xi32>
    %get3A_1017 = arith.constant 48 : index
    %get3A_1018 = tpu.vector_load %arg28[%get3A_1017] {strides = array<i32>} : memref<512xi32, #tpu.memory_space<vmem>>, vector<16xi32>,
    %gather3A_1019 = tpu.vector_load_idx %arg34[%add3A_1016, %get3A_1018] : memref<512x16xf32, #tpu.memory_space<vmem>>[vector<16xi32>, vector<16xi32>], vector<16xf32>,
    %swap3A_1020 = arith.constant 48 : index
    %swap3A_1021 = tpu.vector_load %arg36[%swap3A_1020] {strides = array<i32>} : memref<512xf32, #tpu.memory_space<vmem>>, vector<16xf32>,
    tpu.vector_store %arg36[%swap3A_1020], %gather3A_1019 {strides = array<i32>} : memref<512xf32, #tpu.memory_space<vmem>>, vector<16xf32>,
    %get3A_1022 = arith.constant 48 : index
    %get3A_1023 = tpu.vector_load %arg29[%get3A_1022] {strides = array<i32>} : memref<512xi32, #tpu.memory_space<vmem>>, vector<16xi32>,
    %gather3A_1024 = tpu.vector_load_idx %arg35[%add3A_1016, %get3A_1023] : memref<512x16xf32, #tpu.memory_space<vmem>>[vector<16xi32>, vector<16xi32>], vector<16xf32>,
    %swap3A_1025 = arith.constant 48 : index
    %swap3A_1026 = tpu.vector_load %arg37[%swap3A_1025] {strides = array<i32>} : memref<512xf32, #tpu.memory_space<vmem>>, vector<16xf32>,
    tpu.vector_store %arg37[%swap3A_1025], %gather3A_1024 {strides = array<i32>} : memref<512xf32, #tpu.memory_space<vmem>>, vector<16xf32>,
    %iota3A_1027 = tpu.iota {dimensions = array<i32: 0>} : vector<16xi32>
    %add3A_1028 = arith.constant 64 : i32
    %add3A_1029 = vector.broadcast %add3A_1028 : i32 to vector<16xi32>
    %add3A_1030 = arith.addi %iota3A_1027, %add3A_1029 : vector<16xi32>
    %get3A_1031 = arith.constant 64 : index
    %get3A_1032 = tpu.vector_load %arg28[%get3A_1031] {strides = array<i32>} : memref<512xi32, #tpu.memory_space<vmem>>, vector<16xi32>,
    %gather3A_1033 = tpu.vector_load_idx %arg34[%add3A_1030, %get3A_1032] : memref<512x16xf32, #tpu.memory_space<vmem>>[vector<16xi32>, vector<16xi32>], vector<16xf32>,
    %swap3A_1034 = arith.constant 64 : index
    %swap3A_1035 = tpu.vector_load %arg36[%swap3A_1034] {strides = array<i32>} : memref<512xf32, #tpu.memory_space<vmem>>, vector<16xf32>,
    tpu.vector_store %arg36[%swap3A_1034], %gather3A_1033 {strides = array<i32>} : memref<512xf32, #tpu.memory_space<vmem>>, vector<16xf32>,
    %get3A_1036 = arith.constant 64 : index
    %get3A_1037 = tpu.vector_load %arg29[%get3A_1036] {strides = array<i32>} : memref<512xi32, #tpu.memory_space<vmem>>, vector<16xi32>,
    %gather3A_1038 = tpu.vector_load_idx %arg35[%add3A_1030, %get3A_1037] : memref<512x16xf32, #tpu.memory_space<vmem>>[vector<16xi32>, vector<16xi32>], vector<16xf32>,
    %swap3A_1039 = arith.constant 64 : index
    %swap3A_1040 = tpu.vector_load %arg37[%swap3A_1039] {strides = array<i32>} : memref<512xf32, #tpu.memory_space<vmem>>, vector<16xf32>,
    tpu.vector_store %arg37[%swap3A_1039], %gather3A_1038 {strides = array<i32>} : memref<512xf32, #tpu.memory_space<vmem>>, vector<16xf32>,
    %iota3A_1041 = tpu.iota {dimensions = array<i32: 0>} : vector<16xi32>
    %add3A_1042 = arith.constant 80 : i32
    %add3A_1043 = vector.broadcast %add3A_1042 : i32 to vector<16xi32>
    %add3A_1044 = arith.addi %iota3A_1041, %add3A_1043 : vector<16xi32>
    %get3A_1045 = arith.constant 80 : index
    %get3A_1046 = tpu.vector_load %arg28[%get3A_1045] {strides = array<i32>} : memref<512xi32, #tpu.memory_space<vmem>>, vector<16xi32>,
    %gather3A_1047 = tpu.vector_load_idx %arg34[%add3A_1044, %get3A_1046] : memref<512x16xf32, #tpu.memory_space<vmem>>[vector<16xi32>, vector<16xi32>], vector<16xf32>,
    %swap3A_1048 = arith.constant 80 : index
    %swap3A_1049 = tpu.vector_load %arg36[%swap3A_1048] {strides = array<i32>} : memref<512xf32, #tpu.memory_space<vmem>>, vector<16xf32>,
    tpu.vector_store %arg36[%swap3A_1048], %gather3A_1047 {strides = array<i32>} : memref<512xf32, #tpu.memory_space<vmem>>, vector<16xf32>,
    %get3A_1050 = arith.constant 80 : index
    %get3A_1051 = tpu.vector_load %arg29[%get3A_1050] {strides = array<i32>} : memref<512xi32, #tpu.memory_space<vmem>>, vector<16xi32>,
    %gather3A_1052 = tpu.vector_load_idx %arg35[%add3A_1044, %get3A_1051] : memref<512x16xf32, #tpu.memory_space<vmem>>[vector<16xi32>, vector<16xi32>], vector<16xf32>,
    %swap3A_1053 = arith.constant 80 : index
    %swap3A_1054 = tpu.vector_load %arg37[%swap3A_1053] {strides = array<i32>} : memref<512xf32, #tpu.memory_space<vmem>>, vector<16xf32>,
    tpu.vector_store %arg37[%swap3A_1053], %gather3A_1052 {strides = array<i32>} : memref<512xf32, #tpu.memory_space<vmem>>, vector<16xf32>,
    %iota3A_1055 = tpu.iota {dimensions = array<i32: 0>} : vector<16xi32>
    %add3A_1056 = arith.constant 96 : i32
    %add3A_1057 = vector.broadcast %add3A_1056 : i32 to vector<16xi32>
    %add3A_1058 = arith.addi %iota3A_1055, %add3A_1057 : vector<16xi32>
    %get3A_1059 = arith.constant 96 : index
    %get3A_1060 = tpu.vector_load %arg28[%get3A_1059] {strides = array<i32>} : memref<512xi32, #tpu.memory_space<vmem>>, vector<16xi32>,
    %gather3A_1061 = tpu.vector_load_idx %arg34[%add3A_1058, %get3A_1060] : memref<512x16xf32, #tpu.memory_space<vmem>>[vector<16xi32>, vector<16xi32>], vector<16xf32>,
    %swap3A_1062 = arith.constant 96 : index
    %swap3A_1063 = tpu.vector_load %arg36[%swap3A_1062] {strides = array<i32>} : memref<512xf32, #tpu.memory_space<vmem>>, vector<16xf32>,
    tpu.vector_store %arg36[%swap3A_1062], %gather3A_1061 {strides = array<i32>} : memref<512xf32, #tpu.memory_space<vmem>>, vector<16xf32>,
    %get3A_1064 = arith.constant 96 : index
    %get3A_1065 = tpu.vector_load %arg29[%get3A_1064] {strides = array<i32>} : memref<512xi32, #tpu.memory_space<vmem>>, vector<16xi32>,
    %gather3A_1066 = tpu.vector_load_idx %arg35[%add3A_1058, %get3A_1065] : memref<512x16xf32, #tpu.memory_space<vmem>>[vector<16xi32>, vector<16xi32>], vector<16xf32>,
    %swap3A_1067 = arith.constant 96 : index
    %swap3A_1068 = tpu.vector_load %arg37[%swap3A_1067] {strides = array<i32>} : memref<512xf32, #tpu.memory_space<vmem>>, vector<16xf32>,
    tpu.vector_store %arg37[%swap3A_1067], %gather3A_1066 {strides = array<i32>} : memref<512xf32, #tpu.memory_space<vmem>>, vector<16xf32>,
    %iota3A_1069 = tpu.iota {dimensions = array<i32: 0>} : vector<16xi32>
    %add3A_1070 = arith.constant 112 : i32
    %add3A_1071 = vector.broadcast %add3A_1070 : i32 to vector<16xi32>
    %add3A_1072 = arith.addi %iota3A_1069, %add3A_1071 : vector<16xi32>
    %get3A_1073 = arith.constant 112 : index
    %get3A_1074 = tpu.vector_load %arg28[%get3A_1073] {strides = array<i32>} : memref<512xi32, #tpu.memory_space<vmem>>, vector<16xi32>,
    %gather3A_1075 = tpu.vector_load_idx %arg34[%add3A_1072, %get3A_1074] : memref<512x16xf32, #tpu.memory_space<vmem>>[vector<16xi32>, vector<16xi32>], vector<16xf32>,
    %swap3A_1076 = arith.constant 112 : index
    %swap3A_1077 = tpu.vector_load %arg36[%swap3A_1076] {strides = array<i32>} : memref<512xf32, #tpu.memory_space<vmem>>, vector<16xf32>,
    tpu.vector_store %arg36[%swap3A_1076], %gather3A_1075 {strides = array<i32>} : memref<512xf32, #tpu.memory_space<vmem>>, vector<16xf32>,
    %get3A_1078 = arith.constant 112 : index
    %get3A_1079 = tpu.vector_load %arg29[%get3A_1078] {strides = array<i32>} : memref<512xi32, #tpu.memory_space<vmem>>, vector<16xi32>,
    %gather3A_1080 = tpu.vector_load_idx %arg35[%add3A_1072, %get3A_1079] : memref<512x16xf32, #tpu.memory_space<vmem>>[vector<16xi32>, vector<16xi32>], vector<16xf32>,
    %swap3A_1081 = arith.constant 112 : index
    %swap3A_1082 = tpu.vector_load %arg37[%swap3A_1081] {strides = array<i32>} : memref<512xf32, #tpu.memory_space<vmem>>, vector<16xf32>,
    tpu.vector_store %arg37[%swap3A_1081], %gather3A_1080 {strides = array<i32>} : memref<512xf32, #tpu.memory_space<vmem>>, vector<16xf32>,
    %iota3A_1083 = tpu.iota {dimensions = array<i32: 0>} : vector<16xi32>
    %add3A_1084 = arith.constant 128 : i32
    %add3A_1085 = vector.broadcast %add3A_1084 : i32 to vector<16xi32>
    %add3A_1086 = arith.addi %iota3A_1083, %add3A_1085 : vector<16xi32>
    %get3A_1087 = arith.constant 128 : index
    %get3A_1088 = tpu.vector_load %arg28[%get3A_1087] {strides = array<i32>} : memref<512xi32, #tpu.memory_space<vmem>>, vector<16xi32>,
    %gather3A_1089 = tpu.vector_load_idx %arg34[%add3A_1086, %get3A_1088] : memref<512x16xf32, #tpu.memory_space<vmem>>[vector<16xi32>, vector<16xi32>], vector<16xf32>,
    %swap3A_1090 = arith.constant 128 : index
    %swap3A_1091 = tpu.vector_load %arg36[%swap3A_1090] {strides = array<i32>} : memref<512xf32, #tpu.memory_space<vmem>>, vector<16xf32>,
    tpu.vector_store %arg36[%swap3A_1090], %gather3A_1089 {strides = array<i32>} : memref<512xf32, #tpu.memory_space<vmem>>, vector<16xf32>,
    %get3A_1092 = arith.constant 128 : index
    %get3A_1093 = tpu.vector_load %arg29[%get3A_1092] {strides = array<i32>} : memref<512xi32, #tpu.memory_space<vmem>>, vector<16xi32>,
    %gather3A_1094 = tpu.vector_load_idx %arg35[%add3A_1086, %get3A_1093] : memref<512x16xf32, #tpu.memory_space<vmem>>[vector<16xi32>, vector<16xi32>], vector<16xf32>,
    %swap3A_1095 = arith.constant 128 : index
    %swap3A_1096 = tpu.vector_load %arg37[%swap3A_1095] {strides = array<i32>} : memref<512xf32, #tpu.memory_space<vmem>>, vector<16xf32>,
    tpu.vector_store %arg37[%swap3A_1095], %gather3A_1094 {strides = array<i32>} : memref<512xf32, #tpu.memory_space<vmem>>, vector<16xf32>,
    %iota3A_1097 = tpu.iota {dimensions = array<i32: 0>} : vector<16xi32>
    %add3A_1098 = arith.constant 144 : i32
    %add3A_1099 = vector.broadcast %add3A_1098 : i32 to vector<16xi32>
    %add3A_1100 = arith.addi %iota3A_1097, %add3A_1099 : vector<16xi32>
    %get3A_1101 = arith.constant 144 : index
    %get3A_1102 = tpu.vector_load %arg28[%get3A_1101] {strides = array<i32>} : memref<512xi32, #tpu.memory_space<vmem>>, vector<16xi32>,
    %gather3A_1103 = tpu.vector_load_idx %arg34[%add3A_1100, %get3A_1102] : memref<512x16xf32, #tpu.memory_space<vmem>>[vector<16xi32>, vector<16xi32>], vector<16xf32>,
    %swap3A_1104 = arith.constant 144 : index
    %swap3A_1105 = tpu.vector_load %arg36[%swap3A_1104] {strides = array<i32>} : memref<512xf32, #tpu.memory_space<vmem>>, vector<16xf32>,
    tpu.vector_store %arg36[%swap3A_1104], %gather3A_1103 {strides = array<i32>} : memref<512xf32, #tpu.memory_space<vmem>>, vector<16xf32>,
    %get3A_1106 = arith.constant 144 : index
    %get3A_1107 = tpu.vector_load %arg29[%get3A_1106] {strides = array<i32>} : memref<512xi32, #tpu.memory_space<vmem>>, vector<16xi32>,
    %gather3A_1108 = tpu.vector_load_idx %arg35[%add3A_1100, %get3A_1107] : memref<512x16xf32, #tpu.memory_space<vmem>>[vector<16xi32>, vector<16xi32>], vector<16xf32>,
    %swap3A_1109 = arith.constant 144 : index
    %swap3A_1110 = tpu.vector_load %arg37[%swap3A_1109] {strides = array<i32>} : memref<512xf32, #tpu.memory_space<vmem>>, vector<16xf32>,
    tpu.vector_store %arg37[%swap3A_1109], %gather3A_1108 {strides = array<i32>} : memref<512xf32, #tpu.memory_space<vmem>>, vector<16xf32>,
    %iota3A_1111 = tpu.iota {dimensions = array<i32: 0>} : vector<16xi32>
    %add3A_1112 = arith.constant 160 : i32
    %add3A_1113 = vector.broadcast %add3A_1112 : i32 to vector<16xi32>
    %add3A_1114 = arith.addi %iota3A_1111, %add3A_1113 : vector<16xi32>
    %get3A_1115 = arith.constant 160 : index
    %get3A_1116 = tpu.vector_load %arg28[%get3A_1115] {strides = array<i32>} : memref<512xi32, #tpu.memory_space<vmem>>, vector<16xi32>,
    %gather3A_1117 = tpu.vector_load_idx %arg34[%add3A_1114, %get3A_1116] : memref<512x16xf32, #tpu.memory_space<vmem>>[vector<16xi32>, vector<16xi32>], vector<16xf32>,
    %swap3A_1118 = arith.constant 160 : index
    %swap3A_1119 = tpu.vector_load %arg36[%swap3A_1118] {strides = array<i32>} : memref<512xf32, #tpu.memory_space<vmem>>, vector<16xf32>,
    tpu.vector_store %arg36[%swap3A_1118], %gather3A_1117 {strides = array<i32>} : memref<512xf32, #tpu.memory_space<vmem>>, vector<16xf32>,
    %get3A_1120 = arith.constant 160 : index
    %get3A_1121 = tpu.vector_load %arg29[%get3A_1120] {strides = array<i32>} : memref<512xi32, #tpu.memory_space<vmem>>, vector<16xi32>,
    %gather3A_1122 = tpu.vector_load_idx %arg35[%add3A_1114, %get3A_1121] : memref<512x16xf32, #tpu.memory_space<vmem>>[vector<16xi32>, vector<16xi32>], vector<16xf32>,
    %swap3A_1123 = arith.constant 160 : index
    %swap3A_1124 = tpu.vector_load %arg37[%swap3A_1123] {strides = array<i32>} : memref<512xf32, #tpu.memory_space<vmem>>, vector<16xf32>,
    tpu.vector_store %arg37[%swap3A_1123], %gather3A_1122 {strides = array<i32>} : memref<512xf32, #tpu.memory_space<vmem>>, vector<16xf32>,
    %iota3A_1125 = tpu.iota {dimensions = array<i32: 0>} : vector<16xi32>
    %add3A_1126 = arith.constant 176 : i32
    %add3A_1127 = vector.broadcast %add3A_1126 : i32 to vector<16xi32>
    %add3A_1128 = arith.addi %iota3A_1125, %add3A_1127 : vector<16xi32>
    %get3A_1129 = arith.constant 176 : index
    %get3A_1130 = tpu.vector_load %arg28[%get3A_1129] {strides = array<i32>} : memref<512xi32, #tpu.memory_space<vmem>>, vector<16xi32>,
    %gather3A_1131 = tpu.vector_load_idx %arg34[%add3A_1128, %get3A_1130] : memref<512x16xf32, #tpu.memory_space<vmem>>[vector<16xi32>, vector<16xi32>], vector<16xf32>,
    %swap3A_1132 = arith.constant 176 : index
    %swap3A_1133 = tpu.vector_load %arg36[%swap3A_1132] {strides = array<i32>} : memref<512xf32, #tpu.memory_space<vmem>>, vector<16xf32>,
    tpu.vector_store %arg36[%swap3A_1132], %gather3A_1131 {strides = array<i32>} : memref<512xf32, #tpu.memory_space<vmem>>, vector<16xf32>,
    %get3A_1134 = arith.constant 176 : index
    %get3A_1135 = tpu.vector_load %arg29[%get3A_1134] {strides = array<i32>} : memref<512xi32, #tpu.memory_space<vmem>>, vector<16xi32>,
    %gather3A_1136 = tpu.vector_load_idx %arg35[%add3A_1128, %get3A_1135] : memref<512x16xf32, #tpu.memory_space<vmem>>[vector<16xi32>, vector<16xi32>], vector<16xf32>,
    %swap3A_1137 = arith.constant 176 : index
    %swap3A_1138 = tpu.vector_load %arg37[%swap3A_1137] {strides = array<i32>} : memref<512xf32, #tpu.memory_space<vmem>>, vector<16xf32>,
    tpu.vector_store %arg37[%swap3A_1137], %gather3A_1136 {strides = array<i32>} : memref<512xf32, #tpu.memory_space<vmem>>, vector<16xf32>,
    %iota3A_1139 = tpu.iota {dimensions = array<i32: 0>} : vector<16xi32>
    %add3A_1140 = arith.constant 192 : i32
    %add3A_1141 = vector.broadcast %add3A_1140 : i32 to vector<16xi32>
    %add3A_1142 = arith.addi %iota3A_1139, %add3A_1141 : vector<16xi32>
    %get3A_1143 = arith.constant 192 : index
    %get3A_1144 = tpu.vector_load %arg28[%get3A_1143] {strides = array<i32>} : memref<512xi32, #tpu.memory_space<vmem>>, vector<16xi32>,
    %gather3A_1145 = tpu.vector_load_idx %arg34[%add3A_1142, %get3A_1144] : memref<512x16xf32, #tpu.memory_space<vmem>>[vector<16xi32>, vector<16xi32>], vector<16xf32>,
    %swap3A_1146 = arith.constant 192 : index
    %swap3A_1147 = tpu.vector_load %arg36[%swap3A_1146] {strides = array<i32>} : memref<512xf32, #tpu.memory_space<vmem>>, vector<16xf32>,
    tpu.vector_store %arg36[%swap3A_1146], %gather3A_1145 {strides = array<i32>} : memref<512xf32, #tpu.memory_space<vmem>>, vector<16xf32>,
    %get3A_1148 = arith.constant 192 : index
    %get3A_1149 = tpu.vector_load %arg29[%get3A_1148] {strides = array<i32>} : memref<512xi32, #tpu.memory_space<vmem>>, vector<16xi32>,
    %gather3A_1150 = tpu.vector_load_idx %arg35[%add3A_1142, %get3A_1149] : memref<512x16xf32, #tpu.memory_space<vmem>>[vector<16xi32>, vector<16xi32>], vector<16xf32>,
    %swap3A_1151 = arith.constant 192 : index
    %swap3A_1152 = tpu.vector_load %arg37[%swap3A_1151] {strides = array<i32>} : memref<512xf32, #tpu.memory_space<vmem>>, vector<16xf32>,
    tpu.vector_store %arg37[%swap3A_1151], %gather3A_1150 {strides = array<i32>} : memref<512xf32, #tpu.memory_space<vmem>>, vector<16xf32>,
    %iota3A_1153 = tpu.iota {dimensions = array<i32: 0>} : vector<16xi32>
    %add3A_1154 = arith.constant 208 : i32
    %add3A_1155 = vector.broadcast %add3A_1154 : i32 to vector<16xi32>
    %add3A_1156 = arith.addi %iota3A_1153, %add3A_1155 : vector<16xi32>
    %get3A_1157 = arith.constant 208 : index
    %get3A_1158 = tpu.vector_load %arg28[%get3A_1157] {strides = array<i32>} : memref<512xi32, #tpu.memory_space<vmem>>, vector<16xi32>,
    %gather3A_1159 = tpu.vector_load_idx %arg34[%add3A_1156, %get3A_1158] : memref<512x16xf32, #tpu.memory_space<vmem>>[vector<16xi32>, vector<16xi32>], vector<16xf32>,
    %swap3A_1160 = arith.constant 208 : index
    %swap3A_1161 = tpu.vector_load %arg36[%swap3A_1160] {strides = array<i32>} : memref<512xf32, #tpu.memory_space<vmem>>, vector<16xf32>,
    tpu.vector_store %arg36[%swap3A_1160], %gather3A_1159 {strides = array<i32>} : memref<512xf32, #tpu.memory_space<vmem>>, vector<16xf32>,
    %get3A_1162 = arith.constant 208 : index
    %get3A_1163 = tpu.vector_load %arg29[%get3A_1162] {strides = array<i32>} : memref<512xi32, #tpu.memory_space<vmem>>, vector<16xi32>,
    %gather3A_1164 = tpu.vector_load_idx %arg35[%add3A_1156, %get3A_1163] : memref<512x16xf32, #tpu.memory_space<vmem>>[vector<16xi32>, vector<16xi32>], vector<16xf32>,
    %swap3A_1165 = arith.constant 208 : index
    %swap3A_1166 = tpu.vector_load %arg37[%swap3A_1165] {strides = array<i32>} : memref<512xf32, #tpu.memory_space<vmem>>, vector<16xf32>,
    tpu.vector_store %arg37[%swap3A_1165], %gather3A_1164 {strides = array<i32>} : memref<512xf32, #tpu.memory_space<vmem>>, vector<16xf32>,
    %iota3A_1167 = tpu.iota {dimensions = array<i32: 0>} : vector<16xi32>
    %add3A_1168 = arith.constant 224 : i32
    %add3A_1169 = vector.broadcast %add3A_1168 : i32 to vector<16xi32>
    %add3A_1170 = arith.addi %iota3A_1167, %add3A_1169 : vector<16xi32>
    %get3A_1171 = arith.constant 224 : index
    %get3A_1172 = tpu.vector_load %arg28[%get3A_1171] {strides = array<i32>} : memref<512xi32, #tpu.memory_space<vmem>>, vector<16xi32>,
    %gather3A_1173 = tpu.vector_load_idx %arg34[%add3A_1170, %get3A_1172] : memref<512x16xf32, #tpu.memory_space<vmem>>[vector<16xi32>, vector<16xi32>], vector<16xf32>,
    %swap3A_1174 = arith.constant 224 : index
    %swap3A_1175 = tpu.vector_load %arg36[%swap3A_1174] {strides = array<i32>} : memref<512xf32, #tpu.memory_space<vmem>>, vector<16xf32>,
    tpu.vector_store %arg36[%swap3A_1174], %gather3A_1173 {strides = array<i32>} : memref<512xf32, #tpu.memory_space<vmem>>, vector<16xf32>,
    %get3A_1176 = arith.constant 224 : index
    %get3A_1177 = tpu.vector_load %arg29[%get3A_1176] {strides = array<i32>} : memref<512xi32, #tpu.memory_space<vmem>>, vector<16xi32>,
    %gather3A_1178 = tpu.vector_load_idx %arg35[%add3A_1170, %get3A_1177] : memref<512x16xf32, #tpu.memory_space<vmem>>[vector<16xi32>, vector<16xi32>], vector<16xf32>,
    %swap3A_1179 = arith.constant 224 : index
    %swap3A_1180 = tpu.vector_load %arg37[%swap3A_1179] {strides = array<i32>} : memref<512xf32, #tpu.memory_space<vmem>>, vector<16xf32>,
    tpu.vector_store %arg37[%swap3A_1179], %gather3A_1178 {strides = array<i32>} : memref<512xf32, #tpu.memory_space<vmem>>, vector<16xf32>,
    %iota3A_1181 = tpu.iota {dimensions = array<i32: 0>} : vector<16xi32>
    %add3A_1182 = arith.constant 240 : i32
    %add3A_1183 = vector.broadcast %add3A_1182 : i32 to vector<16xi32>
    %add3A_1184 = arith.addi %iota3A_1181, %add3A_1183 : vector<16xi32>
    %get3A_1185 = arith.constant 240 : index
    %get3A_1186 = tpu.vector_load %arg28[%get3A_1185] {strides = array<i32>} : memref<512xi32, #tpu.memory_space<vmem>>, vector<16xi32>,
    %gather3A_1187 = tpu.vector_load_idx %arg34[%add3A_1184, %get3A_1186] : memref<512x16xf32, #tpu.memory_space<vmem>>[vector<16xi32>, vector<16xi32>], vector<16xf32>,
    %swap3A_1188 = arith.constant 240 : index
    %swap3A_1189 = tpu.vector_load %arg36[%swap3A_1188] {strides = array<i32>} : memref<512xf32, #tpu.memory_space<vmem>>, vector<16xf32>,
    tpu.vector_store %arg36[%swap3A_1188], %gather3A_1187 {strides = array<i32>} : memref<512xf32, #tpu.memory_space<vmem>>, vector<16xf32>,
    %get3A_1190 = arith.constant 240 : index
    %get3A_1191 = tpu.vector_load %arg29[%get3A_1190] {strides = array<i32>} : memref<512xi32, #tpu.memory_space<vmem>>, vector<16xi32>,
    %gather3A_1192 = tpu.vector_load_idx %arg35[%add3A_1184, %get3A_1191] : memref<512x16xf32, #tpu.memory_space<vmem>>[vector<16xi32>, vector<16xi32>], vector<16xf32>,
    %swap3A_1193 = arith.constant 240 : index
    %swap3A_1194 = tpu.vector_load %arg37[%swap3A_1193] {strides = array<i32>} : memref<512xf32, #tpu.memory_space<vmem>>, vector<16xf32>,
    tpu.vector_store %arg37[%swap3A_1193], %gather3A_1192 {strides = array<i32>} : memref<512xf32, #tpu.memory_space<vmem>>, vector<16xf32>,
    %iota3A_1195 = tpu.iota {dimensions = array<i32: 0>} : vector<16xi32>
    %add3A_1196 = arith.constant 256 : i32
    %add3A_1197 = vector.broadcast %add3A_1196 : i32 to vector<16xi32>
    %add3A_1198 = arith.addi %iota3A_1195, %add3A_1197 : vector<16xi32>
    %get3A_1199 = arith.constant 256 : index
    %get3A_1200 = tpu.vector_load %arg28[%get3A_1199] {strides = array<i32>} : memref<512xi32, #tpu.memory_space<vmem>>, vector<16xi32>,
    %gather3A_1201 = tpu.vector_load_idx %arg34[%add3A_1198, %get3A_1200] : memref<512x16xf32, #tpu.memory_space<vmem>>[vector<16xi32>, vector<16xi32>], vector<16xf32>,
    %swap3A_1202 = arith.constant 256 : index
    %swap3A_1203 = tpu.vector_load %arg36[%swap3A_1202] {strides = array<i32>} : memref<512xf32, #tpu.memory_space<vmem>>, vector<16xf32>,
    tpu.vector_store %arg36[%swap3A_1202], %gather3A_1201 {strides = array<i32>} : memref<512xf32, #tpu.memory_space<vmem>>, vector<16xf32>,
    %get3A_1204 = arith.constant 256 : index
    %get3A_1205 = tpu.vector_load %arg29[%get3A_1204] {strides = array<i32>} : memref<512xi32, #tpu.memory_space<vmem>>, vector<16xi32>,
    %gather3A_1206 = tpu.vector_load_idx %arg35[%add3A_1198, %get3A_1205] : memref<512x16xf32, #tpu.memory_space<vmem>>[vector<16xi32>, vector<16xi32>], vector<16xf32>,
    %swap3A_1207 = arith.constant 256 : index
    %swap3A_1208 = tpu.vector_load %arg37[%swap3A_1207] {strides = array<i32>} : memref<512xf32, #tpu.memory_space<vmem>>, vector<16xf32>,
    tpu.vector_store %arg37[%swap3A_1207], %gather3A_1206 {strides = array<i32>} : memref<512xf32, #tpu.memory_space<vmem>>, vector<16xf32>,
    %iota3A_1209 = tpu.iota {dimensions = array<i32: 0>} : vector<16xi32>
    %add3A_1210 = arith.constant 272 : i32
    %add3A_1211 = vector.broadcast %add3A_1210 : i32 to vector<16xi32>
    %add3A_1212 = arith.addi %iota3A_1209, %add3A_1211 : vector<16xi32>
    %get3A_1213 = arith.constant 272 : index
    %get3A_1214 = tpu.vector_load %arg28[%get3A_1213] {strides = array<i32>} : memref<512xi32, #tpu.memory_space<vmem>>, vector<16xi32>,
    %gather3A_1215 = tpu.vector_load_idx %arg34[%add3A_1212, %get3A_1214] : memref<512x16xf32, #tpu.memory_space<vmem>>[vector<16xi32>, vector<16xi32>], vector<16xf32>,
    %swap3A_1216 = arith.constant 272 : index
    %swap3A_1217 = tpu.vector_load %arg36[%swap3A_1216] {strides = array<i32>} : memref<512xf32, #tpu.memory_space<vmem>>, vector<16xf32>,
    tpu.vector_store %arg36[%swap3A_1216], %gather3A_1215 {strides = array<i32>} : memref<512xf32, #tpu.memory_space<vmem>>, vector<16xf32>,
    %get3A_1218 = arith.constant 272 : index
    %get3A_1219 = tpu.vector_load %arg29[%get3A_1218] {strides = array<i32>} : memref<512xi32, #tpu.memory_space<vmem>>, vector<16xi32>,
    %gather3A_1220 = tpu.vector_load_idx %arg35[%add3A_1212, %get3A_1219] : memref<512x16xf32, #tpu.memory_space<vmem>>[vector<16xi32>, vector<16xi32>], vector<16xf32>,
    %swap3A_1221 = arith.constant 272 : index
    %swap3A_1222 = tpu.vector_load %arg37[%swap3A_1221] {strides = array<i32>} : memref<512xf32, #tpu.memory_space<vmem>>, vector<16xf32>,
    tpu.vector_store %arg37[%swap3A_1221], %gather3A_1220 {strides = array<i32>} : memref<512xf32, #tpu.memory_space<vmem>>, vector<16xf32>,
    %iota3A_1223 = tpu.iota {dimensions = array<i32: 0>} : vector<16xi32>
    %add3A_1224 = arith.constant 288 : i32
    %add3A_1225 = vector.broadcast %add3A_1224 : i32 to vector<16xi32>
    %add3A_1226 = arith.addi %iota3A_1223, %add3A_1225 : vector<16xi32>
    %get3A_1227 = arith.constant 288 : index
    %get3A_1228 = tpu.vector_load %arg28[%get3A_1227] {strides = array<i32>} : memref<512xi32, #tpu.memory_space<vmem>>, vector<16xi32>,
    %gather3A_1229 = tpu.vector_load_idx %arg34[%add3A_1226, %get3A_1228] : memref<512x16xf32, #tpu.memory_space<vmem>>[vector<16xi32>, vector<16xi32>], vector<16xf32>,
    %swap3A_1230 = arith.constant 288 : index
    %swap3A_1231 = tpu.vector_load %arg36[%swap3A_1230] {strides = array<i32>} : memref<512xf32, #tpu.memory_space<vmem>>, vector<16xf32>,
    tpu.vector_store %arg36[%swap3A_1230], %gather3A_1229 {strides = array<i32>} : memref<512xf32, #tpu.memory_space<vmem>>, vector<16xf32>,
    %get3A_1232 = arith.constant 288 : index
    %get3A_1233 = tpu.vector_load %arg29[%get3A_1232] {strides = array<i32>} : memref<512xi32, #tpu.memory_space<vmem>>, vector<16xi32>,
    %gather3A_1234 = tpu.vector_load_idx %arg35[%add3A_1226, %get3A_1233] : memref<512x16xf32, #tpu.memory_space<vmem>>[vector<16xi32>, vector<16xi32>], vector<16xf32>,
    %swap3A_1235 = arith.constant 288 : index
    %swap3A_1236 = tpu.vector_load %arg37[%swap3A_1235] {strides = array<i32>} : memref<512xf32, #tpu.memory_space<vmem>>, vector<16xf32>,
    tpu.vector_store %arg37[%swap3A_1235], %gather3A_1234 {strides = array<i32>} : memref<512xf32, #tpu.memory_space<vmem>>, vector<16xf32>,
    %iota3A_1237 = tpu.iota {dimensions = array<i32: 0>} : vector<16xi32>
    %add3A_1238 = arith.constant 304 : i32
    %add3A_1239 = vector.broadcast %add3A_1238 : i32 to vector<16xi32>
    %add3A_1240 = arith.addi %iota3A_1237, %add3A_1239 : vector<16xi32>
    %get3A_1241 = arith.constant 304 : index
    %get3A_1242 = tpu.vector_load %arg28[%get3A_1241] {strides = array<i32>} : memref<512xi32, #tpu.memory_space<vmem>>, vector<16xi32>,
    %gather3A_1243 = tpu.vector_load_idx %arg34[%add3A_1240, %get3A_1242] : memref<512x16xf32, #tpu.memory_space<vmem>>[vector<16xi32>, vector<16xi32>], vector<16xf32>,
    %swap3A_1244 = arith.constant 304 : index
    %swap3A_1245 = tpu.vector_load %arg36[%swap3A_1244] {strides = array<i32>} : memref<512xf32, #tpu.memory_space<vmem>>, vector<16xf32>,
    tpu.vector_store %arg36[%swap3A_1244], %gather3A_1243 {strides = array<i32>} : memref<512xf32, #tpu.memory_space<vmem>>, vector<16xf32>,
    %get3A_1246 = arith.constant 304 : index
    %get3A_1247 = tpu.vector_load %arg29[%get3A_1246] {strides = array<i32>} : memref<512xi32, #tpu.memory_space<vmem>>, vector<16xi32>,
    %gather3A_1248 = tpu.vector_load_idx %arg35[%add3A_1240, %get3A_1247] : memref<512x16xf32, #tpu.memory_space<vmem>>[vector<16xi32>, vector<16xi32>], vector<16xf32>,
    %swap3A_1249 = arith.constant 304 : index
    %swap3A_1250 = tpu.vector_load %arg37[%swap3A_1249] {strides = array<i32>} : memref<512xf32, #tpu.memory_space<vmem>>, vector<16xf32>,
    tpu.vector_store %arg37[%swap3A_1249], %gather3A_1248 {strides = array<i32>} : memref<512xf32, #tpu.memory_space<vmem>>, vector<16xf32>,
    %iota3A_1251 = tpu.iota {dimensions = array<i32: 0>} : vector<16xi32>
    %add3A_1252 = arith.constant 320 : i32
    %add3A_1253 = vector.broadcast %add3A_1252 : i32 to vector<16xi32>
    %add3A_1254 = arith.addi %iota3A_1251, %add3A_1253 : vector<16xi32>
    %get3A_1255 = arith.constant 320 : index
    %get3A_1256 = tpu.vector_load %arg28[%get3A_1255] {strides = array<i32>} : memref<512xi32, #tpu.memory_space<vmem>>, vector<16xi32>,
    %gather3A_1257 = tpu.vector_load_idx %arg34[%add3A_1254, %get3A_1256] : memref<512x16xf32, #tpu.memory_space<vmem>>[vector<16xi32>, vector<16xi32>], vector<16xf32>,
    %swap3A_1258 = arith.constant 320 : index
    %swap3A_1259 = tpu.vector_load %arg36[%swap3A_1258] {strides = array<i32>} : memref<512xf32, #tpu.memory_space<vmem>>, vector<16xf32>,
    tpu.vector_store %arg36[%swap3A_1258], %gather3A_1257 {strides = array<i32>} : memref<512xf32, #tpu.memory_space<vmem>>, vector<16xf32>,
    %get3A_1260 = arith.constant 320 : index
    %get3A_1261 = tpu.vector_load %arg29[%get3A_1260] {strides = array<i32>} : memref<512xi32, #tpu.memory_space<vmem>>, vector<16xi32>,
    %gather3A_1262 = tpu.vector_load_idx %arg35[%add3A_1254, %get3A_1261] : memref<512x16xf32, #tpu.memory_space<vmem>>[vector<16xi32>, vector<16xi32>], vector<16xf32>,
    %swap3A_1263 = arith.constant 320 : index
    %swap3A_1264 = tpu.vector_load %arg37[%swap3A_1263] {strides = array<i32>} : memref<512xf32, #tpu.memory_space<vmem>>, vector<16xf32>,
    tpu.vector_store %arg37[%swap3A_1263], %gather3A_1262 {strides = array<i32>} : memref<512xf32, #tpu.memory_space<vmem>>, vector<16xf32>,
    %iota3A_1265 = tpu.iota {dimensions = array<i32: 0>} : vector<16xi32>
    %add3A_1266 = arith.constant 336 : i32
    %add3A_1267 = vector.broadcast %add3A_1266 : i32 to vector<16xi32>
    %add3A_1268 = arith.addi %iota3A_1265, %add3A_1267 : vector<16xi32>
    %get3A_1269 = arith.constant 336 : index
    %get3A_1270 = tpu.vector_load %arg28[%get3A_1269] {strides = array<i32>} : memref<512xi32, #tpu.memory_space<vmem>>, vector<16xi32>,
    %gather3A_1271 = tpu.vector_load_idx %arg34[%add3A_1268, %get3A_1270] : memref<512x16xf32, #tpu.memory_space<vmem>>[vector<16xi32>, vector<16xi32>], vector<16xf32>,
    %swap3A_1272 = arith.constant 336 : index
    %swap3A_1273 = tpu.vector_load %arg36[%swap3A_1272] {strides = array<i32>} : memref<512xf32, #tpu.memory_space<vmem>>, vector<16xf32>,
    tpu.vector_store %arg36[%swap3A_1272], %gather3A_1271 {strides = array<i32>} : memref<512xf32, #tpu.memory_space<vmem>>, vector<16xf32>,
    %get3A_1274 = arith.constant 336 : index
    %get3A_1275 = tpu.vector_load %arg29[%get3A_1274] {strides = array<i32>} : memref<512xi32, #tpu.memory_space<vmem>>, vector<16xi32>,
    %gather3A_1276 = tpu.vector_load_idx %arg35[%add3A_1268, %get3A_1275] : memref<512x16xf32, #tpu.memory_space<vmem>>[vector<16xi32>, vector<16xi32>], vector<16xf32>,
    %swap3A_1277 = arith.constant 336 : index
    %swap3A_1278 = tpu.vector_load %arg37[%swap3A_1277] {strides = array<i32>} : memref<512xf32, #tpu.memory_space<vmem>>, vector<16xf32>,
    tpu.vector_store %arg37[%swap3A_1277], %gather3A_1276 {strides = array<i32>} : memref<512xf32, #tpu.memory_space<vmem>>, vector<16xf32>,
    %iota3A_1279 = tpu.iota {dimensions = array<i32: 0>} : vector<16xi32>
    %add3A_1280 = arith.constant 352 : i32
    %add3A_1281 = vector.broadcast %add3A_1280 : i32 to vector<16xi32>
    %add3A_1282 = arith.addi %iota3A_1279, %add3A_1281 : vector<16xi32>
    %get3A_1283 = arith.constant 352 : index
    %get3A_1284 = tpu.vector_load %arg28[%get3A_1283] {strides = array<i32>} : memref<512xi32, #tpu.memory_space<vmem>>, vector<16xi32>,
    %gather3A_1285 = tpu.vector_load_idx %arg34[%add3A_1282, %get3A_1284] : memref<512x16xf32, #tpu.memory_space<vmem>>[vector<16xi32>, vector<16xi32>], vector<16xf32>,
    %swap3A_1286 = arith.constant 352 : index
    %swap3A_1287 = tpu.vector_load %arg36[%swap3A_1286] {strides = array<i32>} : memref<512xf32, #tpu.memory_space<vmem>>, vector<16xf32>,
    tpu.vector_store %arg36[%swap3A_1286], %gather3A_1285 {strides = array<i32>} : memref<512xf32, #tpu.memory_space<vmem>>, vector<16xf32>,
    %get3A_1288 = arith.constant 352 : index
    %get3A_1289 = tpu.vector_load %arg29[%get3A_1288] {strides = array<i32>} : memref<512xi32, #tpu.memory_space<vmem>>, vector<16xi32>,
    %gather3A_1290 = tpu.vector_load_idx %arg35[%add3A_1282, %get3A_1289] : memref<512x16xf32, #tpu.memory_space<vmem>>[vector<16xi32>, vector<16xi32>], vector<16xf32>,
    %swap3A_1291 = arith.constant 352 : index
    %swap3A_1292 = tpu.vector_load %arg37[%swap3A_1291] {strides = array<i32>} : memref<512xf32, #tpu.memory_space<vmem>>, vector<16xf32>,
    tpu.vector_store %arg37[%swap3A_1291], %gather3A_1290 {strides = array<i32>} : memref<512xf32, #tpu.memory_space<vmem>>, vector<16xf32>,
    %iota3A_1293 = tpu.iota {dimensions = array<i32: 0>} : vector<16xi32>
    %add3A_1294 = arith.constant 368 : i32
    %add3A_1295 = vector.broadcast %add3A_1294 : i32 to vector<16xi32>
    %add3A_1296 = arith.addi %iota3A_1293, %add3A_1295 : vector<16xi32>
    %get3A_1297 = arith.constant 368 : index
    %get3A_1298 = tpu.vector_load %arg28[%get3A_1297] {strides = array<i32>} : memref<512xi32, #tpu.memory_space<vmem>>, vector<16xi32>,
    %gather3A_1299 = tpu.vector_load_idx %arg34[%add3A_1296, %get3A_1298] : memref<512x16xf32, #tpu.memory_space<vmem>>[vector<16xi32>, vector<16xi32>], vector<16xf32>,
    %swap3A_1300 = arith.constant 368 : index
    %swap3A_1301 = tpu.vector_load %arg36[%swap3A_1300] {strides = array<i32>} : memref<512xf32, #tpu.memory_space<vmem>>, vector<16xf32>,
    tpu.vector_store %arg36[%swap3A_1300], %gather3A_1299 {strides = array<i32>} : memref<512xf32, #tpu.memory_space<vmem>>, vector<16xf32>,
    %get3A_1302 = arith.constant 368 : index
    %get3A_1303 = tpu.vector_load %arg29[%get3A_1302] {strides = array<i32>} : memref<512xi32, #tpu.memory_space<vmem>>, vector<16xi32>,
    %gather3A_1304 = tpu.vector_load_idx %arg35[%add3A_1296, %get3A_1303] : memref<512x16xf32, #tpu.memory_space<vmem>>[vector<16xi32>, vector<16xi32>], vector<16xf32>,
    %swap3A_1305 = arith.constant 368 : index
    %swap3A_1306 = tpu.vector_load %arg37[%swap3A_1305] {strides = array<i32>} : memref<512xf32, #tpu.memory_space<vmem>>, vector<16xf32>,
    tpu.vector_store %arg37[%swap3A_1305], %gather3A_1304 {strides = array<i32>} : memref<512xf32, #tpu.memory_space<vmem>>, vector<16xf32>,
    %iota3A_1307 = tpu.iota {dimensions = array<i32: 0>} : vector<16xi32>
    %add3A_1308 = arith.constant 384 : i32
    %add3A_1309 = vector.broadcast %add3A_1308 : i32 to vector<16xi32>
    %add3A_1310 = arith.addi %iota3A_1307, %add3A_1309 : vector<16xi32>
    %get3A_1311 = arith.constant 384 : index
    %get3A_1312 = tpu.vector_load %arg28[%get3A_1311] {strides = array<i32>} : memref<512xi32, #tpu.memory_space<vmem>>, vector<16xi32>,
    %gather3A_1313 = tpu.vector_load_idx %arg34[%add3A_1310, %get3A_1312] : memref<512x16xf32, #tpu.memory_space<vmem>>[vector<16xi32>, vector<16xi32>], vector<16xf32>,
    %swap3A_1314 = arith.constant 384 : index
    %swap3A_1315 = tpu.vector_load %arg36[%swap3A_1314] {strides = array<i32>} : memref<512xf32, #tpu.memory_space<vmem>>, vector<16xf32>,
    tpu.vector_store %arg36[%swap3A_1314], %gather3A_1313 {strides = array<i32>} : memref<512xf32, #tpu.memory_space<vmem>>, vector<16xf32>,
    %get3A_1316 = arith.constant 384 : index
    %get3A_1317 = tpu.vector_load %arg29[%get3A_1316] {strides = array<i32>} : memref<512xi32, #tpu.memory_space<vmem>>, vector<16xi32>,
    %gather3A_1318 = tpu.vector_load_idx %arg35[%add3A_1310, %get3A_1317] : memref<512x16xf32, #tpu.memory_space<vmem>>[vector<16xi32>, vector<16xi32>], vector<16xf32>,
    %swap3A_1319 = arith.constant 384 : index
    %swap3A_1320 = tpu.vector_load %arg37[%swap3A_1319] {strides = array<i32>} : memref<512xf32, #tpu.memory_space<vmem>>, vector<16xf32>,
    tpu.vector_store %arg37[%swap3A_1319], %gather3A_1318 {strides = array<i32>} : memref<512xf32, #tpu.memory_space<vmem>>, vector<16xf32>,
    %iota3A_1321 = tpu.iota {dimensions = array<i32: 0>} : vector<16xi32>
    %add3A_1322 = arith.constant 400 : i32
    %add3A_1323 = vector.broadcast %add3A_1322 : i32 to vector<16xi32>
    %add3A_1324 = arith.addi %iota3A_1321, %add3A_1323 : vector<16xi32>
    %get3A_1325 = arith.constant 400 : index
    %get3A_1326 = tpu.vector_load %arg28[%get3A_1325] {strides = array<i32>} : memref<512xi32, #tpu.memory_space<vmem>>, vector<16xi32>,
    %gather3A_1327 = tpu.vector_load_idx %arg34[%add3A_1324, %get3A_1326] : memref<512x16xf32, #tpu.memory_space<vmem>>[vector<16xi32>, vector<16xi32>], vector<16xf32>,
    %swap3A_1328 = arith.constant 400 : index
    %swap3A_1329 = tpu.vector_load %arg36[%swap3A_1328] {strides = array<i32>} : memref<512xf32, #tpu.memory_space<vmem>>, vector<16xf32>,
    tpu.vector_store %arg36[%swap3A_1328], %gather3A_1327 {strides = array<i32>} : memref<512xf32, #tpu.memory_space<vmem>>, vector<16xf32>,
    %get3A_1330 = arith.constant 400 : index
    %get3A_1331 = tpu.vector_load %arg29[%get3A_1330] {strides = array<i32>} : memref<512xi32, #tpu.memory_space<vmem>>, vector<16xi32>,
    %gather3A_1332 = tpu.vector_load_idx %arg35[%add3A_1324, %get3A_1331] : memref<512x16xf32, #tpu.memory_space<vmem>>[vector<16xi32>, vector<16xi32>], vector<16xf32>,
    %swap3A_1333 = arith.constant 400 : index
    %swap3A_1334 = tpu.vector_load %arg37[%swap3A_1333] {strides = array<i32>} : memref<512xf32, #tpu.memory_space<vmem>>, vector<16xf32>,
    tpu.vector_store %arg37[%swap3A_1333], %gather3A_1332 {strides = array<i32>} : memref<512xf32, #tpu.memory_space<vmem>>, vector<16xf32>,
    %iota3A_1335 = tpu.iota {dimensions = array<i32: 0>} : vector<16xi32>
    %add3A_1336 = arith.constant 416 : i32
    %add3A_1337 = vector.broadcast %add3A_1336 : i32 to vector<16xi32>
    %add3A_1338 = arith.addi %iota3A_1335, %add3A_1337 : vector<16xi32>
    %get3A_1339 = arith.constant 416 : index
    %get3A_1340 = tpu.vector_load %arg28[%get3A_1339] {strides = array<i32>} : memref<512xi32, #tpu.memory_space<vmem>>, vector<16xi32>,
    %gather3A_1341 = tpu.vector_load_idx %arg34[%add3A_1338, %get3A_1340] : memref<512x16xf32, #tpu.memory_space<vmem>>[vector<16xi32>, vector<16xi32>], vector<16xf32>,
    %swap3A_1342 = arith.constant 416 : index
    %swap3A_1343 = tpu.vector_load %arg36[%swap3A_1342] {strides = array<i32>} : memref<512xf32, #tpu.memory_space<vmem>>, vector<16xf32>,
    tpu.vector_store %arg36[%swap3A_1342], %gather3A_1341 {strides = array<i32>} : memref<512xf32, #tpu.memory_space<vmem>>, vector<16xf32>,
    %get3A_1344 = arith.constant 416 : index
    %get3A_1345 = tpu.vector_load %arg29[%get3A_1344] {strides = array<i32>} : memref<512xi32, #tpu.memory_space<vmem>>, vector<16xi32>,
    %gather3A_1346 = tpu.vector_load_idx %arg35[%add3A_1338, %get3A_1345] : memref<512x16xf32, #tpu.memory_space<vmem>>[vector<16xi32>, vector<16xi32>], vector<16xf32>,
    %swap3A_1347 = arith.constant 416 : index
    %swap3A_1348 = tpu.vector_load %arg37[%swap3A_1347] {strides = array<i32>} : memref<512xf32, #tpu.memory_space<vmem>>, vector<16xf32>,
    tpu.vector_store %arg37[%swap3A_1347], %gather3A_1346 {strides = array<i32>} : memref<512xf32, #tpu.memory_space<vmem>>, vector<16xf32>,
    %iota3A_1349 = tpu.iota {dimensions = array<i32: 0>} : vector<16xi32>
    %add3A_1350 = arith.constant 432 : i32
    %add3A_1351 = vector.broadcast %add3A_1350 : i32 to vector<16xi32>
    %add3A_1352 = arith.addi %iota3A_1349, %add3A_1351 : vector<16xi32>
    %get3A_1353 = arith.constant 432 : index
    %get3A_1354 = tpu.vector_load %arg28[%get3A_1353] {strides = array<i32>} : memref<512xi32, #tpu.memory_space<vmem>>, vector<16xi32>,
    %gather3A_1355 = tpu.vector_load_idx %arg34[%add3A_1352, %get3A_1354] : memref<512x16xf32, #tpu.memory_space<vmem>>[vector<16xi32>, vector<16xi32>], vector<16xf32>,
    %swap3A_1356 = arith.constant 432 : index
    %swap3A_1357 = tpu.vector_load %arg36[%swap3A_1356] {strides = array<i32>} : memref<512xf32, #tpu.memory_space<vmem>>, vector<16xf32>,
    tpu.vector_store %arg36[%swap3A_1356], %gather3A_1355 {strides = array<i32>} : memref<512xf32, #tpu.memory_space<vmem>>, vector<16xf32>,
    %get3A_1358 = arith.constant 432 : index
    %get3A_1359 = tpu.vector_load %arg29[%get3A_1358] {strides = array<i32>} : memref<512xi32, #tpu.memory_space<vmem>>, vector<16xi32>,
    %gather3A_1360 = tpu.vector_load_idx %arg35[%add3A_1352, %get3A_1359] : memref<512x16xf32, #tpu.memory_space<vmem>>[vector<16xi32>, vector<16xi32>], vector<16xf32>,
    %swap3A_1361 = arith.constant 432 : index
    %swap3A_1362 = tpu.vector_load %arg37[%swap3A_1361] {strides = array<i32>} : memref<512xf32, #tpu.memory_space<vmem>>, vector<16xf32>,
    tpu.vector_store %arg37[%swap3A_1361], %gather3A_1360 {strides = array<i32>} : memref<512xf32, #tpu.memory_space<vmem>>, vector<16xf32>,
    %iota3A_1363 = tpu.iota {dimensions = array<i32: 0>} : vector<16xi32>
    %add3A_1364 = arith.constant 448 : i32
    %add3A_1365 = vector.broadcast %add3A_1364 : i32 to vector<16xi32>
    %add3A_1366 = arith.addi %iota3A_1363, %add3A_1365 : vector<16xi32>
    %get3A_1367 = arith.constant 448 : index
    %get3A_1368 = tpu.vector_load %arg28[%get3A_1367] {strides = array<i32>} : memref<512xi32, #tpu.memory_space<vmem>>, vector<16xi32>,
    %gather3A_1369 = tpu.vector_load_idx %arg34[%add3A_1366, %get3A_1368] : memref<512x16xf32, #tpu.memory_space<vmem>>[vector<16xi32>, vector<16xi32>], vector<16xf32>,
    %swap3A_1370 = arith.constant 448 : index
    %swap3A_1371 = tpu.vector_load %arg36[%swap3A_1370] {strides = array<i32>} : memref<512xf32, #tpu.memory_space<vmem>>, vector<16xf32>,
    tpu.vector_store %arg36[%swap3A_1370], %gather3A_1369 {strides = array<i32>} : memref<512xf32, #tpu.memory_space<vmem>>, vector<16xf32>,
    %get3A_1372 = arith.constant 448 : index
    %get3A_1373 = tpu.vector_load %arg29[%get3A_1372] {strides = array<i32>} : memref<512xi32, #tpu.memory_space<vmem>>, vector<16xi32>,
    %gather3A_1374 = tpu.vector_load_idx %arg35[%add3A_1366, %get3A_1373] : memref<512x16xf32, #tpu.memory_space<vmem>>[vector<16xi32>, vector<16xi32>], vector<16xf32>,
    %swap3A_1375 = arith.constant 448 : index
    %swap3A_1376 = tpu.vector_load %arg37[%swap3A_1375] {strides = array<i32>} : memref<512xf32, #tpu.memory_space<vmem>>, vector<16xf32>,
    tpu.vector_store %arg37[%swap3A_1375], %gather3A_1374 {strides = array<i32>} : memref<512xf32, #tpu.memory_space<vmem>>, vector<16xf32>,
    %iota3A_1377 = tpu.iota {dimensions = array<i32: 0>} : vector<16xi32>
    %add3A_1378 = arith.constant 464 : i32
    %add3A_1379 = vector.broadcast %add3A_1378 : i32 to vector<16xi32>
    %add3A_1380 = arith.addi %iota3A_1377, %add3A_1379 : vector<16xi32>
    %get3A_1381 = arith.constant 464 : index
    %get3A_1382 = tpu.vector_load %arg28[%get3A_1381] {strides = array<i32>} : memref<512xi32, #tpu.memory_space<vmem>>, vector<16xi32>,
    %gather3A_1383 = tpu.vector_load_idx %arg34[%add3A_1380, %get3A_1382] : memref<512x16xf32, #tpu.memory_space<vmem>>[vector<16xi32>, vector<16xi32>], vector<16xf32>,
    %swap3A_1384 = arith.constant 464 : index
    %swap3A_1385 = tpu.vector_load %arg36[%swap3A_1384] {strides = array<i32>} : memref<512xf32, #tpu.memory_space<vmem>>, vector<16xf32>,
    tpu.vector_store %arg36[%swap3A_1384], %gather3A_1383 {strides = array<i32>} : memref<512xf32, #tpu.memory_space<vmem>>, vector<16xf32>,
    %get3A_1386 = arith.constant 464 : index
    %get3A_1387 = tpu.vector_load %arg29[%get3A_1386] {strides = array<i32>} : memref<512xi32, #tpu.memory_space<vmem>>, vector<16xi32>,
    %gather3A_1388 = tpu.vector_load_idx %arg35[%add3A_1380, %get3A_1387] : memref<512x16xf32, #tpu.memory_space<vmem>>[vector<16xi32>, vector<16xi32>], vector<16xf32>,
    %swap3A_1389 = arith.constant 464 : index
    %swap3A_1390 = tpu.vector_load %arg37[%swap3A_1389] {strides = array<i32>} : memref<512xf32, #tpu.memory_space<vmem>>, vector<16xf32>,
    tpu.vector_store %arg37[%swap3A_1389], %gather3A_1388 {strides = array<i32>} : memref<512xf32, #tpu.memory_space<vmem>>, vector<16xf32>,
    %iota3A_1391 = tpu.iota {dimensions = array<i32: 0>} : vector<16xi32>
    %add3A_1392 = arith.constant 480 : i32
    %add3A_1393 = vector.broadcast %add3A_1392 : i32 to vector<16xi32>
    %add3A_1394 = arith.addi %iota3A_1391, %add3A_1393 : vector<16xi32>
    %get3A_1395 = arith.constant 480 : index
    %get3A_1396 = tpu.vector_load %arg28[%get3A_1395] {strides = array<i32>} : memref<512xi32, #tpu.memory_space<vmem>>, vector<16xi32>,
    %gather3A_1397 = tpu.vector_load_idx %arg34[%add3A_1394, %get3A_1396] : memref<512x16xf32, #tpu.memory_space<vmem>>[vector<16xi32>, vector<16xi32>], vector<16xf32>,
    %swap3A_1398 = arith.constant 480 : index
    %swap3A_1399 = tpu.vector_load %arg36[%swap3A_1398] {strides = array<i32>} : memref<512xf32, #tpu.memory_space<vmem>>, vector<16xf32>,
    tpu.vector_store %arg36[%swap3A_1398], %gather3A_1397 {strides = array<i32>} : memref<512xf32, #tpu.memory_space<vmem>>, vector<16xf32>,
    %get3A_1400 = arith.constant 480 : index
    %get3A_1401 = tpu.vector_load %arg29[%get3A_1400] {strides = array<i32>} : memref<512xi32, #tpu.memory_space<vmem>>, vector<16xi32>,
    %gather3A_1402 = tpu.vector_load_idx %arg35[%add3A_1394, %get3A_1401] : memref<512x16xf32, #tpu.memory_space<vmem>>[vector<16xi32>, vector<16xi32>], vector<16xf32>,
    %swap3A_1403 = arith.constant 480 : index
    %swap3A_1404 = tpu.vector_load %arg37[%swap3A_1403] {strides = array<i32>} : memref<512xf32, #tpu.memory_space<vmem>>, vector<16xf32>,
    tpu.vector_store %arg37[%swap3A_1403], %gather3A_1402 {strides = array<i32>} : memref<512xf32, #tpu.memory_space<vmem>>, vector<16xf32>,
    %iota3A_1405 = tpu.iota {dimensions = array<i32: 0>} : vector<16xi32>
    %add3A_1406 = arith.constant 496 : i32
    %add3A_1407 = vector.broadcast %add3A_1406 : i32 to vector<16xi32>
    %add3A_1408 = arith.addi %iota3A_1405, %add3A_1407 : vector<16xi32>
    %get3A_1409 = arith.constant 496 : index
    %get3A_1410 = tpu.vector_load %arg28[%get3A_1409] {strides = array<i32>} : memref<512xi32, #tpu.memory_space<vmem>>, vector<16xi32>,
    %gather3A_1411 = tpu.vector_load_idx %arg34[%add3A_1408, %get3A_1410] : memref<512x16xf32, #tpu.memory_space<vmem>>[vector<16xi32>, vector<16xi32>], vector<16xf32>,
    %swap3A_1412 = arith.constant 496 : index
    %swap3A_1413 = tpu.vector_load %arg36[%swap3A_1412] {strides = array<i32>} : memref<512xf32, #tpu.memory_space<vmem>>, vector<16xf32>,
    tpu.vector_store %arg36[%swap3A_1412], %gather3A_1411 {strides = array<i32>} : memref<512xf32, #tpu.memory_space<vmem>>, vector<16xf32>,
    %get3A_1414 = arith.constant 496 : index
    %get3A_1415 = tpu.vector_load %arg29[%get3A_1414] {strides = array<i32>} : memref<512xi32, #tpu.memory_space<vmem>>, vector<16xi32>,
    %gather3A_1416 = tpu.vector_load_idx %arg35[%add3A_1408, %get3A_1415] : memref<512x16xf32, #tpu.memory_space<vmem>>[vector<16xi32>, vector<16xi32>], vector<16xf32>,
    %swap3A_1417 = arith.constant 496 : index
    %swap3A_1418 = tpu.vector_load %arg37[%swap3A_1417] {strides = array<i32>} : memref<512xf32, #tpu.memory_space<vmem>>, vector<16xf32>,
    tpu.vector_store %arg37[%swap3A_1417], %gather3A_1416 {strides = array<i32>} : memref<512xf32, #tpu.memory_space<vmem>>, vector<16xf32>,
    "tpu.region"() ({
      %run_scoped3A = tpu.sem_alloc : memref<!tpu.dma_semaphore, #tpu.memory_space<semaphore_mem>>
      %dma_start3A_1419 = arith.constant 0 : i32
      %dma_start3A_1420 = tpu.memref_slice %arg16[%mul3A_2, %dma_start3A_1419] : memref<16384x64xf32, #tpu.memory_space<hbm>> -> memref<512x64xf32, #tpu.memory_space<hbm>>
      %dma_start3A_1421 = arith.constant 0 : i32
      %dma_start3A_1422 = tpu.memref_slice %arg16[%mul3A_2, %dma_start3A_1421] : memref<16384x64xf32, #tpu.memory_space<hbm>> -> memref<512x64xf32, #tpu.memory_space<hbm>>
      tpu.enqueue_dma source(%arg30 : memref<512x64xf32, #tpu.memory_space<vmem>>) target(%dma_start3A_1422 : memref<512x64xf32, #tpu.memory_space<hbm>>) target_semaphore(%run_scoped3A : memref<!tpu.dma_semaphore, #tpu.memory_space<semaphore_mem>>)
      %dma_wait3A_1423 = arith.constant 0 : i32
      %dma_wait3A_1424 = tpu.memref_slice %arg16[%mul3A_2, %dma_wait3A_1423] : memref<16384x64xf32, #tpu.memory_space<hbm>> -> memref<512x64xf32, #tpu.memory_space<hbm>>
      %dma_wait3A_1425 = arith.constant 0 : i32
      %dma_wait3A_1426 = tpu.memref_slice %arg16[%mul3A_2, %dma_wait3A_1425] : memref<16384x64xf32, #tpu.memory_space<hbm>> -> memref<512x64xf32, #tpu.memory_space<hbm>>
      tpu.wait_dma2 semaphore(%run_scoped3A : memref<!tpu.dma_semaphore, #tpu.memory_space<semaphore_mem>>) src(%arg30 : memref<512x64xf32, #tpu.memory_space<vmem>>) dst(%dma_wait3A_1426 : memref<512x64xf32, #tpu.memory_space<hbm>>)
      tpu.yield
    }) : () -> ()
    "tpu.region"() ({
      %run_scoped3A = tpu.sem_alloc : memref<!tpu.dma_semaphore, #tpu.memory_space<semaphore_mem>>
      %dma_start3A_1419 = arith.constant 0 : i32
      %dma_start3A_1420 = tpu.memref_slice %arg17[%mul3A_2, %dma_start3A_1419] : memref<16384x64xf32, #tpu.memory_space<hbm>> -> memref<512x64xf32, #tpu.memory_space<hbm>>
      %dma_start3A_1421 = arith.constant 0 : i32
      %dma_start3A_1422 = tpu.memref_slice %arg17[%mul3A_2, %dma_start3A_1421] : memref<16384x64xf32, #tpu.memory_space<hbm>> -> memref<512x64xf32, #tpu.memory_space<hbm>>
      tpu.enqueue_dma source(%arg31 : memref<512x64xf32, #tpu.memory_space<vmem>>) target(%dma_start3A_1422 : memref<512x64xf32, #tpu.memory_space<hbm>>) target_semaphore(%run_scoped3A : memref<!tpu.dma_semaphore, #tpu.memory_space<semaphore_mem>>)
      %dma_wait3A_1423 = arith.constant 0 : i32
      %dma_wait3A_1424 = tpu.memref_slice %arg17[%mul3A_2, %dma_wait3A_1423] : memref<16384x64xf32, #tpu.memory_space<hbm>> -> memref<512x64xf32, #tpu.memory_space<hbm>>
      %dma_wait3A_1425 = arith.constant 0 : i32
      %dma_wait3A_1426 = tpu.memref_slice %arg17[%mul3A_2, %dma_wait3A_1425] : memref<16384x64xf32, #tpu.memory_space<hbm>> -> memref<512x64xf32, #tpu.memory_space<hbm>>
      tpu.wait_dma2 semaphore(%run_scoped3A : memref<!tpu.dma_semaphore, #tpu.memory_space<semaphore_mem>>) src(%arg31 : memref<512x64xf32, #tpu.memory_space<vmem>>) dst(%dma_wait3A_1426 : memref<512x64xf32, #tpu.memory_space<hbm>>)
      tpu.yield
    }) : () -> ()
    "tpu.region"() ({
      %run_scoped3A = tpu.sem_alloc : memref<!tpu.dma_semaphore, #tpu.memory_space<semaphore_mem>>
      %dma_start3A_1419 = arith.constant 0 : i32
      %dma_start3A_1420 = tpu.memref_slice %arg18[%mul3A_4, %dma_start3A_1419] : memref<65536x8xf32, #tpu.memory_space<hbm>> -> memref<2048x8xf32, #tpu.memory_space<hbm>>
      %dma_start3A_1421 = arith.constant 0 : i32
      %dma_start3A_1422 = tpu.memref_slice %arg18[%mul3A_4, %dma_start3A_1421] : memref<65536x8xf32, #tpu.memory_space<hbm>> -> memref<2048x8xf32, #tpu.memory_space<hbm>>
      tpu.enqueue_dma source(%arg32 : memref<2048x8xf32, #tpu.memory_space<vmem>>) target(%dma_start3A_1422 : memref<2048x8xf32, #tpu.memory_space<hbm>>) target_semaphore(%run_scoped3A : memref<!tpu.dma_semaphore, #tpu.memory_space<semaphore_mem>>)
      %dma_wait3A_1423 = arith.constant 0 : i32
      %dma_wait3A_1424 = tpu.memref_slice %arg18[%mul3A_4, %dma_wait3A_1423] : memref<65536x8xf32, #tpu.memory_space<hbm>> -> memref<2048x8xf32, #tpu.memory_space<hbm>>
      %dma_wait3A_1425 = arith.constant 0 : i32
      %dma_wait3A_1426 = tpu.memref_slice %arg18[%mul3A_4, %dma_wait3A_1425] : memref<65536x8xf32, #tpu.memory_space<hbm>> -> memref<2048x8xf32, #tpu.memory_space<hbm>>
      tpu.wait_dma2 semaphore(%run_scoped3A : memref<!tpu.dma_semaphore, #tpu.memory_space<semaphore_mem>>) src(%arg32 : memref<2048x8xf32, #tpu.memory_space<vmem>>) dst(%dma_wait3A_1426 : memref<2048x8xf32, #tpu.memory_space<hbm>>)
      tpu.yield
    }) : () -> ()
    "tpu.region"() ({
      %run_scoped3A = tpu.sem_alloc : memref<!tpu.dma_semaphore, #tpu.memory_space<semaphore_mem>>
      %dma_start3A_1419 = arith.constant 0 : i32
      %dma_start3A_1420 = tpu.memref_slice %arg19[%mul3A_4, %dma_start3A_1419] : memref<65536x8xf32, #tpu.memory_space<hbm>> -> memref<2048x8xf32, #tpu.memory_space<hbm>>
      %dma_start3A_1421 = arith.constant 0 : i32
      %dma_start3A_1422 = tpu.memref_slice %arg19[%mul3A_4, %dma_start3A_1421] : memref<65536x8xf32, #tpu.memory_space<hbm>> -> memref<2048x8xf32, #tpu.memory_space<hbm>>
      tpu.enqueue_dma source(%arg33 : memref<2048x8xf32, #tpu.memory_space<vmem>>) target(%dma_start3A_1422 : memref<2048x8xf32, #tpu.memory_space<hbm>>) target_semaphore(%run_scoped3A : memref<!tpu.dma_semaphore, #tpu.memory_space<semaphore_mem>>)
      %dma_wait3A_1423 = arith.constant 0 : i32
      %dma_wait3A_1424 = tpu.memref_slice %arg19[%mul3A_4, %dma_wait3A_1423] : memref<65536x8xf32, #tpu.memory_space<hbm>> -> memref<2048x8xf32, #tpu.memory_space<hbm>>
      %dma_wait3A_1425 = arith.constant 0 : i32
      %dma_wait3A_1426 = tpu.memref_slice %arg19[%mul3A_4, %dma_wait3A_1425] : memref<65536x8xf32, #tpu.memory_space<hbm>> -> memref<2048x8xf32, #tpu.memory_space<hbm>>
      tpu.wait_dma2 semaphore(%run_scoped3A : memref<!tpu.dma_semaphore, #tpu.memory_space<semaphore_mem>>) src(%arg33 : memref<2048x8xf32, #tpu.memory_space<vmem>>) dst(%dma_wait3A_1426 : memref<2048x8xf32, #tpu.memory_space<hbm>>)
      tpu.yield
    }) : () -> ()
    "tpu.region"() ({
      %run_scoped3A = tpu.sem_alloc : memref<!tpu.dma_semaphore, #tpu.memory_space<semaphore_mem>>
      %dma_start3A_1419 = tpu.memref_slice %arg20[%mul3A_2] : memref<16384xf32, #tpu.memory_space<hbm>> -> memref<512xf32, #tpu.memory_space<hbm>>
      %dma_start3A_1420 = tpu.memref_slice %arg20[%mul3A_2] : memref<16384xf32, #tpu.memory_space<hbm>> -> memref<512xf32, #tpu.memory_space<hbm>>
      tpu.enqueue_dma source(%arg36 : memref<512xf32, #tpu.memory_space<vmem>>) target(%dma_start3A_1420 : memref<512xf32, #tpu.memory_space<hbm>>) target_semaphore(%run_scoped3A : memref<!tpu.dma_semaphore, #tpu.memory_space<semaphore_mem>>)
      %dma_wait3A_1421 = tpu.memref_slice %arg20[%mul3A_2] : memref<16384xf32, #tpu.memory_space<hbm>> -> memref<512xf32, #tpu.memory_space<hbm>>
      %dma_wait3A_1422 = tpu.memref_slice %arg20[%mul3A_2] : memref<16384xf32, #tpu.memory_space<hbm>> -> memref<512xf32, #tpu.memory_space<hbm>>
      tpu.wait_dma2 semaphore(%run_scoped3A : memref<!tpu.dma_semaphore, #tpu.memory_space<semaphore_mem>>) src(%arg36 : memref<512xf32, #tpu.memory_space<vmem>>) dst(%dma_wait3A_1422 : memref<512xf32, #tpu.memory_space<hbm>>)
      tpu.yield
    }) : () -> ()
    "tpu.region"() ({
      %run_scoped3A = tpu.sem_alloc : memref<!tpu.dma_semaphore, #tpu.memory_space<semaphore_mem>>
      %dma_start3A_1419 = tpu.memref_slice %arg21[%mul3A_2] : memref<16384xf32, #tpu.memory_space<hbm>> -> memref<512xf32, #tpu.memory_space<hbm>>
      %dma_start3A_1420 = tpu.memref_slice %arg21[%mul3A_2] : memref<16384xf32, #tpu.memory_space<hbm>> -> memref<512xf32, #tpu.memory_space<hbm>>
      tpu.enqueue_dma source(%arg37 : memref<512xf32, #tpu.memory_space<vmem>>) target(%dma_start3A_1420 : memref<512xf32, #tpu.memory_space<hbm>>) target_semaphore(%run_scoped3A : memref<!tpu.dma_semaphore, #tpu.memory_space<semaphore_mem>>)
      %dma_wait3A_1421 = tpu.memref_slice %arg21[%mul3A_2] : memref<16384xf32, #tpu.memory_space<hbm>> -> memref<512xf32, #tpu.memory_space<hbm>>
      %dma_wait3A_1422 = tpu.memref_slice %arg21[%mul3A_2] : memref<16384xf32, #tpu.memory_space<hbm>> -> memref<512xf32, #tpu.memory_space<hbm>>
      tpu.wait_dma2 semaphore(%run_scoped3A : memref<!tpu.dma_semaphore, #tpu.memory_space<semaphore_mem>>) src(%arg37 : memref<512xf32, #tpu.memory_space<vmem>>) dst(%dma_wait3A_1422 : memref<512xf32, #tpu.memory_space<hbm>>)
      tpu.yield
    }) : () -> ()
    return
  }
}

module attributes {stable_mosaic.version = 14 : i64} {
  func.func @_dense_body(%arg0: i32, %arg1: memref<2048x64xf32, #tpu.memory_space<vmem>>, %arg2: memref<2048x32xf32, #tpu.memory_space<vmem>>, %arg3: memref<2048x64xf32, #tpu.memory_space<vmem>>, %arg4: memref<2048x32xf32, #tpu.memory_space<vmem>>, %arg5: memref<2048x1xf32, #tpu.memory_space<vmem>>, %arg6: memref<2048x1xf32, #tpu.memory_space<vmem>>, %arg7: memref<64x96xf32, #tpu.memory_space<vmem>>, %arg8: memref<32x96xf32, #tpu.memory_space<vmem>>, %arg9: memref<1x96xf32, #tpu.memory_space<vmem>>, %arg10: memref<64x96xf32, #tpu.memory_space<vmem>>, %arg11: memref<32x96xf32, #tpu.memory_space<vmem>>, %arg12: memref<1x96xf32, #tpu.memory_space<vmem>>, %arg13: memref<2048x1xf32, #tpu.memory_space<vmem>>) attributes {dimension_semantics = [#tpu.dimension_semantics<arbitrary>], iteration_bounds = array<i64: 8>, scalar_prefetch = 0 : i64, scratch_operands = 0 : i64, tpu.core_type = #tpu.core_type<tc>, window_params = [{transform_indices = @transform_0, window_bounds = array<i64: 2048, 64>}, {transform_indices = @transform_1, window_bounds = array<i64: 2048, 32>}, {transform_indices = @transform_2, window_bounds = array<i64: 2048, 64>}, {transform_indices = @transform_3, window_bounds = array<i64: 2048, 32>}, {transform_indices = @transform_4, window_bounds = array<i64: 2048, 1>}, {transform_indices = @transform_5, window_bounds = array<i64: 2048, 1>}, {pipeline_mode = #tpu.pipeline_mode<synchronous>, transform_indices = @transform_6, window_bounds = array<i64: 64, 96>}, {pipeline_mode = #tpu.pipeline_mode<synchronous>, transform_indices = @transform_7, window_bounds = array<i64: 32, 96>}, {pipeline_mode = #tpu.pipeline_mode<synchronous>, transform_indices = @transform_8, window_bounds = array<i64: 1, 96>}, {pipeline_mode = #tpu.pipeline_mode<synchronous>, transform_indices = @transform_9, window_bounds = array<i64: 64, 96>}, {pipeline_mode = #tpu.pipeline_mode<synchronous>, transform_indices = @transform_10, window_bounds = array<i64: 32, 96>}, {pipeline_mode = #tpu.pipeline_mode<synchronous>, transform_indices = @transform_11, window_bounds = array<i64: 1, 96>}, {transform_indices = @transform_12, window_bounds = array<i64: 2048, 1>}]} {
    %get3A = arith.constant 0 : index
    %get3A_0 = arith.constant 0 : index
    %get3A_1 = vector.load %arg1[%get3A, %get3A_0] : memref<2048x64xf32, #tpu.memory_space<vmem>>, vector<2048x64xf32>
    %get3A_2 = arith.constant 0 : index
    %get3A_3 = arith.constant 0 : index
    %get3A_4 = vector.load %arg7[%get3A_2, %get3A_3] : memref<64x96xf32, #tpu.memory_space<vmem>>, vector<64x96xf32>
    %dot_general3A = arith.constant dense<0.000000e+00> : vector<2048x96xf32>
    %dot_general3A_5 = tpu.matmul %get3A_1, %get3A_4, %dot_general3A {dimension_numbers = #tpu.dot_dimension_numbers<[1], [0], [0], [1], [0, 0, 1, 1], [], []>, precision = #tpu.contract_precision<fp32>, transpose_lhs_hint = false} : vector<2048x64xf32>, vector<64x96xf32>, vector<2048x96xf32> -> vector<2048x96xf32>
    %get3A_6 = arith.constant 0 : index
    %get3A_7 = arith.constant 0 : index
    %get3A_8 = vector.load %arg2[%get3A_6, %get3A_7] : memref<2048x32xf32, #tpu.memory_space<vmem>>, vector<2048x32xf32>
    %get3A_9 = arith.constant 0 : index
    %get3A_10 = arith.constant 0 : index
    %get3A_11 = vector.load %arg8[%get3A_9, %get3A_10] : memref<32x96xf32, #tpu.memory_space<vmem>>, vector<32x96xf32>
    %dot_general3A_12 = arith.constant dense<0.000000e+00> : vector<2048x96xf32>
    %dot_general3A_13 = tpu.matmul %get3A_8, %get3A_11, %dot_general3A_12 {dimension_numbers = #tpu.dot_dimension_numbers<[1], [0], [0], [1], [0, 0, 1, 1], [], []>, precision = #tpu.contract_precision<fp32>, transpose_lhs_hint = false} : vector<2048x32xf32>, vector<32x96xf32>, vector<2048x96xf32> -> vector<2048x96xf32>
    %add3A = arith.addf %dot_general3A_5, %dot_general3A_13 : vector<2048x96xf32>
    %get3A_14 = arith.constant 0 : index
    %get3A_15 = arith.constant 0 : index
    %get3A_16 = vector.load %arg9[%get3A_14, %get3A_15] : memref<1x96xf32, #tpu.memory_space<vmem>>, vector<1x96xf32>
    %add3A_17 = vector.broadcast %get3A_16 : vector<1x96xf32> to vector<2048x96xf32>
    %add3A_18 = arith.addf %add3A, %add3A_17 : vector<2048x96xf32>
    %get3A_19 = arith.constant 0 : index
    %get3A_20 = arith.constant 0 : index
    %get3A_21 = vector.load %arg3[%get3A_19, %get3A_20] : memref<2048x64xf32, #tpu.memory_space<vmem>>, vector<2048x64xf32>
    %get3A_22 = arith.constant 0 : index
    %get3A_23 = arith.constant 0 : index
    %get3A_24 = vector.load %arg10[%get3A_22, %get3A_23] : memref<64x96xf32, #tpu.memory_space<vmem>>, vector<64x96xf32>
    %dot_general3A_25 = arith.constant dense<0.000000e+00> : vector<2048x96xf32>
    %dot_general3A_26 = tpu.matmul %get3A_21, %get3A_24, %dot_general3A_25 {dimension_numbers = #tpu.dot_dimension_numbers<[1], [0], [0], [1], [0, 0, 1, 1], [], []>, precision = #tpu.contract_precision<fp32>, transpose_lhs_hint = false} : vector<2048x64xf32>, vector<64x96xf32>, vector<2048x96xf32> -> vector<2048x96xf32>
    %get3A_27 = arith.constant 0 : index
    %get3A_28 = arith.constant 0 : index
    %get3A_29 = vector.load %arg4[%get3A_27, %get3A_28] : memref<2048x32xf32, #tpu.memory_space<vmem>>, vector<2048x32xf32>
    %get3A_30 = arith.constant 0 : index
    %get3A_31 = arith.constant 0 : index
    %get3A_32 = vector.load %arg11[%get3A_30, %get3A_31] : memref<32x96xf32, #tpu.memory_space<vmem>>, vector<32x96xf32>
    %dot_general3A_33 = arith.constant dense<0.000000e+00> : vector<2048x96xf32>
    %dot_general3A_34 = tpu.matmul %get3A_29, %get3A_32, %dot_general3A_33 {dimension_numbers = #tpu.dot_dimension_numbers<[1], [0], [0], [1], [0, 0, 1, 1], [], []>, precision = #tpu.contract_precision<fp32>, transpose_lhs_hint = false} : vector<2048x32xf32>, vector<32x96xf32>, vector<2048x96xf32> -> vector<2048x96xf32>
    %add3A_35 = arith.addf %dot_general3A_26, %dot_general3A_34 : vector<2048x96xf32>
    %get3A_36 = arith.constant 0 : index
    %get3A_37 = arith.constant 0 : index
    %get3A_38 = vector.load %arg12[%get3A_36, %get3A_37] : memref<1x96xf32, #tpu.memory_space<vmem>>, vector<1x96xf32>
    %add3A_39 = vector.broadcast %get3A_38 : vector<1x96xf32> to vector<2048x96xf32>
    %add3A_40 = arith.addf %add3A_35, %add3A_39 : vector<2048x96xf32>
    %mul3A = arith.mulf %add3A_18, %add3A_40 : vector<2048x96xf32>
    %reduce_sum3A = arith.constant dense<0.000000e+00> : vector<2048xf32>
    %reduce_sum3A_41 = vector.multi_reduction <add>, %mul3A, %reduce_sum3A [1] : vector<2048x96xf32> to vector<2048xf32>
    %broadcast_in_dim3A = vector.shape_cast %reduce_sum3A_41 : vector<2048xf32> to vector<2048x1xf32>
    %get3A_42 = arith.constant 0 : index
    %get3A_43 = arith.constant 0 : index
    %get3A_44 = vector.load %arg5[%get3A_42, %get3A_43] : memref<2048x1xf32, #tpu.memory_space<vmem>>, vector<2048x1xf32>
    %add3A_45 = arith.addf %broadcast_in_dim3A, %get3A_44 : vector<2048x1xf32>
    %get3A_46 = arith.constant 0 : index
    %get3A_47 = arith.constant 0 : index
    %get3A_48 = vector.load %arg6[%get3A_46, %get3A_47] : memref<2048x1xf32, #tpu.memory_space<vmem>>, vector<2048x1xf32>
    %add3A_49 = arith.addf %add3A_45, %get3A_48 : vector<2048x1xf32>
    %swap3A = arith.constant 0 : index
    %swap3A_50 = arith.constant 0 : index
    %swap3A_51 = vector.load %arg13[%swap3A, %swap3A_50] : memref<2048x1xf32, #tpu.memory_space<vmem>>, vector<2048x1xf32>
    tpu.vector_store %arg13[%swap3A, %swap3A_50], %add3A_49 {strides = array<i32>} : memref<2048x1xf32, #tpu.memory_space<vmem>>, vector<2048x1xf32>,
    return
  }
  func.func @transform_0(%arg0: i32) -> (i32, i32) {
    %c0_i32 = arith.constant 0 : i32
    %c0_i32_0 = arith.constant 0 : i32
    return %arg0, %c0_i32 : i32, i32
  }
  func.func @transform_1(%arg0: i32) -> (i32, i32) {
    %c0_i32 = arith.constant 0 : i32
    %c0_i32_0 = arith.constant 0 : i32
    return %arg0, %c0_i32 : i32, i32
  }
  func.func @transform_2(%arg0: i32) -> (i32, i32) {
    %c0_i32 = arith.constant 0 : i32
    %c0_i32_0 = arith.constant 0 : i32
    return %arg0, %c0_i32 : i32, i32
  }
  func.func @transform_3(%arg0: i32) -> (i32, i32) {
    %c0_i32 = arith.constant 0 : i32
    %c0_i32_0 = arith.constant 0 : i32
    return %arg0, %c0_i32 : i32, i32
  }
  func.func @transform_4(%arg0: i32) -> (i32, i32) {
    %c0_i32 = arith.constant 0 : i32
    %c0_i32_0 = arith.constant 0 : i32
    return %arg0, %c0_i32 : i32, i32
  }
  func.func @transform_5(%arg0: i32) -> (i32, i32) {
    %c0_i32 = arith.constant 0 : i32
    %c0_i32_0 = arith.constant 0 : i32
    return %arg0, %c0_i32 : i32, i32
  }
  func.func @transform_6(%arg0: i32) -> (i32, i32) {
    %c0_i32 = arith.constant 0 : i32
    %c0_i32_0 = arith.constant 0 : i32
    %c0_i32_1 = arith.constant 0 : i32
    return %c0_i32, %c0_i32_0 : i32, i32
  }
  func.func @transform_7(%arg0: i32) -> (i32, i32) {
    %c0_i32 = arith.constant 0 : i32
    %c0_i32_0 = arith.constant 0 : i32
    %c0_i32_1 = arith.constant 0 : i32
    return %c0_i32, %c0_i32_0 : i32, i32
  }
  func.func @transform_8(%arg0: i32) -> (i32, i32) {
    %c0_i32 = arith.constant 0 : i32
    %c0_i32_0 = arith.constant 0 : i32
    %c0_i32_1 = arith.constant 0 : i32
    return %c0_i32, %c0_i32_0 : i32, i32
  }
  func.func @transform_9(%arg0: i32) -> (i32, i32) {
    %c0_i32 = arith.constant 0 : i32
    %c0_i32_0 = arith.constant 0 : i32
    %c0_i32_1 = arith.constant 0 : i32
    return %c0_i32, %c0_i32_0 : i32, i32
  }
  func.func @transform_10(%arg0: i32) -> (i32, i32) {
    %c0_i32 = arith.constant 0 : i32
    %c0_i32_0 = arith.constant 0 : i32
    %c0_i32_1 = arith.constant 0 : i32
    return %c0_i32, %c0_i32_0 : i32, i32
  }
  func.func @transform_11(%arg0: i32) -> (i32, i32) {
    %c0_i32 = arith.constant 0 : i32
    %c0_i32_0 = arith.constant 0 : i32
    %c0_i32_1 = arith.constant 0 : i32
    return %c0_i32, %c0_i32_0 : i32, i32
  }
  func.func @transform_12(%arg0: i32) -> (i32, i32) {
    %c0_i32 = arith.constant 0 : i32
    %c0_i32_0 = arith.constant 0 : i32
    return %arg0, %c0_i32 : i32, i32
  }
}

</mosaic_0001>

<sc_bundles>
// kernel: kernel.4.cloned.1.call-start
scs
__scs_entry_jumppad:
0x0: {  	(pc) =	sbr.rel $0x88, $3  }
0x1: {  	(tag) =	ssettag $0x0;
	lr =	simm.s32 $0x1  }
0x2: {  	[smem:$0x3F94] =	sst lr;
	_ =	strace $0xD0000000  }
0x3: {  	_ = 	snop  }
0x4: {  	_ = 	snop  }
0x5: {  	_ = 	snop  }
0x6: {  	_ = 	snop  }
0x7: {  	_ = 	snop  }
__scs_overlays_trampoline_lowered:
0x8: {  	[smem:$0x3FA3] =	sst s0  }
0x9: {  	[smem:$0x3FA4] =	sst s1  }
0xa: {  	[smem:$0x3FA5] =	sst s2  }
0xb: {  	[smem:$0x3FA6] =	sst s3  }
0xc: {  	[smem:$0x3FA7] =	sst s4  }
0xd: {  	[smem:$0x3FA8] =	sst s5  }
0xe: {  	[smem:$0x3FA9] =	sst s6  }
0xf: {  	[smem:$0x3FAA] =	sst s7  }
0x10: {  	[smem:$0x3FAB] =	sst s8  }
0x11: {  	[smem:$0x3FAC] =	sst s9;
	s0 =	simm.s32 @!p0 $0x0  }
0x12: {  	s1 =	sld [smem:$0x3F92];
	s0 =	simm.s32 @p0 $0x1  }
0x13: {  	[smem:$0x3FAD] =	sst s0;
	s0 =	simm.s32 @!p1 $0x0  }
0x14: {  	s2 =	sld [smem:$0x3F91];
	s0 =	simm.s32 @p1 $0x1  }
0x15: {  	[smem:$0x3FAE] =	sst s0;
	s0 =	simm.s32 @!p2 $0x0  }
0x16: {  	s3 =	sld [smem:$0x3FDB];
	s0 =	simm.s32 @p2 $0x1  }
0x17: {  	s4 =	simm.s32 $0x1BF5;
	[smem:$0x3FB0] =	sst s0  }
0x18: {  	s0 =	sld [smem:$0x3F93];
	_ =	swait.ge [sflag:s4], $0x0  }
0x19: {  	s7 =	sld [smem:$0x3F94]  }
0x1a: {  	s8 =	sadd.s32 $0xFFFFE003, lr  }
0x1b: {  	s9 =	sadd.s32 $0xFFFFFEF7, lr;
	s5 =	simm.s32 $0xFFFFFFFF;
	p2 =	slt.u32 s8, $0xFFFFF086  }
0x1c: {  	p1 =	slt.u32 s9, $0xF7A;
	s5 =	simm.s32 @!p2 $0x0  }
0x1d: {  	s5 =	simm.s32 @p1 $0x1;
	p0 =	seq.s32 s7, s2  }
0x1e: {  	s7 =	smul.u32 @!p0 $0xF7A, s2;
	p2 =	seq.s32 @!p0 s5, $0x0  }
0x1f: {  	s9 =	smul.u32 $0xF7A, s1;
	s8 =	simm.s32 @!p0 $0x1BF5;
	p2 =	por !p2, p0  }
0x20: {  	[sflag:s8] =	ssyncset.s32 @!p0 $0xFFFFF086;
	s6 =	sadd.s32 @!p0 s3, s7;
	s7 =	simm.s32 @!p0 $0x108  }
0x21: {  	s3 =	sadd.s32 s3, s9;
	s6 =	sadd.s32 @!p0 $0x88, s6;
	s7 =	simm.s32 @p2 $0x1082  }
0x22: {  	[simem:s7], [sflag:s8] =	dma.local @!p0 [hbm:s6], $0xF7A  }
0x23: {  	s9 =	sor.u32 $0xD0000000, s2;
	s6 =	simm.s32 $0x108;
	_ =	swait.ge @!p0 [sflag:s8], $0x0  }
0x24: {  	s3 =	sadd.s32 $0x88, s3;
	s6 =	simm.s32 @!p1 $0x1082;
	[sflag:s4] =	ssyncset.s32 $0xFFFFF086  }
0x25: {  	[simem:s6], [sflag:s4] =	dma.local [hbm:s3], $0xF7A  }
0x26: {  	[smem:$0x3F94] =	sst s1;
	(tag) =	ssettag s2;
	_ =	strace s9  }
0x27: {  	s1 =	sld [smem:$0x3FA4]  }
0x28: {  	s2 =	sld [smem:$0x3FA5]  }
0x29: {  	s4 =	sld [smem:$0x3FA7]  }
0x2a: {  	p0 =	seq.s32 s5, $0x0;
	s5 =	sld [smem:$0x3FA8]  }
0x2b: {  	s6 =	sld [smem:$0x3FA9]  }
0x2c: {  	s7 =	sld [smem:$0x3FAA]  }
0x2d: {  	s3 =	simm.s32 $0x108;
	s8 =	sld [smem:$0x3FAB]  }
0x2e: {  	s3 =	simm.s32 @!p0 $0x1082;
	s9 =	sld [smem:$0x3FAC]  }
0x2f: {  	lr =	sadd.s32 s0, s3;
	s0 =	sld [smem:$0x3FA3]  }
0x30: {  	s3 =	sld [smem:$0x3FA6]  }
0x31: {  	[smem:$0x3FAF] =	sst s10  }
0x32: {  	s10 =	sld [smem:$0x3FAD];
	_ =	sdelay $0x3  }
0x33: {  	p0 =	seq.s32 s10, $0x1;
	s10 =	sld [smem:$0x3FAF];
	_ =	sdelay $0x3  }
0x34: {  	[smem:$0x3FAF] =	sst s10  }
0x35: {  	s10 =	sld [smem:$0x3FAE];
	_ =	sdelay $0x3  }
0x36: {  	p1 =	seq.s32 s10, $0x1;
	s10 =	sld [smem:$0x3FAF];
	_ =	sdelay $0x3  }
0x37: {  	[smem:$0x3FAF] =	sst s10  }
0x38: {  	s10 =	sld [smem:$0x3FB0]  }
0x39: {  	_ = 	snop;
	(pc) =	sbr.ind lr, $3  }
0x3a: {  	_ = 	snop  }
0x3b: {  	_ = 	snop  }
0x3c: {  	p2 =	seq.s32 s10, $0x1;
	s10 =	sld [smem:$0x3FAF]  }
0x3d: {  	_ =	shalt  }
0x3e: {  	_ =	shalt  }
0x3f: {  	_ =	shalt  }
0x40: {  	_ =	shalt  }
0x41: {  	_ =	shalt  }
0x42: {  	_ =	shalt  }
0x43: {  	_ =	shalt  }
0x44: {  	_ =	shalt  }
0x45: {  	_ =	shalt  }
0x46: {  	_ =	shalt  }
0x47: {  	_ =	shalt  }
0x48: {  	_ =	shalt  }
0x49: {  	_ =	shalt  }
0x4a: {  	_ =	shalt  }
0x4b: {  	_ =	shalt  }
0x4c: {  	_ =	shalt  }
0x4d: {  	_ =	shalt  }
0x4e: {  	_ =	shalt  }
0x4f: {  	_ =	shalt  }
0x50: {  	_ =	shalt  }
0x51: {  	_ =	shalt  }
0x52: {  	_ =	shalt  }
0x53: {  	_ =	shalt  }
0x54: {  	_ =	shalt  }
0x55: {  	_ =	shalt  }
0x56: {  	_ =	shalt  }
0x57: {  	_ =	shalt  }
0x58: {  	_ =	shalt  }
0x59: {  	_ =	shalt  }
0x5a: {  	_ =	shalt  }
0x5b: {  	_ =	shalt  }
0x5c: {  	_ =	shalt  }
0x5d: {  	_ =	shalt  }
0x5e: {  	_ =	shalt  }
0x5f: {  	_ =	shalt  }
0x60: {  	_ =	shalt  }
0x61: {  	_ =	shalt  }
0x62: {  	_ =	shalt  }
0x63: {  	_ =	shalt  }
0x64: {  	_ =	shalt  }
0x65: {  	_ =	shalt  }
0x66: {  	_ =	shalt  }
0x67: {  	_ =	shalt  }
0x68: {  	_ =	shalt  }
0x69: {  	_ =	shalt  }
0x6a: {  	_ =	shalt  }
0x6b: {  	_ =	shalt  }
0x6c: {  	_ =	shalt  }
0x6d: {  	_ =	shalt  }
0x6e: {  	_ =	shalt  }
0x6f: {  	_ =	shalt  }
0x70: {  	_ =	shalt  }
0x71: {  	_ =	shalt  }
0x72: {  	_ =	shalt  }
0x73: {  	_ =	shalt  }
0x74: {  	_ =	shalt  }
0x75: {  	_ =	shalt  }
0x76: {  	_ =	shalt  }
0x77: {  	_ =	shalt  }
0x78: {  	_ =	shalt  }
0x79: {  	_ =	shalt  }
0x7a: {  	_ =	shalt  }
0x7b: {  	_ =	shalt  }
0x7c: {  	_ =	shalt  }
0x7d: {  	_ =	shalt  }
0x7e: {  	_ =	shalt  }
0x7f: {  	_ =	shalt  }
0x80: {  	_ =	shalt  }
0x81: {  	_ =	shalt  }
0x82: {  	_ =	shalt  }
0x83: {  	_ =	shalt  }
0x84: {  	_ =	shalt  }
0x85: {  	_ =	shalt  }
0x86: {  	_ =	shalt  }
0x87: {  	_ =	shalt  }
.Lfunc_end0:
.L_simem_size_0:
called_computation_lowered:
.L_overlay_start_0:
0x88: {  	s2 =	sld [smem:$0x3FD9]  }
0x89: {  	s3 =	sld [smem:$0x3FFE];
	_ =	sdelay $0x1  }
0x8a: {  	s1 =	srdreg.scid  }
0x8b: {  	s0 =	sand.u32 $0x1, s1  }
0x8c: {  	s17 =	sshll.u32 s0, $0xA;
	s2 =	sadd.s32 s3, s2  }
0x8d: {  	s2 =	sadd.s32 s2, s17  }
0x8e: {  	[smem:$0x3FBB] =	sst s2  }
0x8f: {  	_ = 	snop  }
0x90: {  	s2 =	sld [smem:$0x3FD0];
	(tm) =	ssettm $0x1  }
0x91: {  	s18 =	sld [smem:$0x3FFB];
	_ =	sdelay $0x3  }
0x92: {  	_ =	strace s18  }
0x93: {  	s3 =	sld [smem:$0x3FFC];
	_ =	sdelay $0x3  }
0x94: {  	_ =	strace s3  }
0x95: {  	s3 =	sld [smem:$0x3FFD];
	_ =	sdelay $0x3  }
0x96: {  	_ =	strace s3  }
0x97: {  	_ =	strace $0x8FFFFFFF  }
0x98: {  	s19 =	sld [smem:$0x3FDB];
	_ =	sdelay $0x1  }
0x99: {  	s4 =	simm.s32 $_scs_section_size  }
0x9a: {  	s5 =	simm.s32 $_size__tile_overlayer_lowered;
	s6 =	simm.s32 $_tile_overlayer_lowered  }
0x9b: {  	s22 =	simm.s32 $0x1BFF;
	s21 =	sshll.u32 s6, $0x1;
	s3 =	sadd.s32 s4, s19  }
0x9c: {  	s7 =	simm.s32 $0x0;
	s20 =	sshll.u32 s5, $0x1;
	s5 =	sadd.s32 s21, s3  }
0x9d: {  	[timem:s7], [sflag:s22] =	dma.local [hbm:s5], s20  }
0x9e: {  	_ =	swait.ge [sflag:s22], s20  }
0x9f: {  	s4 =	ssub.s32 $0x0, s20;
	[sflag:s22] =	ssyncset.done $0x0  }
0xa0: {  	[sflag:s22] =	ssyncadd.s32 s4;
	_ =	sdelay $0x1  }
0xa1: {  	s23 =	simm.s32 $0x1B8B  }
0xa2: {  	_ =	swait.ge [sflag:s23], $0x1  }
0xa3: {  	[sflag:s23] =	ssyncset.done $0x0  }
0xa4: {  	s25 =	simm.s32 $0x1B8E;
	s24 =	sld [smem:$0x3FFE];
	[sflag:s23] =	ssyncadd.s32 $0xFFFFFFFF  }
0xa5: {  	s26 =	simm.s32 $execute0_lowered;
	[smem:$0x3FD2] =	sst s25  }
0xa6: {  	s5 =	sshll.u32 s26, $0x1;
	_ =	strace $0x80000046;
	[dreg:$0x1] =	wrdreg $0xFFFFFFFF  }
0xa7: {  	s28 =	simm.s32 $_size_execute0_lowered;
	s3 =	sadd.s32 s3, s5;
	[dreg:$0x0] =	wrdreg $0x0  }
0xa8: {  	s5 =	sshll.u32 s28, $0x1;
	[dreg:$0x2] =	wrdreg s3  }
0xa9: {  	[dreg:$0x3] =	wrdreg s5  }
0xaa: {  	[dreg:$0x4] =	wrdreg $0xC0  }
0xab: {  	_ =	task [dreg:s7], $0x5FFFF  }
0xac: {  	[dreg:$0x1] =	wrdreg $0xFFFFFFFF  }
0xad: {  	[dreg:$0x0] =	wrdreg $0x60  }
0xae: {  	[dreg:$0x2] =	wrdreg s24  }
0xaf: {  	[dreg:$0x3] =	wrdreg s2  }
0xb0: {  	[dreg:$0x4] =	wrdreg $0x9  }
0xb1: {  	_ =	task.clear_ibuf [dreg:s7], $0x5FFFF;
	_ =	strace $0x90000046  }
0xb2: {  	s29 =	simm.s32 $0x9;
	_ =	strace $0x80000048  }
0xb3: {  	_ =	swait.ge [sflag:s29], $0x1  }
0xb4: {  	[sflag:s29] =	ssyncadd.s32 $0xFFFFFFFF  }
0xb5: {  	_ =	strace $0x90000048  }
0xb6: {  	_ =	sfence  }
0xb7: {  	s30 =	sld [smem:$0x0];
	_ =	sdelay $0x2  }
0xb8: {  	s31 =	sshll.u32 s1, $0xD;
	s1 =	sshrl.u32 s1, $0x2  }
0xb9: {  	s3 =	sand.u32 $0x4000, s31;
	s1 =	sadd.s32 s1, s30  }
0xba: {  	s0 =	sor.u32 s3, s0;
	s1 =	sshll.u32 s1, $0x11  }
0xbb: {  	s0 =	sor.u32 s1, s0  }
0xbc: {  	s0 =	sadd.s32 $0x8F2B, s0  }
0xbd: {  	[sflag:s0] =	ssyncadd.remote.s32 $0x1  }
0xbe: {  	_ =	sfence.sel $0xFFFF  }
0xbf: {  	[dreg:$0x0] =	wrdreg $0xFFFFFFFF;
	(pc) =	sbr.abs _section_cstart, $3  }
0xc0: {  	[dreg:$0x1] =	wrdreg $0xFFFFFFFF  }
0xc1: {  	_ =	task.clear_ibuf [dreg:s7], $0x2FFFF;
	_ =	strace $0x9FFFFFFF  }
0xc2: {  	(tm) =	ssettm $0x7FFFFFFF  }
0xc3: {  	_ =	shalt  }
tec
execute0_lowered:
.L_overlay_start_1:
0x0: {  	(tag) =	ssettag $0x1  }
0x1: {  	s1 =	srdreg.scid;
	s0 =	stileid.u32  }
0x2: {  	s8 =	rddreg [dreg:$0x0];
	s1 =	sand.u32 $0x1, s1;
	s2 =	sshll.u32 s0, $0x1  }
0x3: {  	s3 =	rddreg [dreg:$0x1];
	s4 =	sor.u32 s1, s2;
	s2 =	simm.s32 $0x0  }
0x4: {  	s12 =	simm.s32 $0x1800;
	[smem:$0x7FF] =	sst s2  }
0x5: {  	s13 =	simm.s32 $0x1A00;
	_ =	strace $0x80000047;
	[dreg:$0x11] =	wrdreg s12  }
0x6: {  	s14 =	simm.s32 $0x3C00;
	[dreg:$0x12] =	wrdreg s13  }
0x7: {  	s15 =	simm.s32 $0x280;
	[dreg:$0x13] =	wrdreg s14  }
0x8: {  	s16 =	simm.s32 $0xBC00;
	[dreg:$0x14] =	wrdreg s15  }
0x9: {  	s17 =	simm.s32 $0x1480;
	[dreg:$0x15] =	wrdreg s16  }
0xa: {  	s18 =	simm.s32 $0x1A400;
	[dreg:$0x16] =	wrdreg s17  }
0xb: {  	s19 =	simm.s32 $0x1680;
	[dreg:$0x17] =	wrdreg s18  }
0xc: {  	s20 =	simm.s32 $0x1C400;
	s5 =	sshll.u32 s4, $0x6;
	[dreg:$0x18] =	wrdreg s19  }
0xd: {  	s3 =	sadd.s32 s3, s5;
	[dreg:$0x19] =	wrdreg s20  }
0xe: {  	s12 =	simm.s32 $0x1780;
	[dreg:$0xa] =	wrdreg s3  }
0xf: {  	s13 =	simm.s32 $0x1D400;
	[smem:$0x7C6] =	sst s12  }
0x10: {  	s14 =	simm.s32 $0x480;
	[smem:$0x7C7] =	sst s13  }
0x11: {  	s15 =	simm.s32 $0x12000;
	[smem:$0x7C8] =	sst s14  }
0x12: {  	s16 =	simm.s32 $0xC80;
	[smem:$0x7C9] =	sst s15  }
0x13: {  	s17 =	simm.s32 $0x16000;
	[smem:$0x7CA] =	sst s16  }
0x14: {  	s18 =	simm.s32 $0x500;
	[smem:$0x7CB] =	sst s17  }
0x15: {  	s19 =	simm.s32 $0x12400;
	[smem:$0x7CC] =	sst s18  }
0x16: {  	s6 =	sadd.s32 s5, s8;
	s20 =	simm.s32 $0xD00;
	[smem:$0x7CD] =	sst s19  }
0x17: {  	s7 =	sshll.u32 s4, $0x8;
	s9 =	sadd.s32 $0x53C00, s6;
	[smem:$0x7CE] =	sst s20  }
0x18: {  	s7 =	sadd.s32 s7, s8;
	s21 =	sadd.s32 $0x54400, s6;
	[dreg:$0x3] =	wrdreg s9  }
0x19: {  	s22 =	sadd.s32 $0x54C00, s7;
	[dreg:$0x4] =	wrdreg s21  }
0x1a: {  	s7 =	sadd.s32 $0x56C00, s7;
	[dreg:$0x5] =	wrdreg s22  }
0x1b: {  	s23 =	sadd.s32 $0x58C00, s6;
	[dreg:$0x6] =	wrdreg s7  }
0x1c: {  	s24 =	sadd.s32 $0x59400, s6;
	[dreg:$0x7] =	wrdreg s23  }
0x1d: {  	s26 =	sadd.s32 $0x53400, s6;
	[dreg:$0x8] =	wrdreg s24  }
0x1e: {  	s10 =	sadd.s32 $0xB9C00, s6;
	[dreg:$0x9] =	wrdreg s26  }
0x1f: {  	s11 =	sadd.s32 $0xBA400, s6;
	[dreg:$0xf] =	wrdreg s10  }
0x20: {  	s6 =	simm.s32 $0x7C00;
	[dreg:$0x10] =	wrdreg s11  }
0x21: {  	s12 =	simm.s32 $0x13400;
	[smem:$0x7C1] =	sst s6  }
0x22: {  	s13 =	simm.s32 $0xF00;
	[smem:$0x7DD] =	sst s12  }
0x23: {  	s14 =	simm.s32 $0x17400;
	[smem:$0x7DE] =	sst s13  }
0x24: {  	s15 =	simm.s32 $0x780;
	[smem:$0x7DF] =	sst s14  }
0x25: {  	s16 =	simm.s32 $0x13800;
	[smem:$0x7E0] =	sst s15  }
0x26: {  	s17 =	simm.s32 $0xF80;
	[smem:$0x7E1] =	sst s16  }
0x27: {  	s25 =	sshll.u32 s4, $0xC;
	s18 =	simm.s32 $0x17800;
	[smem:$0x7E2] =	sst s17  }
0x28: {  	s4 =	sshll.u32 s4, $0xB;
	s19 =	simm.s32 $0x800;
	[smem:$0x7E3] =	sst s18  }
0x29: {  	s4 =	sadd.s32 s4, s8;
	s20 =	simm.s32 $0x13C00;
	[smem:$0x7E4] =	sst s19  }
0x2a: {  	s7 =	sadd.s32 $0x79C00, s4;
	[smem:$0x7E5] =	sst s20  }
0x2b: {  	s21 =	simm.s32 $0x100;
	[dreg:$0xd] =	wrdreg s7  }
0x2c: {  	s22 =	simm.s32 $0x5C00;
	[dreg:$0x1a] =	wrdreg s21  }
0x2d: {  	s23 =	simm.s32 $0x300;
	[dreg:$0x1b] =	wrdreg s22  }
0x2e: {  	s24 =	simm.s32 $0xDC00;
	[dreg:$0x1c] =	wrdreg s23  }
0x2f: {  	s9 =	sadd.s32 s25, s8;
	s25 =	simm.s32 $0x1500;
	[dreg:$0x1d] =	wrdreg s24  }
0x30: {  	s26 =	simm.s32 $0x1AC00;
	[dreg:$0x1e] =	wrdreg s25  }
0x31: {  	s10 =	simm.s32 $0x1580;
	[dreg:$0x1f] =	wrdreg s26  }
0x32: {  	s11 =	simm.s32 $0x1B400;
	[smem:$0x7C4] =	sst s10  }
0x33: {  	s6 =	simm.s32 $0x680;
	[smem:$0x7C5] =	sst s11  }
0x34: {  	s12 =	simm.s32 $0x18400;
	[smem:$0x7D8] =	sst s6  }
0x35: {  	s13 =	simm.s32 $0x980;
	[smem:$0x7EF] =	sst s12  }
0x36: {  	s14 =	simm.s32 $0x14800;
	[smem:$0x7F0] =	sst s13  }
0x37: {  	s15 =	simm.s32 $0x1180;
	[smem:$0x7F1] =	sst s14  }
0x38: {  	s16 =	simm.s32 $0x18800;
	[smem:$0x7F2] =	sst s15  }
0x39: {  	s17 =	simm.s32 $0xA00;
	[smem:$0x7F3] =	sst s16  }
0x3a: {  	s18 =	simm.s32 $0x14C00;
	[smem:$0x7F4] =	sst s17  }
0x3b: {  	s19 =	simm.s32 $0x1200;
	[smem:$0x7F5] =	sst s18  }
0x3c: {  	s20 =	simm.s32 $0x18C00;
	[smem:$0x7F6] =	sst s19  }
0x3d: {  	s0 =	sadd.s32 $0x59C00, s9;
	[smem:$0x7F7] =	sst s20  }
0x3e: {  	s5 =	sadd.s32 $0x89C00, s9;
	[dreg:$0xb] =	wrdreg s0  }
0x3f: {  	s9 =	sadd.s32 $0xA9C00, s4;
	[dreg:$0xc] =	wrdreg s5  }
0x40: {  	s4 =	simm.s32 $0x1CC00;
	[dreg:$0xe] =	wrdreg s9  }
0x41: {  	s7 =	simm.s32 $0x380;
	[smem:$0x7BF] =	sst s4  }
0x42: {  	s21 =	simm.s32 $0x16400;
	[smem:$0x7C2] =	sst s7  }
0x43: {  	s22 =	simm.s32 $0x580;
	[smem:$0x7CF] =	sst s21  }
0x44: {  	s23 =	simm.s32 $0x12800;
	[smem:$0x7D0] =	sst s22  }
0x45: {  	s24 =	simm.s32 $0xD80;
	[smem:$0x7D1] =	sst s23  }
0x46: {  	s28 =	simm.s32 $0x1380;
	s25 =	simm.s32 $0x16800;
	[smem:$0x7D2] =	sst s24  }
0x47: {  	s29 =	simm.s32 $0x19800;
	s26 =	simm.s32 $0x600;
	[smem:$0x7D3] =	sst s25  }
0x48: {  	s30 =	simm.s32 $0x1;
	s10 =	simm.s32 $0x17000;
	[smem:$0x7D4] =	sst s26  }
0x49: {  	s31 =	simm.s32 $0x1DC00;
	s11 =	simm.s32 $0x700;
	[smem:$0x7DB] =	sst s10  }
0x4a: {  	s1 =	ssub.s32 $0x2, s1;
	s0 =	simm.s32 $0x1700;
	[smem:$0x7DC] =	sst s11  }
0x4b: {  	s3 =	sadd.s32 $0xF44A00, s8;
	s5 =	simm.s32 $0x180;
	[smem:$0x7BE] =	sst s0  }
0x4c: {  	s6 =	sadd.s32 $0x20E00, s8;
	s9 =	simm.s32 $0xFC00;
	[smem:$0x7C0] =	sst s5  }
0x4d: {  	s12 =	simm.s32 $0x400;
	s4 =	simm.s32 $0xE00;
	[smem:$0x7C3] =	sst s9  }
0x4e: {  	s13 =	simm.s32 $0xC00;
	s7 =	simm.s32 $0x13000;
	[smem:$0x7D6] =	sst s4  }
0x4f: {  	s14 =	simm.s32 $0x1400;
	s21 =	simm.s32 $0x1000;
	[smem:$0x7D9] =	sst s7  }
0x50: {  	s15 =	simm.s32 $0x1600;
	s22 =	simm.s32 $0x17C00;
	[smem:$0x7E6] =	sst s21  }
0x51: {  	s16 =	simm.s32 $0x80;
	s23 =	simm.s32 $0x880;
	[smem:$0x7E7] =	sst s22  }
0x52: {  	s17 =	simm.s32 $0x1C00;
	s24 =	simm.s32 $0x14000;
	[smem:$0x7E8] =	sst s23  }
0x53: {  	s18 =	simm.s32 $0x9C00;
	s25 =	simm.s32 $0x1080;
	[smem:$0x7E9] =	sst s24  }
0x54: {  	v0 =	vlaneseq.u32;
	s19 =	simm.s32 $0x19C00;
	s26 =	simm.s32 $0x18000;
	[smem:$0x7EA] =	sst s25  }
0x55: {  	v0 =	vmul.u32 $0x10, v0;
	s20 =	simm.s32 $0x1BC00;
	s10 =	simm.s32 $0x14400;
	[smem:$0x7EB] =	sst s26  }
0x56: {  	s11 =	simm.s32 $0x1100;
	s0 =	simm.s32 $0x12C00;
	[smem:$0x7ED] =	sst s10  }
0x57: {  	v1 =	vor.u32 $0x100, v0;
	v2 =	vor.u32 $0x200, v0;
	s5 =	simm.s32 $0x16C00;
	s9 =	simm.s32 $0xE80;
	[smem:$0x7EE] =	sst s11  }
0x58: {  	v3 =	vor.u32 $0x300, v0;
	v4 =	vor.u32 $0x400, v0;
	s4 =	sadd.s32 $0x16E5E00, s8;
	s7 =	sadd.s32 $0x3F800, s8;
	[smem:$0x7D5] =	sst s0  }
0x59: {  	v5 =	vor.u32 $0x500, v0;
	v6 =	vor.u32 $0x600, v0;
	v7 =	vor.u32 $0x700, v0;
	s10 =	sshrl.u32 s1, $0x1;
	s11 =	simm.s32 $0x200;
	[smem:$0x7D7] =	sst s5  }
0x5a: {  	v8 =	vor.u32 $0x800, v0;
	v9 =	vor.u32 $0x900, v0;
	v10 =	vor.u32 $0xA00, v0;
	s21 =	simm.s32 $0xA80;
	s22 =	simm.s32 $0x15000;
	[smem:$0x7DA] =	sst s9  }
0x5b: {  	v11 =	vor.u32 $0xB00, v0;
	v12 =	vor.u32 $0xC00, v0;
	v13 =	vor.u32 $0xD00, v0;
	s23 =	simm.s32 $0x1280;
	s24 =	simm.s32 $0x19000;
	[smem:$0x7F8] =	sst s21  }
0x5c: {  	v14 =	vor.u32 $0xE00, v0;
	v15 =	vor.u32 $0xF00, v0;
	v16 =	vor.u32 $0x1000, v0;
	s25 =	simm.s32 $0xB00;
	s26 =	simm.s32 $0x15400;
	[smem:$0x7F9] =	sst s22  }
0x5d: {  	v17 =	vor.u32 $0x1100, v0;
	v18 =	vor.u32 $0x1200, v0;
	v19 =	vor.u32 $0x1300, v0;
	s5 =	sadd.s32 $0x2400, s8;
	s0 =	simm.s32 $0x900;
	[smem:$0x7FA] =	sst s23  }
0x5e: {  	v20 =	vor.u32 $0x1400, v0;
	v21 =	vor.u32 $0x1500, v0;
	v22 =	vor.u32 $0x1600, v0;
	s8 =	sadd.s32 $0x49600, s8;
	s1 =	ssub.s32 s1, s10;
	[smem:$0x7FB] =	sst s24  }
0x5f: {  	v23 =	vor.u32 $0x1700, v0;
	v24 =	vor.u32 $0x1800, v0;
	v25 =	vor.u32 $0x1900, v0;
	s10 =	simm.s32 $0x2;
	[smem:$0x7FC] =	sst s25;
	s21 =	simm.s32 $0x11C00  }
0x60: {  	v26 =	vor.u32 $0x1A00, v0;
	v27 =	vor.u32 $0x1B00, v0;
	v28 =	vor.u32 $0x1C00, v0;
	s22 =	simm.s32 $0x15C00;
	[smem:$0x7FD] =	sst s26;
	s26 =	simm.s32 $0x15800  }
0x61: {  	v29 =	vor.u32 $0x1D00, v0;
	v30 =	vor.u32 $0x1E00, v0;
	v31 =	vor.u32 $0x1F00, v0;
	[smem:$0x7EC] =	sst s0;
	s9 =	smax.u32 s1, $0x1;
	s1 =	simm.s32 $0x1DE00  }
.LBB2_1:
0x62: {  	s0 =	rddreg [dreg:$0x3]  }
0x63: {  	[tilespmem:s2], [sflag:$0x2] =	stream.linear.gather [hbm4b:s0+s2], $0x200, $0x38;
	[tilespmem:$0x1E000] =	vst v63  }
0x64: {  	_ =	swait.ge [sflag:s10], $0x200  }
0x65: {  	[sflag:s10] =	ssyncset.done $0x0  }
0x66: {  	s23 =	rddreg [dreg:$0x4];
	[sflag:s10] =	ssyncadd.s32 $0xFFFFFE00  }
0x67: {  	[tilespmem:s11], [sflag:$0x2] =	stream.linear.gather [hbm4b:s23+s2], $0x200, $0x38;
	[tilespmem:$0x1E000] =	vst v63  }
0x68: {  	_ =	swait.ge [sflag:s10], $0x200  }
0x69: {  	[sflag:s10] =	ssyncset.done $0x0  }
0x6a: {  	s24 =	rddreg [dreg:$0x5];
	[sflag:s10] =	ssyncadd.s32 $0xFFFFFE00  }
0x6b: {  	[tilespmem:s12], [sflag:$0x2] =	stream.linear.gather [hbm4b:s24+s2], $0x800, $0x38;
	[tilespmem:$0x1E000] =	vst v63  }
0x6c: {  	_ =	swait.ge [sflag:s10], $0x800  }
0x6d: {  	[sflag:s10] =	ssyncset.done $0x0  }
0x6e: {  	s25 =	rddreg [dreg:$0x6];
	[sflag:s10] =	ssyncadd.s32 $0xFFFFF800  }
0x6f: {  	[tilespmem:s13], [sflag:$0x2] =	stream.linear.gather [hbm4b:s25+s2], $0x800, $0x38;
	[tilespmem:$0x1E000] =	vst v63  }
0x70: {  	_ =	swait.ge [sflag:s10], $0x800  }
0x71: {  	[sflag:s10] =	ssyncset.done $0x0  }
0x72: {  	s23 =	rddreg [dreg:$0x7];
	[sflag:s10] =	ssyncadd.s32 $0xFFFFF800  }
0x73: {  	[tilespmem:s14], [sflag:$0x2] =	stream.linear.gather [hbm4b:s23+s2], $0x200, $0x38;
	[tilespmem:$0x1E000] =	vst v63  }
0x74: {  	_ =	swait.ge [sflag:s10], $0x200  }
0x75: {  	[sflag:s10] =	ssyncset.done $0x0  }
0x76: {  	s24 =	rddreg [dreg:$0x8];
	[sflag:s10] =	ssyncadd.s32 $0xFFFFFE00  }
0x77: {  	[tilespmem:s15], [sflag:$0x2] =	stream.linear.gather [hbm4b:s24+s2], $0x200, $0x38;
	[tilespmem:$0x1E000] =	vst v63  }
0x78: {  	_ =	swait.ge [sflag:s10], $0x200  }
0x79: {  	s25 =	rddreg [dreg:$0x9];
	[sflag:s10] =	ssyncset.done $0x0  }
0x7a: {  	s23 =	rddreg [dreg:$0x11];
	[sflag:s10] =	ssyncadd.s32 $0xFFFFFE00  }
0x7b: {  	[tilespmem:s23], [sflag:$0x2] =	stream.linear.gather [hbm4b:s25+s2], $0x200, $0x38;
	[tilespmem:$0x1E000] =	vst v63  }
0x7c: {  	_ =	swait.ge [sflag:s10], $0x200  }
0x7d: {  	s24 =	rddreg [dreg:$0xa];
	[sflag:s10] =	ssyncset.done $0x0  }
0x7e: {  	s25 =	rddreg [dreg:$0x12];
	[sflag:s10] =	ssyncadd.s32 $0xFFFFFE00  }
0x7f: {  	[tilespmem:s25], [sflag:$0x2] =	stream.linear.gather [hbm4b:s24+s2], $0x200, $0x38;
	[tilespmem:$0x1E000] =	vst v63  }
0x80: {  	_ =	swait.ge [sflag:s10], $0x200  }
0x81: {  	[sflag:s10] =	ssyncset.done $0x0  }
0x82: {  	[sflag:s10] =	ssyncadd.s32 $0xFFFFFE00  }
0x83: {  	[tilespmem:s17], [sflag:$0x1] =	stream.indirect.gather [hbm4b:s3+s16], $0x40, s2, s16, $0xb8;
	[tilespmem:$0x1E000] =	vst v63  }
0x84: {  	s23 =	rddreg [dreg:$0x13]  }
0x85: {  	[tilespmem:s18], [sflag:$0x1] =	stream.indirect.gather [hbm4b:s4+s16], $0x40, s11, s16, $0xb8;
	[tilespmem:$0x1E000] =	vst v63  }
0x86: {  	s25 =	rddreg [dreg:$0x14]  }
0x87: {  	[tilespmem:s19], [sflag:$0x1] =	stream.indirect.gather [hbm4b:s5+s16], $0x10, s14, s16, $0xb8;
	[tilespmem:$0x1E000] =	vst v63  }
0x88: {  	s24 =	rddreg [dreg:$0x15]  }
0x89: {  	[tilespmem:s20], [sflag:$0x1] =	stream.indirect.gather [hbm4b:s6+s16], $0x10, s15, s16, $0xb8;
	[tilespmem:$0x1E000] =	vst v63  }
0x8a: {  	s0 =	rddreg [dreg:$0x16]  }
0x8b: {  	[tilespmem:s23], [sflag:$0x1] =	stream.indirect.gather [hbm4b:s3+s16], $0x40, s16, s16, $0xb8;
	[tilespmem:$0x1E000] =	vst v63  }
0x8c: {  	s23 =	rddreg [dreg:$0x17]  }
0x8d: {  	[tilespmem:s24], [sflag:$0x1] =	stream.indirect.gather [hbm4b:s4+s16], $0x40, s25, s16, $0xb8;
	[tilespmem:$0x1E000] =	vst v63  }
0x8e: {  	s24 =	rddreg [dreg:$0x18]  }
0x8f: {  	s25 =	rddreg [dreg:$0x19]  }
0x90: {  	[tilespmem:s23], [sflag:$0x1] =	stream.indirect.gather [hbm4b:s5+s16], $0x10, s0, s16, $0xb8;
	[tilespmem:$0x1E000] =	vst v63  }
0x91: {  	s0 =	rddreg [dreg:$0x1a]  }
0x92: {  	s23 =	rddreg [dreg:$0x1b]  }
0x93: {  	[tilespmem:s25], [sflag:$0x1] =	stream.indirect.gather [hbm4b:s6+s16], $0x10, s24, s16, $0xb8;
	[tilespmem:$0x1E000] =	vst v63  }
0x94: {  	s24 =	rddreg [dreg:$0x1c]  }
0x95: {  	s25 =	rddreg [dreg:$0x1d]  }
0x96: {  	[tilespmem:s23], [sflag:$0x1] =	stream.indirect.gather [hbm4b:s3+s16], $0x40, s0, s16, $0xb8;
	[tilespmem:$0x1E000] =	vst v63  }
0x97: {  	s0 =	rddreg [dreg:$0x1e]  }
0x98: {  	s23 =	rddreg [dreg:$0x1f]  }
0x99: {  	[tilespmem:s25], [sflag:$0x1] =	stream.indirect.gather [hbm4b:s4+s16], $0x40, s24, s16, $0xb8;
	[tilespmem:$0x1E000] =	vst v63  }
0x9a: {  	s24 =	sld [smem:$0x7BE]  }
0x9b: {  	s25 =	sld [smem:$0x7BF]  }
0x9c: {  	[tilespmem:s23], [sflag:$0x1] =	stream.indirect.gather [hbm4b:s5+s16], $0x10, s0, s16, $0xb8;
	[tilespmem:$0x1E000] =	vst v63  }
0x9d: {  	s0 =	sld [smem:$0x7C0]  }
0x9e: {  	s23 =	sld [smem:$0x7C1]  }
0x9f: {  	[tilespmem:s25], [sflag:$0x1] =	stream.indirect.gather [hbm4b:s6+s16], $0x10, s24, s16, $0xb8;
	[tilespmem:$0x1E000] =	vst v63  }
0xa0: {  	s24 =	sld [smem:$0x7C2]  }
0xa1: {  	s25 =	sld [smem:$0x7C3]  }
0xa2: {  	[tilespmem:s23], [sflag:$0x1] =	stream.indirect.gather [hbm4b:s3+s16], $0x40, s0, s16, $0xb8;
	[tilespmem:$0x1E000] =	vst v63  }
0xa3: {  	s0 =	sld [smem:$0x7C4]  }
0xa4: {  	s23 =	sld [smem:$0x7C5]  }
0xa5: {  	[tilespmem:s25], [sflag:$0x1] =	stream.indirect.gather [hbm4b:s4+s16], $0x40, s24, s16, $0xb8;
	[tilespmem:$0x1E000] =	vst v63  }
0xa6: {  	s24 =	sld [smem:$0x7C6]  }
0xa7: {  	s25 =	sld [smem:$0x7C7]  }
0xa8: {  	[tilespmem:s23], [sflag:$0x1] =	stream.indirect.gather [hbm4b:s5+s16], $0x10, s0, s16, $0xb8;
	[tilespmem:$0x1E000] =	vst v63  }
0xa9: {  	s0 =	sld [smem:$0x7CA]  }
0xaa: {  	[tilespmem:s25], [sflag:$0x1] =	stream.indirect.gather [hbm4b:s6+s16], $0x10, s24, s16, $0xb8;
	[tilespmem:$0x1E000] =	vst v63  }
0xab: {  	s24 =	sld [smem:$0x7C8]  }
0xac: {  	[tilespmem:s21], [sflag:$0x1] =	stream.indirect.gather [hbm4b:s7+s16], $0x8, s12, s16, $0xb8;
	[tilespmem:$0x1E000] =	vst v63  }
0xad: {  	s25 =	sld [smem:$0x7C9]  }
0xae: {  	[tilespmem:s22], [sflag:$0x1] =	stream.indirect.gather [hbm4b:s8+s16], $0x8, s13, s16, $0xb8;
	[tilespmem:$0x1E000] =	vst v63  }
0xaf: {  	s23 =	sld [smem:$0x7CB]  }
0xb0: {  	[tilespmem:s25], [sflag:$0x1] =	stream.indirect.gather [hbm4b:s7+s16], $0x8, s24, s16, $0xb8;
	[tilespmem:$0x1E000] =	vst v63  }
0xb1: {  	s24 =	sld [smem:$0x7CC]  }
0xb2: {  	s25 =	sld [smem:$0x7CD]  }
0xb3: {  	[tilespmem:s23], [sflag:$0x1] =	stream.indirect.gather [hbm4b:s8+s16], $0x8, s0, s16, $0xb8;
	[tilespmem:$0x1E000] =	vst v63  }
0xb4: {  	s0 =	sld [smem:$0x7CE]  }
0xb5: {  	s23 =	sld [smem:$0x7CF]  }
0xb6: {  	[tilespmem:s25], [sflag:$0x1] =	stream.indirect.gather [hbm4b:s7+s16], $0x8, s24, s16, $0xb8;
	[tilespmem:$0x1E000] =	vst v63  }
0xb7: {  	s24 =	sld [smem:$0x7D0]  }
0xb8: {  	s25 =	sld [smem:$0x7D1]  }
0xb9: {  	[tilespmem:s23], [sflag:$0x1] =	stream.indirect.gather [hbm4b:s8+s16], $0x8, s0, s16, $0xb8;
	[tilespmem:$0x1E000] =	vst v63  }
0xba: {  	s0 =	sld [smem:$0x7D2]  }
0xbb: {  	s23 =	sld [smem:$0x7D3]  }
0xbc: {  	[tilespmem:s25], [sflag:$0x1] =	stream.indirect.gather [hbm4b:s7+s16], $0x8, s24, s16, $0xb8;
	[tilespmem:$0x1E000] =	vst v63  }
0xbd: {  	s24 =	sld [smem:$0x7D4]  }
0xbe: {  	s25 =	sld [smem:$0x7D5]  }
0xbf: {  	[tilespmem:s23], [sflag:$0x1] =	stream.indirect.gather [hbm4b:s8+s16], $0x8, s0, s16, $0xb8;
	[tilespmem:$0x1E000] =	vst v63  }
0xc0: {  	s0 =	sld [smem:$0x7D6]  }
0xc1: {  	s23 =	sld [smem:$0x7D7]  }
0xc2: {  	[tilespmem:s25], [sflag:$0x1] =	stream.indirect.gather [hbm4b:s7+s16], $0x8, s24, s16, $0xb8;
	[tilespmem:$0x1E000] =	vst v63  }
0xc3: {  	s24 =	sld [smem:$0x7D8]  }
0xc4: {  	s25 =	sld [smem:$0x7D9]  }
0xc5: {  	[tilespmem:s23], [sflag:$0x1] =	stream.indirect.gather [hbm4b:s8+s16], $0x8, s0, s16, $0xb8;
	[tilespmem:$0x1E000] =	vst v63  }
0xc6: {  	s0 =	sld [smem:$0x7DA]  }
0xc7: {  	s23 =	sld [smem:$0x7DB]  }
0xc8: {  	[tilespmem:s25], [sflag:$0x1] =	stream.indirect.gather [hbm4b:s7+s16], $0x8, s24, s16, $0xb8;
	[tilespmem:$0x1E000] =	vst v63  }
0xc9: {  	s24 =	sld [smem:$0x7DC]  }
0xca: {  	s25 =	sld [smem:$0x7DD]  }
0xcb: {  	[tilespmem:s23], [sflag:$0x1] =	stream.indirect.gather [hbm4b:s8+s16], $0x8, s0, s16, $0xb8;
	[tilespmem:$0x1E000] =	vst v63  }
0xcc: {  	s0 =	sld [smem:$0x7DE]  }
0xcd: {  	s23 =	sld [smem:$0x7DF]  }
0xce: {  	[tilespmem:s25], [sflag:$0x1] =	stream.indirect.gather [hbm4b:s7+s16], $0x8, s24, s16, $0xb8;
	[tilespmem:$0x1E000] =	vst v63  }
0xcf: {  	s24 =	sld [smem:$0x7E0]  }
0xd0: {  	s25 =	sld [smem:$0x7E1]  }
0xd1: {  	[tilespmem:s23], [sflag:$0x1] =	stream.indirect.gather [hbm4b:s8+s16], $0x8, s0, s16, $0xb8;
	[tilespmem:$0x1E000] =	vst v63  }
0xd2: {  	s0 =	sld [smem:$0x7E2]  }
0xd3: {  	s23 =	sld [smem:$0x7E3]  }
0xd4: {  	[tilespmem:s25], [sflag:$0x1] =	stream.indirect.gather [hbm4b:s7+s16], $0x8, s24, s16, $0xb8;
	[tilespmem:$0x1E000] =	vst v63  }
0xd5: {  	s24 =	sld [smem:$0x7E4]  }
0xd6: {  	s25 =	sld [smem:$0x7E5]  }
0xd7: {  	[tilespmem:s23], [sflag:$0x1] =	stream.indirect.gather [hbm4b:s8+s16], $0x8, s0, s16, $0xb8;
	[tilespmem:$0x1E000] =	vst v63  }
0xd8: {  	s0 =	sld [smem:$0x7E6]  }
0xd9: {  	s23 =	sld [smem:$0x7E7]  }
0xda: {  	[tilespmem:s25], [sflag:$0x1] =	stream.indirect.gather [hbm4b:s7+s16], $0x8, s24, s16, $0xb8;
	[tilespmem:$0x1E000] =	vst v63  }
0xdb: {  	s24 =	sld [smem:$0x7E8]  }
0xdc: {  	s25 =	sld [smem:$0x7E9]  }
0xdd: {  	[tilespmem:s23], [sflag:$0x1] =	stream.indirect.gather [hbm4b:s8+s16], $0x8, s0, s16, $0xb8;
	[tilespmem:$0x1E000] =	vst v63  }
0xde: {  	s0 =	sld [smem:$0x7EA]  }
0xdf: {  	s23 =	sld [smem:$0x7EB]  }
0xe0: {  	[tilespmem:s25], [sflag:$0x1] =	stream.indirect.gather [hbm4b:s7+s16], $0x8, s24, s16, $0xb8;
	[tilespmem:$0x1E000] =	vst v63  }
0xe1: {  	s24 =	sld [smem:$0x7EC]  }
0xe2: {  	s25 =	sld [smem:$0x7ED]  }
0xe3: {  	[tilespmem:s23], [sflag:$0x1] =	stream.indirect.gather [hbm4b:s8+s16], $0x8, s0, s16, $0xb8;
	[tilespmem:$0x1E000] =	vst v63  }
0xe4: {  	s0 =	sld [smem:$0x7EE]  }
0xe5: {  	s23 =	sld [smem:$0x7EF]  }
0xe6: {  	[tilespmem:s25], [sflag:$0x1] =	stream.indirect.gather [hbm4b:s7+s16], $0x8, s24, s16, $0xb8;
	[tilespmem:$0x1E000] =	vst v63  }
0xe7: {  	s24 =	sld [smem:$0x7F0]  }
0xe8: {  	s25 =	sld [smem:$0x7F1]  }
0xe9: {  	[tilespmem:s23], [sflag:$0x1] =	stream.indirect.gather [hbm4b:s8+s16], $0x8, s0, s16, $0xb8;
	[tilespmem:$0x1E000] =	vst v63  }
0xea: {  	s0 =	sld [smem:$0x7F2]  }
0xeb: {  	s23 =	sld [smem:$0x7F3]  }
0xec: {  	[tilespmem:s25], [sflag:$0x1] =	stream.indirect.gather [hbm4b:s7+s16], $0x8, s24, s16, $0xb8;
	[tilespmem:$0x1E000] =	vst v63  }
0xed: {  	s24 =	sld [smem:$0x7F4]  }
0xee: {  	s25 =	sld [smem:$0x7F5]  }
0xef: {  	[tilespmem:s23], [sflag:$0x1] =	stream.indirect.gather [hbm4b:s8+s16], $0x8, s0, s16, $0xb8;
	[tilespmem:$0x1E000] =	vst v63  }
0xf0: {  	s0 =	sld [smem:$0x7F6]  }
0xf1: {  	s23 =	sld [smem:$0x7F7]  }
0xf2: {  	[tilespmem:s25], [sflag:$0x1] =	stream.indirect.gather [hbm4b:s7+s16], $0x8, s24, s16, $0xb8;
	[tilespmem:$0x1E000] =	vst v63  }
0xf3: {  	s24 =	sld [smem:$0x7F8]  }
0xf4: {  	s25 =	sld [smem:$0x7F9]  }
0xf5: {  	[tilespmem:s23], [sflag:$0x1] =	stream.indirect.gather [hbm4b:s8+s16], $0x8, s0, s16, $0xb8;
	[tilespmem:$0x1E000] =	vst v63  }
0xf6: {  	s0 =	sld [smem:$0x7FA]  }
0xf7: {  	s23 =	sld [smem:$0x7FB]  }
0xf8: {  	[tilespmem:s25], [sflag:$0x1] =	stream.indirect.gather [hbm4b:s7+s16], $0x8, s24, s16, $0xb8;
	[tilespmem:$0x1E000] =	vst v63  }
0xf9: {  	s24 =	sld [smem:$0x7FC]  }
0xfa: {  	s25 =	sld [smem:$0x7FD]  }
0xfb: {  	[tilespmem:s23], [sflag:$0x1] =	stream.indirect.gather [hbm4b:s8+s16], $0x8, s0, s16, $0xb8;
	[tilespmem:$0x1E000] =	vst v63  }
0xfc: {  	_ = 	snop  }
0xfd: {  	[tilespmem:s25], [sflag:$0x1] =	stream.indirect.gather [hbm4b:s7+s16], $0x8, s24, s16, $0xb8;
	[tilespmem:$0x1E000] =	vst v63  }
0xfe: {  	s23 =	simm.s32 $0x1300;
	s24 =	simm.s32 $0x19400  }
0xff: {  	[tilespmem:s24], [sflag:$0x1] =	stream.indirect.gather [hbm4b:s8+s16], $0x8, s23, s16, $0xb8;
	[tilespmem:$0x1E000] =	vst v63  }
0x100: {  	s25 =	simm.s32 $0xB80  }
0x101: {  	[tilespmem:s26], [sflag:$0x1] =	stream.indirect.gather [hbm4b:s7+s16], $0x8, s25, s16, $0xb8;
	[tilespmem:$0x1E000] =	vst v63  }
0x102: {  	_ = 	snop  }
0x103: {  	[tilespmem:s29], [sflag:$0x1] =	stream.indirect.gather [hbm4b:s8+s16], $0x8, s28, s16, $0xb8;
	[tilespmem:$0x1E000] =	vst v63  }
0x104: {  	_ =	swait.ge [sflag:s30], $0x2000  }
0x105: {  	[sflag:s30] =	ssyncset.done $0x0  }
0x106: {  	[sflag:s30] =	ssyncadd.s32 $0xFFFFE000  }
0x107: {  	_ =	swait.ge [sflag:s30], $0x2000  }
0x108: {  	[sflag:s30] =	ssyncset.done $0x0  }
0x109: {  	[sflag:s30] =	ssyncadd.s32 $0xFFFFE000  }
0x10a: {  	_ =	swait.ge [sflag:s30], $0x800  }
0x10b: {  	[sflag:s30] =	ssyncset.done $0x0  }
0x10c: {  	[sflag:s30] =	ssyncadd.s32 $0xFFFFF800  }
0x10d: {  	_ =	swait.ge [sflag:s30], $0x800  }
0x10e: {  	[sflag:s30] =	ssyncset.done $0x0  }
0x10f: {  	[sflag:s30] =	ssyncadd.s32 $0xFFFFF800  }
0x110: {  	_ =	swait.ge [sflag:s30], $0x2000  }
0x111: {  	[sflag:s30] =	ssyncset.done $0x0  }
0x112: {  	[sflag:s30] =	ssyncadd.s32 $0xFFFFE000  }
0x113: {  	_ =	swait.ge [sflag:s30], $0x2000  }
0x114: {  	[sflag:s30] =	ssyncset.done $0x0  }
0x115: {  	[sflag:s30] =	ssyncadd.s32 $0xFFFFE000  }
0x116: {  	_ =	swait.ge [sflag:s30], $0x800  }
0x117: {  	[sflag:s30] =	ssyncset.done $0x0  }
0x118: {  	[sflag:s30] =	ssyncadd.s32 $0xFFFFF800  }
0x119: {  	_ =	swait.ge [sflag:s30], $0x800  }
0x11a: {  	[sflag:s30] =	ssyncset.done $0x0  }
0x11b: {  	[sflag:s30] =	ssyncadd.s32 $0xFFFFF800  }
0x11c: {  	_ =	swait.ge [sflag:s30], $0x2000  }
0x11d: {  	[sflag:s30] =	ssyncset.done $0x0  }
0x11e: {  	[sflag:s30] =	ssyncadd.s32 $0xFFFFE000  }
0x11f: {  	_ =	swait.ge [sflag:s30], $0x2000  }
0x120: {  	[sflag:s30] =	ssyncset.done $0x0  }
0x121: {  	[sflag:s30] =	ssyncadd.s32 $0xFFFFE000  }
0x122: {  	_ =	swait.ge [sflag:s30], $0x800  }
0x123: {  	[sflag:s30] =	ssyncset.done $0x0  }
0x124: {  	[sflag:s30] =	ssyncadd.s32 $0xFFFFF800  }
0x125: {  	_ =	swait.ge [sflag:s30], $0x800  }
0x126: {  	[sflag:s30] =	ssyncset.done $0x0  }
0x127: {  	[sflag:s30] =	ssyncadd.s32 $0xFFFFF800  }
0x128: {  	_ =	swait.ge [sflag:s30], $0x2000  }
0x129: {  	[sflag:s30] =	ssyncset.done $0x0  }
0x12a: {  	[sflag:s30] =	ssyncadd.s32 $0xFFFFE000  }
0x12b: {  	_ =	swait.ge [sflag:s30], $0x2000  }
0x12c: {  	[sflag:s30] =	ssyncset.done $0x0  }
0x12d: {  	[sflag:s30] =	ssyncadd.s32 $0xFFFFE000  }
0x12e: {  	_ =	swait.ge [sflag:s30], $0x800  }
0x12f: {  	[sflag:s30] =	ssyncset.done $0x0  }
0x130: {  	[sflag:s30] =	ssyncadd.s32 $0xFFFFF800  }
0x131: {  	_ =	swait.ge [sflag:s30], $0x800  }
0x132: {  	[sflag:s30] =	ssyncset.done $0x0  }
0x133: {  	[sflag:s30] =	ssyncadd.s32 $0xFFFFF800  }
0x134: {  	_ =	swait.ge [sflag:s30], $0x400  }
0x135: {  	[sflag:s30] =	ssyncset.done $0x0  }
0x136: {  	[sflag:s30] =	ssyncadd.s32 $0xFFFFFC00  }
0x137: {  	_ =	swait.ge [sflag:s30], $0x400  }
0x138: {  	[sflag:s30] =	ssyncset.done $0x0  }
0x139: {  	[sflag:s30] =	ssyncadd.s32 $0xFFFFFC00  }
0x13a: {  	_ =	swait.ge [sflag:s30], $0x400  }
0x13b: {  	[sflag:s30] =	ssyncset.done $0x0  }
0x13c: {  	[sflag:s30] =	ssyncadd.s32 $0xFFFFFC00  }
0x13d: {  	_ =	swait.ge [sflag:s30], $0x400  }
0x13e: {  	[sflag:s30] =	ssyncset.done $0x0  }
0x13f: {  	[sflag:s30] =	ssyncadd.s32 $0xFFFFFC00  }
0x140: {  	_ =	swait.ge [sflag:s30], $0x400  }
0x141: {  	[sflag:s30] =	ssyncset.done $0x0  }
0x142: {  	[sflag:s30] =	ssyncadd.s32 $0xFFFFFC00  }
0x143: {  	_ =	swait.ge [sflag:s30], $0x400  }
0x144: {  	[sflag:s30] =	ssyncset.done $0x0  }
0x145: {  	[sflag:s30] =	ssyncadd.s32 $0xFFFFFC00  }
0x146: {  	_ =	swait.ge [sflag:s30], $0x400  }
0x147: {  	[sflag:s30] =	ssyncset.done $0x0  }
0x148: {  	[sflag:s30] =	ssyncadd.s32 $0xFFFFFC00  }
0x149: {  	_ =	swait.ge [sflag:s30], $0x400  }
0x14a: {  	[sflag:s30] =	ssyncset.done $0x0  }
0x14b: {  	[sflag:s30] =	ssyncadd.s32 $0xFFFFFC00  }
0x14c: {  	_ =	swait.ge [sflag:s30], $0x400  }
0x14d: {  	[sflag:s30] =	ssyncset.done $0x0  }
0x14e: {  	[sflag:s30] =	ssyncadd.s32 $0xFFFFFC00  }
0x14f: {  	_ =	swait.ge [sflag:s30], $0x400  }
0x150: {  	[sflag:s30] =	ssyncset.done $0x0  }
0x151: {  	[sflag:s30] =	ssyncadd.s32 $0xFFFFFC00  }
0x152: {  	_ =	swait.ge [sflag:s30], $0x400  }
0x153: {  	[sflag:s30] =	ssyncset.done $0x0  }
0x154: {  	[sflag:s30] =	ssyncadd.s32 $0xFFFFFC00  }
0x155: {  	_ =	swait.ge [sflag:s30], $0x400  }
0x156: {  	[sflag:s30] =	ssyncset.done $0x0  }
0x157: {  	[sflag:s30] =	ssyncadd.s32 $0xFFFFFC00  }
0x158: {  	_ =	swait.ge [sflag:s30], $0x400  }
0x159: {  	[sflag:s30] =	ssyncset.done $0x0  }
0x15a: {  	[sflag:s30] =	ssyncadd.s32 $0xFFFFFC00  }
0x15b: {  	_ =	swait.ge [sflag:s30], $0x400  }
0x15c: {  	[sflag:s30] =	ssyncset.done $0x0  }
0x15d: {  	[sflag:s30] =	ssyncadd.s32 $0xFFFFFC00  }
0x15e: {  	_ =	swait.ge [sflag:s30], $0x400  }
0x15f: {  	[sflag:s30] =	ssyncset.done $0x0  }
0x160: {  	[sflag:s30] =	ssyncadd.s32 $0xFFFFFC00  }
0x161: {  	_ =	swait.ge [sflag:s30], $0x400  }
0x162: {  	[sflag:s30] =	ssyncset.done $0x0  }
0x163: {  	[sflag:s30] =	ssyncadd.s32 $0xFFFFFC00  }
0x164: {  	_ =	swait.ge [sflag:s30], $0x400  }
0x165: {  	[sflag:s30] =	ssyncset.done $0x0  }
0x166: {  	[sflag:s30] =	ssyncadd.s32 $0xFFFFFC00  }
0x167: {  	_ =	swait.ge [sflag:s30], $0x400  }
0x168: {  	[sflag:s30] =	ssyncset.done $0x0  }
0x169: {  	[sflag:s30] =	ssyncadd.s32 $0xFFFFFC00  }
0x16a: {  	_ =	swait.ge [sflag:s30], $0x400  }
0x16b: {  	[sflag:s30] =	ssyncset.done $0x0  }
0x16c: {  	[sflag:s30] =	ssyncadd.s32 $0xFFFFFC00  }
0x16d: {  	_ =	swait.ge [sflag:s30], $0x400  }
0x16e: {  	[sflag:s30] =	ssyncset.done $0x0  }
0x16f: {  	[sflag:s30] =	ssyncadd.s32 $0xFFFFFC00  }
0x170: {  	_ =	swait.ge [sflag:s30], $0x400  }
0x171: {  	[sflag:s30] =	ssyncset.done $0x0  }
0x172: {  	[sflag:s30] =	ssyncadd.s32 $0xFFFFFC00  }
0x173: {  	_ =	swait.ge [sflag:s30], $0x400  }
0x174: {  	[sflag:s30] =	ssyncset.done $0x0  }
0x175: {  	[sflag:s30] =	ssyncadd.s32 $0xFFFFFC00  }
0x176: {  	_ =	swait.ge [sflag:s30], $0x400  }
0x177: {  	[sflag:s30] =	ssyncset.done $0x0  }
0x178: {  	[sflag:s30] =	ssyncadd.s32 $0xFFFFFC00  }
0x179: {  	_ =	swait.ge [sflag:s30], $0x400  }
0x17a: {  	[sflag:s30] =	ssyncset.done $0x0  }
0x17b: {  	[sflag:s30] =	ssyncadd.s32 $0xFFFFFC00  }
0x17c: {  	_ =	swait.ge [sflag:s30], $0x400  }
0x17d: {  	[sflag:s30] =	ssyncset.done $0x0  }
0x17e: {  	[sflag:s30] =	ssyncadd.s32 $0xFFFFFC00  }
0x17f: {  	_ =	swait.ge [sflag:s30], $0x400  }
0x180: {  	[sflag:s30] =	ssyncset.done $0x0  }
0x181: {  	[sflag:s30] =	ssyncadd.s32 $0xFFFFFC00  }
0x182: {  	_ =	swait.ge [sflag:s30], $0x400  }
0x183: {  	[sflag:s30] =	ssyncset.done $0x0  }
0x184: {  	[sflag:s30] =	ssyncadd.s32 $0xFFFFFC00  }
0x185: {  	_ =	swait.ge [sflag:s30], $0x400  }
0x186: {  	[sflag:s30] =	ssyncset.done $0x0  }
0x187: {  	[sflag:s30] =	ssyncadd.s32 $0xFFFFFC00  }
0x188: {  	_ =	swait.ge [sflag:s30], $0x400  }
0x189: {  	[sflag:s30] =	ssyncset.done $0x0  }
0x18a: {  	[sflag:s30] =	ssyncadd.s32 $0xFFFFFC00  }
0x18b: {  	_ =	swait.ge [sflag:s30], $0x400  }
0x18c: {  	[sflag:s30] =	ssyncset.done $0x0  }
0x18d: {  	[sflag:s30] =	ssyncadd.s32 $0xFFFFFC00  }
0x18e: {  	_ =	swait.ge [sflag:s30], $0x400  }
0x18f: {  	[sflag:s30] =	ssyncset.done $0x0  }
0x190: {  	[sflag:s30] =	ssyncadd.s32 $0xFFFFFC00  }
0x191: {  	_ =	swait.ge [sflag:s30], $0x400  }
0x192: {  	[sflag:s30] =	ssyncset.done $0x0  }
0x193: {  	[sflag:s30] =	ssyncadd.s32 $0xFFFFFC00  }
0x194: {  	v32 =	vld [tilespmem:$0x1800];
	_ =	sdelay $0x4  }
0x195: {  	v32 =	vadd.s32 v0, v32  }
0x196: {  	v33 =	vld [tilespmem:$0x1A00];
	_ =	sdelay $0x3  }
0x197: {  	v32 =	vld.idx.msk [tilespmem:v32+s19+$0x0], $0xffff  }
0x198: {  	v33 =	vadd.s32 v0, v33  }
0x199: {  	v34 =	vld [tilespmem:$0x1810];
	_ =	sdelay $0x2  }
0x19a: {  	[tilespmem:$0x1DC00] =	vst v32  }
0x19b: {  	v32 =	vld.idx.msk [tilespmem:v33+s20+$0x0], $0xffff  }
0x19c: {  	v53 =	vadd.s32 v1, v34  }
0x19d: {  	v54 =	vld [tilespmem:$0x1A10];
	_ =	sdelay $0x2  }
0x19e: {  	[tilespmem:$0x1DE00] =	vst v32  }
0x19f: {  	v32 =	vld.idx.msk [tilespmem:v53+s19+$0x0], $0xffff  }
0x1a0: {  	v55 =	vadd.s32 v1, v54  }
0x1a1: {  	v56 =	vld [tilespmem:$0x1820];
	_ =	sdelay $0x2  }
0x1a2: {  	[tilespmem:$0x1DC10] =	vst v32  }
0x1a3: {  	v32 =	vld.idx.msk [tilespmem:v55+s20+$0x0], $0xffff  }
0x1a4: {  	v57 =	vadd.s32 v2, v56  }
0x1a5: {  	v58 =	vld [tilespmem:$0x1A20];
	_ =	sdelay $0x2  }
0x1a6: {  	[tilespmem:$0x1DE10] =	vst v32  }
0x1a7: {  	v32 =	vld.idx.msk [tilespmem:v57+s19+$0x0], $0xffff  }
0x1a8: {  	v59 =	vadd.s32 v2, v58  }
0x1a9: {  	v60 =	vld [tilespmem:$0x1830];
	_ =	sdelay $0x2  }
0x1aa: {  	[tilespmem:$0x1DC20] =	vst v32  }
0x1ab: {  	v32 =	vld.idx.msk [tilespmem:v59+s20+$0x0], $0xffff  }
0x1ac: {  	v61 =	vadd.s32 v3, v60  }
0x1ad: {  	v62 =	vld [tilespmem:$0x1A30];
	_ =	sdelay $0x2  }
0x1ae: {  	[tilespmem:$0x1DE20] =	vst v32  }
0x1af: {  	v32 =	vld.idx.msk [tilespmem:v61+s19+$0x0], $0xffff  }
0x1b0: {  	v63 =	vadd.s32 v3, v62  }
0x1b1: {  	v36 =	vld [tilespmem:$0x1840];
	_ =	sdelay $0x2  }
0x1b2: {  	[tilespmem:$0x1DC30] =	vst v32  }
0x1b3: {  	v32 =	vld.idx.msk [tilespmem:v63+s20+$0x0], $0xffff  }
0x1b4: {  	v37 =	vadd.s32 v4, v36  }
0x1b5: {  	v38 =	vld [tilespmem:$0x1A40];
	_ =	sdelay $0x2  }
0x1b6: {  	[tilespmem:$0x1DE30] =	vst v32  }
0x1b7: {  	v32 =	vld.idx.msk [tilespmem:v37+s19+$0x0], $0xffff  }
0x1b8: {  	v39 =	vadd.s32 v4, v38  }
0x1b9: {  	v40 =	vld [tilespmem:$0x1850];
	_ =	sdelay $0x2  }
0x1ba: {  	[tilespmem:$0x1DC40] =	vst v32  }
0x1bb: {  	v32 =	vld.idx.msk [tilespmem:v39+s20+$0x0], $0xffff  }
0x1bc: {  	v41 =	vadd.s32 v5, v40  }
0x1bd: {  	v42 =	vld [tilespmem:$0x1A50];
	_ =	sdelay $0x2  }
0x1be: {  	[tilespmem:$0x1DE40] =	vst v32  }
0x1bf: {  	v32 =	vld.idx.msk [tilespmem:v41+s19+$0x0], $0xffff  }
0x1c0: {  	v43 =	vadd.s32 v5, v42  }
0x1c1: {  	v44 =	vld [tilespmem:$0x1860];
	_ =	sdelay $0x2  }
0x1c2: {  	[tilespmem:$0x1DC50] =	vst v32  }
0x1c3: {  	v32 =	vld.idx.msk [tilespmem:v43+s20+$0x0], $0xffff  }
0x1c4: {  	v45 =	vadd.s32 v6, v44  }
0x1c5: {  	v46 =	vld [tilespmem:$0x1A60];
	_ =	sdelay $0x2  }
0x1c6: {  	[tilespmem:$0x1DE50] =	vst v32  }
0x1c7: {  	v32 =	vld.idx.msk [tilespmem:v45+s19+$0x0], $0xffff  }
0x1c8: {  	v47 =	vadd.s32 v6, v46  }
0x1c9: {  	v48 =	vld [tilespmem:$0x1870];
	_ =	sdelay $0x2  }
0x1ca: {  	[tilespmem:$0x1DC60] =	vst v32  }
0x1cb: {  	v32 =	vld.idx.msk [tilespmem:v47+s20+$0x0], $0xffff  }
0x1cc: {  	v49 =	vadd.s32 v7, v48  }
0x1cd: {  	v50 =	vld [tilespmem:$0x1A70];
	_ =	sdelay $0x2  }
0x1ce: {  	[tilespmem:$0x1DE60] =	vst v32  }
0x1cf: {  	v32 =	vld.idx.msk [tilespmem:v49+s19+$0x0], $0xffff  }
0x1d0: {  	v51 =	vadd.s32 v7, v50  }
0x1d1: {  	v52 =	vld [tilespmem:$0x1880];
	_ =	sdelay $0x2  }
0x1d2: {  	[tilespmem:$0x1DC70] =	vst v32  }
0x1d3: {  	v32 =	vld.idx.msk [tilespmem:v51+s20+$0x0], $0xffff  }
0x1d4: {  	v53 =	vadd.s32 v8, v52  }
0x1d5: {  	v54 =	vld [tilespmem:$0x1A80];
	_ =	sdelay $0x2  }
0x1d6: {  	[tilespmem:$0x1DE70] =	vst v32  }
0x1d7: {  	v32 =	vld.idx.msk [tilespmem:v53+s19+$0x0], $0xffff  }
0x1d8: {  	v55 =	vadd.s32 v8, v54  }
0x1d9: {  	v56 =	vld [tilespmem:$0x1890];
	_ =	sdelay $0x2  }
0x1da: {  	[tilespmem:$0x1DC80] =	vst v32  }
0x1db: {  	v32 =	vld.idx.msk [tilespmem:v55+s20+$0x0], $0xffff  }
0x1dc: {  	v57 =	vadd.s32 v9, v56  }
0x1dd: {  	v58 =	vld [tilespmem:$0x1A90];
	_ =	sdelay $0x2  }
0x1de: {  	[tilespmem:$0x1DE80] =	vst v32  }
0x1df: {  	v32 =	vld.idx.msk [tilespmem:v57+s19+$0x0], $0xffff  }
0x1e0: {  	v59 =	vadd.s32 v9, v58  }
0x1e1: {  	v60 =	vld [tilespmem:$0x18A0];
	_ =	sdelay $0x2  }
0x1e2: {  	[tilespmem:$0x1DC90] =	vst v32  }
0x1e3: {  	v32 =	vld.idx.msk [tilespmem:v59+s20+$0x0], $0xffff  }
0x1e4: {  	v61 =	vadd.s32 v10, v60  }
0x1e5: {  	v62 =	vld [tilespmem:$0x1AA0];
	_ =	sdelay $0x2  }
0x1e6: {  	[tilespmem:$0x1DE90] =	vst v32  }
0x1e7: {  	v32 =	vld.idx.msk [tilespmem:v61+s19+$0x0], $0xffff  }
0x1e8: {  	v63 =	vadd.s32 v10, v62  }
0x1e9: {  	v36 =	vld [tilespmem:$0x18B0];
	_ =	sdelay $0x2  }
0x1ea: {  	[tilespmem:$0x1DCA0] =	vst v32  }
0x1eb: {  	v32 =	vld.idx.msk [tilespmem:v63+s20+$0x0], $0xffff  }
0x1ec: {  	v37 =	vadd.s32 v11, v36  }
0x1ed: {  	v38 =	vld [tilespmem:$0x1AB0];
	_ =	sdelay $0x2  }
0x1ee: {  	[tilespmem:$0x1DEA0] =	vst v32  }
0x1ef: {  	v32 =	vld.idx.msk [tilespmem:v37+s19+$0x0], $0xffff  }
0x1f0: {  	v39 =	vadd.s32 v11, v38  }
0x1f1: {  	v40 =	vld [tilespmem:$0x18C0];
	_ =	sdelay $0x2  }
0x1f2: {  	[tilespmem:$0x1DCB0] =	vst v32  }
0x1f3: {  	v32 =	vld.idx.msk [tilespmem:v39+s20+$0x0], $0xffff  }
0x1f4: {  	v41 =	vadd.s32 v12, v40  }
0x1f5: {  	v42 =	vld [tilespmem:$0x1AC0];
	_ =	sdelay $0x2  }
0x1f6: {  	[tilespmem:$0x1DEB0] =	vst v32  }
0x1f7: {  	v32 =	vld.idx.msk [tilespmem:v41+s19+$0x0], $0xffff  }
0x1f8: {  	v43 =	vadd.s32 v12, v42  }
0x1f9: {  	v44 =	vld [tilespmem:$0x18D0];
	_ =	sdelay $0x2  }
0x1fa: {  	[tilespmem:$0x1DCC0] =	vst v32  }
0x1fb: {  	v32 =	vld.idx.msk [tilespmem:v43+s20+$0x0], $0xffff  }
0x1fc: {  	v45 =	vadd.s32 v13, v44  }
0x1fd: {  	v46 =	vld [tilespmem:$0x1AD0];
	_ =	sdelay $0x2  }
0x1fe: {  	[tilespmem:$0x1DEC0] =	vst v32  }
0x1ff: {  	v32 =	vld.idx.msk [tilespmem:v45+s19+$0x0], $0xffff  }
0x200: {  	v47 =	vadd.s32 v13, v46  }
0x201: {  	v48 =	vld [tilespmem:$0x18E0];
	_ =	sdelay $0x2  }
0x202: {  	[tilespmem:$0x1DCD0] =	vst v32  }
0x203: {  	v32 =	vld.idx.msk [tilespmem:v47+s20+$0x0], $0xffff  }
0x204: {  	v49 =	vadd.s32 v14, v48  }
0x205: {  	v50 =	vld [tilespmem:$0x1AE0];
	_ =	sdelay $0x2  }
0x206: {  	[tilespmem:$0x1DED0] =	vst v32  }
0x207: {  	v32 =	vld.idx.msk [tilespmem:v49+s19+$0x0], $0xffff  }
0x208: {  	v51 =	vadd.s32 v14, v50  }
0x209: {  	v52 =	vld [tilespmem:$0x18F0];
	_ =	sdelay $0x2  }
0x20a: {  	[tilespmem:$0x1DCE0] =	vst v32  }
0x20b: {  	v32 =	vld.idx.msk [tilespmem:v51+s20+$0x0], $0xffff  }
0x20c: {  	v53 =	vadd.s32 v15, v52  }
0x20d: {  	v54 =	vld [tilespmem:$0x1AF0];
	_ =	sdelay $0x2  }
0x20e: {  	[tilespmem:$0x1DEE0] =	vst v32  }
0x20f: {  	v32 =	vld.idx.msk [tilespmem:v53+s19+$0x0], $0xffff  }
0x210: {  	v55 =	vadd.s32 v15, v54  }
0x211: {  	v56 =	vld [tilespmem:$0x1900];
	_ =	sdelay $0x2  }
0x212: {  	[tilespmem:$0x1DCF0] =	vst v32  }
0x213: {  	v32 =	vld.idx.msk [tilespmem:v55+s20+$0x0], $0xffff  }
0x214: {  	v57 =	vadd.s32 v16, v56  }
0x215: {  	v58 =	vld [tilespmem:$0x1B00];
	_ =	sdelay $0x2  }
0x216: {  	[tilespmem:$0x1DEF0] =	vst v32  }
0x217: {  	v32 =	vld.idx.msk [tilespmem:v57+s19+$0x0], $0xffff  }
0x218: {  	v59 =	vadd.s32 v16, v58  }
0x219: {  	v60 =	vld [tilespmem:$0x1910];
	_ =	sdelay $0x2  }
0x21a: {  	[tilespmem:$0x1DD00] =	vst v32  }
0x21b: {  	v32 =	vld.idx.msk [tilespmem:v59+s20+$0x0], $0xffff  }
0x21c: {  	v61 =	vadd.s32 v17, v60  }
0x21d: {  	v62 =	vld [tilespmem:$0x1B10];
	_ =	sdelay $0x2  }
0x21e: {  	[tilespmem:$0x1DF00] =	vst v32  }
0x21f: {  	v32 =	vld.idx.msk [tilespmem:v61+s19+$0x0], $0xffff  }
0x220: {  	v63 =	vadd.s32 v17, v62  }
0x221: {  	v36 =	vld [tilespmem:$0x1920];
	_ =	sdelay $0x2  }
0x222: {  	[tilespmem:$0x1DD10] =	vst v32  }
0x223: {  	v32 =	vld.idx.msk [tilespmem:v63+s20+$0x0], $0xffff  }
0x224: {  	v37 =	vadd.s32 v18, v36  }
0x225: {  	v38 =	vld [tilespmem:$0x1B20];
	_ =	sdelay $0x2  }
0x226: {  	[tilespmem:$0x1DF10] =	vst v32  }
0x227: {  	v32 =	vld.idx.msk [tilespmem:v37+s19+$0x0], $0xffff  }
0x228: {  	v39 =	vadd.s32 v18, v38  }
0x229: {  	v40 =	vld [tilespmem:$0x1930];
	_ =	sdelay $0x2  }
0x22a: {  	[tilespmem:$0x1DD20] =	vst v32  }
0x22b: {  	v32 =	vld.idx.msk [tilespmem:v39+s20+$0x0], $0xffff  }
0x22c: {  	v41 =	vadd.s32 v19, v40  }
0x22d: {  	v42 =	vld [tilespmem:$0x1B30];
	_ =	sdelay $0x2  }
0x22e: {  	[tilespmem:$0x1DF20] =	vst v32  }
0x22f: {  	v32 =	vld.idx.msk [tilespmem:v41+s19+$0x0], $0xffff  }
0x230: {  	v43 =	vadd.s32 v19, v42  }
0x231: {  	v44 =	vld [tilespmem:$0x1940];
	_ =	sdelay $0x2  }
0x232: {  	[tilespmem:$0x1DD30] =	vst v32  }
0x233: {  	v32 =	vld.idx.msk [tilespmem:v43+s20+$0x0], $0xffff  }
0x234: {  	v45 =	vadd.s32 v20, v44  }
0x235: {  	v46 =	vld [tilespmem:$0x1B40];
	_ =	sdelay $0x2  }
0x236: {  	[tilespmem:$0x1DF30] =	vst v32  }
0x237: {  	v32 =	vld.idx.msk [tilespmem:v45+s19+$0x0], $0xffff  }
0x238: {  	v47 =	vadd.s32 v20, v46  }
0x239: {  	v48 =	vld [tilespmem:$0x1950];
	_ =	sdelay $0x2  }
0x23a: {  	[tilespmem:$0x1DD40] =	vst v32  }
0x23b: {  	v32 =	vld.idx.msk [tilespmem:v47+s20+$0x0], $0xffff  }
0x23c: {  	v49 =	vadd.s32 v21, v48  }
0x23d: {  	v50 =	vld [tilespmem:$0x1B50];
	_ =	sdelay $0x2  }
0x23e: {  	[tilespmem:$0x1DF40] =	vst v32  }
0x23f: {  	v32 =	vld.idx.msk [tilespmem:v49+s19+$0x0], $0xffff  }
0x240: {  	v51 =	vadd.s32 v21, v50  }
0x241: {  	v52 =	vld [tilespmem:$0x1960];
	_ =	sdelay $0x2  }
0x242: {  	[tilespmem:$0x1DD50] =	vst v32  }
0x243: {  	v32 =	vld.idx.msk [tilespmem:v51+s20+$0x0], $0xffff  }
0x244: {  	v53 =	vadd.s32 v22, v52  }
0x245: {  	v54 =	vld [tilespmem:$0x1B60];
	_ =	sdelay $0x2  }
0x246: {  	[tilespmem:$0x1DF50] =	vst v32  }
0x247: {  	v32 =	vld.idx.msk [tilespmem:v53+s19+$0x0], $0xffff  }
0x248: {  	v55 =	vadd.s32 v22, v54  }
0x249: {  	v56 =	vld [tilespmem:$0x1970];
	_ =	sdelay $0x2  }
0x24a: {  	[tilespmem:$0x1DD60] =	vst v32  }
0x24b: {  	v32 =	vld.idx.msk [tilespmem:v55+s20+$0x0], $0xffff  }
0x24c: {  	v57 =	vadd.s32 v23, v56  }
0x24d: {  	v58 =	vld [tilespmem:$0x1B70];
	_ =	sdelay $0x2  }
0x24e: {  	[tilespmem:$0x1DF60] =	vst v32  }
0x24f: {  	v32 =	vld.idx.msk [tilespmem:v57+s19+$0x0], $0xffff  }
0x250: {  	v59 =	vadd.s32 v23, v58  }
0x251: {  	v60 =	vld [tilespmem:$0x1980];
	_ =	sdelay $0x2  }
0x252: {  	[tilespmem:$0x1DD70] =	vst v32  }
0x253: {  	v32 =	vld.idx.msk [tilespmem:v59+s20+$0x0], $0xffff  }
0x254: {  	v61 =	vadd.s32 v24, v60  }
0x255: {  	v62 =	vld [tilespmem:$0x1B80];
	_ =	sdelay $0x2  }
0x256: {  	[tilespmem:$0x1DF70] =	vst v32  }
0x257: {  	v32 =	vld.idx.msk [tilespmem:v61+s19+$0x0], $0xffff  }
0x258: {  	v63 =	vadd.s32 v24, v62  }
0x259: {  	v36 =	vld [tilespmem:$0x1990];
	_ =	sdelay $0x2  }
0x25a: {  	[tilespmem:$0x1DD80] =	vst v32  }
0x25b: {  	v32 =	vld.idx.msk [tilespmem:v63+s20+$0x0], $0xffff  }
0x25c: {  	v37 =	vadd.s32 v25, v36  }
0x25d: {  	v38 =	vld [tilespmem:$0x1B90];
	_ =	sdelay $0x2  }
0x25e: {  	[tilespmem:$0x1DF80] =	vst v32  }
0x25f: {  	v32 =	vld.idx.msk [tilespmem:v37+s19+$0x0], $0xffff  }
0x260: {  	v39 =	vadd.s32 v25, v38  }
0x261: {  	v40 =	vld [tilespmem:$0x19A0];
	_ =	sdelay $0x2  }
0x262: {  	[tilespmem:$0x1DD90] =	vst v32  }
0x263: {  	v32 =	vld.idx.msk [tilespmem:v39+s20+$0x0], $0xffff  }
0x264: {  	v41 =	vadd.s32 v26, v40  }
0x265: {  	v42 =	vld [tilespmem:$0x1BA0];
	_ =	sdelay $0x2  }
0x266: {  	[tilespmem:$0x1DF90] =	vst v32  }
0x267: {  	v32 =	vld.idx.msk [tilespmem:v41+s19+$0x0], $0xffff  }
0x268: {  	v43 =	vadd.s32 v26, v42  }
0x269: {  	v44 =	vld [tilespmem:$0x19B0];
	_ =	sdelay $0x2  }
0x26a: {  	[tilespmem:$0x1DDA0] =	vst v32  }
0x26b: {  	v32 =	vld.idx.msk [tilespmem:v43+s20+$0x0], $0xffff  }
0x26c: {  	v45 =	vadd.s32 v27, v44  }
0x26d: {  	v46 =	vld [tilespmem:$0x1BB0];
	_ =	sdelay $0x2  }
0x26e: {  	[tilespmem:$0x1DFA0] =	vst v32  }
0x26f: {  	v32 =	vld.idx.msk [tilespmem:v45+s19+$0x0], $0xffff  }
0x270: {  	v47 =	vadd.s32 v27, v46  }
0x271: {  	v48 =	vld [tilespmem:$0x19C0];
	_ =	sdelay $0x2  }
0x272: {  	[tilespmem:$0x1DDB0] =	vst v32  }
0x273: {  	v32 =	vld.idx.msk [tilespmem:v47+s20+$0x0], $0xffff  }
0x274: {  	v49 =	vadd.s32 v28, v48  }
0x275: {  	v50 =	vld [tilespmem:$0x1BC0];
	_ =	sdelay $0x2  }
0x276: {  	[tilespmem:$0x1DFB0] =	vst v32  }
0x277: {  	v32 =	vld.idx.msk [tilespmem:v49+s19+$0x0], $0xffff  }
0x278: {  	v51 =	vadd.s32 v28, v50  }
0x279: {  	v52 =	vld [tilespmem:$0x19D0];
	_ =	sdelay $0x2  }
0x27a: {  	[tilespmem:$0x1DDC0] =	vst v32  }
0x27b: {  	v32 =	vld.idx.msk [tilespmem:v51+s20+$0x0], $0xffff  }
0x27c: {  	v53 =	vadd.s32 v29, v52  }
0x27d: {  	v54 =	vld [tilespmem:$0x1BD0];
	_ =	sdelay $0x2  }
0x27e: {  	[tilespmem:$0x1DFC0] =	vst v32  }
0x27f: {  	v32 =	vld.idx.msk [tilespmem:v53+s19+$0x0], $0xffff  }
0x280: {  	v55 =	vadd.s32 v29, v54  }
0x281: {  	v56 =	vld [tilespmem:$0x19E0];
	_ =	sdelay $0x2  }
0x282: {  	[tilespmem:$0x1DDD0] =	vst v32  }
0x283: {  	v32 =	vld.idx.msk [tilespmem:v55+s20+$0x0], $0xffff  }
0x284: {  	v57 =	vadd.s32 v30, v56  }
0x285: {  	v58 =	vld [tilespmem:$0x1BE0];
	_ =	sdelay $0x2  }
0x286: {  	[tilespmem:$0x1DFD0] =	vst v32  }
0x287: {  	v32 =	vld.idx.msk [tilespmem:v57+s19+$0x0], $0xffff  }
0x288: {  	v59 =	vadd.s32 v30, v58  }
0x289: {  	v60 =	vld [tilespmem:$0x19F0];
	_ =	sdelay $0x2  }
0x28a: {  	[tilespmem:$0x1DDE0] =	vst v32  }
0x28b: {  	v32 =	vld.idx.msk [tilespmem:v59+s20+$0x0], $0xffff  }
0x28c: {  	v61 =	vadd.s32 v31, v60  }
0x28d: {  	v62 =	vld [tilespmem:$0x1BF0];
	_ =	sdelay $0x2  }
0x28e: {  	[tilespmem:$0x1DFE0] =	vst v32  }
0x28f: {  	v32 =	vld.idx.msk [tilespmem:v61+s19+$0x0], $0xffff  }
0x290: {  	v63 =	vadd.s32 v31, v62;
	_ =	sdelay $0x3  }
0x291: {  	[tilespmem:$0x1DDF0] =	vst v32  }
0x292: {  	v32 =	vld.idx.msk [tilespmem:v63+s20+$0x0], $0xffff;
	_ =	sdelay $0x4  }
0x293: {  	s23 =	rddreg [dreg:$0xb];
	[tilespmem:$0x1DFF0] =	vst v32  }
0x294: {  	[hbm4b:s23+s2] =	stream.linear.scatter [tilespmem:s17], [sflag:$0x2], $0x8000, $0x38;
	[tilespmem:$0x1E000] =	vst v63  }
0x295: {  	_ =	swait.ge [sflag:s10], $0x8000  }
0x296: {  	[sflag:s10] =	ssyncset.done $0x0  }
0x297: {  	s24 =	rddreg [dreg:$0xc];
	[sflag:s10] =	ssyncadd.s32 $0xFFFF8000  }
0x298: {  	[hbm4b:s24+s2] =	stream.linear.scatter [tilespmem:s18], [sflag:$0x2], $0x8000, $0x38;
	[tilespmem:$0x1E000] =	vst v63  }
0x299: {  	_ =	swait.ge [sflag:s10], $0x8000  }
0x29a: {  	[sflag:s10] =	ssyncset.done $0x0  }
0x29b: {  	s25 =	rddreg [dreg:$0xd];
	[sflag:s10] =	ssyncadd.s32 $0xFFFF8000  }
0x29c: {  	[hbm4b:s25+s2] =	stream.linear.scatter [tilespmem:s21], [sflag:$0x2], $0x4000, $0x38;
	[tilespmem:$0x1E000] =	vst v63  }
0x29d: {  	_ =	swait.ge [sflag:s10], $0x4000  }
0x29e: {  	[sflag:s10] =	ssyncset.done $0x0  }
0x29f: {  	s23 =	rddreg [dreg:$0xe];
	[sflag:s10] =	ssyncadd.s32 $0xFFFFC000  }
0x2a0: {  	[hbm4b:s23+s2] =	stream.linear.scatter [tilespmem:s22], [sflag:$0x2], $0x4000, $0x38;
	[tilespmem:$0x1E000] =	vst v63  }
0x2a1: {  	_ =	swait.ge [sflag:s10], $0x4000  }
0x2a2: {  	[sflag:s10] =	ssyncset.done $0x0  }
0x2a3: {  	s24 =	rddreg [dreg:$0xf];
	[sflag:s10] =	ssyncadd.s32 $0xFFFFC000  }
0x2a4: {  	[hbm4b:s24+s2] =	stream.linear.scatter [tilespmem:s31], [sflag:$0x2], $0x200, $0x38;
	[tilespmem:$0x1E000] =	vst v63  }
0x2a5: {  	_ =	swait.ge [sflag:s10], $0x200  }
0x2a6: {  	p0 =	sne.s32 s9, $0x1;
	[sflag:s10] =	ssyncset.done $0x0  }
.Ltmp0:
0x2a7: {  	s25 =	rddreg [dreg:$0x10];
	[sflag:s10] =	ssyncadd.s32 $0xFFFFFE00;
	(pc) =	sbr.rel @p0 .LBB2_1-.Ltmp0, $4  }
0x2a8: {  	[hbm4b:s25+s2] =	stream.linear.scatter [tilespmem:s1], [sflag:$0x2], $0x200, $0x38;
	[tilespmem:$0x1E000] =	vst v63  }
0x2a9: {  	_ =	swait.ge [sflag:s10], $0x200  }
0x2aa: {  	[sflag:s10] =	ssyncset.done $0x0  }
0x2ab: {  	s9 =	sadd.s32 $0xFFFFFFFF, s9;
	[sflag:s10] =	ssyncadd.s32 $0xFFFFFE00  }
0x2ac: {  	_ =	sfence.sel $0x180000  }
0x2ad: {  	[bflag:$0x0] =	sbarrier.arrive $0xFFFF  }
0x2ae: {  	_ =	strace $0x90000047  }
0x2af: {  	s0 =	stileid.u32;
	[bflag:$0x2] =	sbarrier.arrive $0xFFFF  }
0x2b0: {  	p0 =	sne.s32 s0, $0x0;
	s0 =	rddreg [dreg:$0x2]  }
0x2b1: {  	s0 =	sadd.s32 @!p0 $0x100000, s0  }
0x2b2: {  	[sflag:s0] =	ssyncadd.tile.s32 @!p0 $0x1;
	_ =	shalt  }
.Lfunc_end2:
_tile_overlayer_lowered:
.L_overlay_start_2:
0x2b3: {  	(tag) =	ssettag $0x2  }
0x2b4: {  	s0 =	rddreg [dreg:$0x0];
	s2 =	stileid.u32  }
0x2b5: {  	s1 =	rddreg [dreg:$0x1];
	p0 =	sne.s32 s2, $0x0  }
0x2b6: {  	s3 =	rddreg [dreg:$0x2];
	[bflag:$0x3] =	sbarrier.arrive $0xFFFF;
	s2 =	simm.s32 @!p0 $0x1C02  }
0x2b7: {  	[timem:s3], [sflag:s2] =	dma.local @!p0 [hbm:s0], s1  }
0x2b8: {  	s0 =	simm.s32 @!p0 $0x2  }
0x2b9: {  	_ =	swait.ge @!p0 [sflag:s0], s1  }
0x2ba: {  	s1 =	ssub.s32 @!p0 $0x0, s1;
	[sflag:s0] =	ssyncset.done @!p0 $0x0  }
0x2bb: {  	[sflag:s0] =	ssyncadd.s32 @!p0 s1  }
0x2bc: {  	[bflag:$0x3] =	sbarrier.arrive $0xFFFF  }
0x2bd: {  	_ =	shalt  }

</sc_bundles>
